<compile_context>
chip_gen: v7x
topology: tpu7x:2x2x1
jax: 0.10.2.dev20260603
libtpu: 0.0.44.dev20260713+nightly
codegen_flags: <defaults>
</compile_context>

<pallas_src>
import functools

import jax
import jax.numpy as jnp
from jax.experimental import pallas as pl
from jax.experimental.pallas import tpu as pltpu

N = 50000
E = 800000
B = 128
D = 64
L = 2
NUM_RELS = 200
AUG = 400
RSF = 32
RELD = 32
RELNUM = 4
D1 = 10


def _rsf_feat(lst, rsf_emb):
    s = jnp.sum(lst, axis=1, keepdims=True)
    return (lst @ rsf_emb) / s


def _tail_kernel(rsf_list_ref, rsf_emb_ref, rsf_rel_sel_ref,
                 conve_rel_emb_ref, fcs_W_ref, fcs_b_ref,
                 g_out_ref, head_embs_ref, tail_embs_ref, rel_emb_sel_ref,
                 fc_W_ref, fc_b_ref,
                 hcp_ref, hcn_ref, tcp_ref, tcn_ref,
                 out_ref, pos_ref, neg_ref):
    rsf_emb = rsf_emb_ref[...]

    head_lst = rsf_list_ref[:, 0, :]
    tail_lst = rsf_list_ref[:, 1, :]
    head_rsf = _rsf_feat(head_lst, rsf_emb)
    tail_rsf = _rsf_feat(tail_lst, rsf_emb)

    rsf_output = jnp.sum(head_rsf * rsf_rel_sel_ref[...] * tail_rsf, axis=1,
                         keepdims=True)

    R = conve_rel_emb_ref[...]
    stacked = jnp.concatenate([head_rsf, tail_rsf], axis=1)
    S = jax.nn.sigmoid(stacked @ R.T)
    R1 = jax.nn.relu(R @ fcs_W_ref[...] + fcs_b_ref[...])
    col = jax.lax.broadcasted_iota(jnp.int32, (B, NUM_RELS), 1)
    Scur = S
    sx_sum = jnp.zeros((B, 1), jnp.float32)
    sg_sum = jnp.zeros((B, RELD), jnp.float32)
    for _ in range(RELNUM):
        m = jnp.max(Scur, axis=1, keepdims=True)
        amax = jnp.argmax(Scur, axis=1)
        sel = (col == amax[:, None])
        oh = sel.astype(jnp.float32)
        sg_sum = sg_sum + (oh @ R1) * m
        sx_sum = sx_sum + m
        Scur = jnp.where(sel, -jnp.inf, Scur)
    potential_rel = sg_sum / sx_sum

    g_rep = jnp.concatenate([
        g_out_ref[...].reshape(B, L * D),
        head_embs_ref[...].reshape(B, L * D),
        tail_embs_ref[...].reshape(B, L * D),
        potential_rel,
        rel_emb_sel_ref[...],
    ], axis=1)
    out_ref[...] = g_rep @ fc_W_ref[...] + fc_b_ref[...] + rsf_output

    hr = jnp.broadcast_to(head_rsf[:, None, :], (B, D1, RSF)).reshape(B * D1, RSF)
    tr = jnp.broadcast_to(tail_rsf[:, None, :], (B, D1, RSF)).reshape(B * D1, RSF)

    def pd(a, b):
        return jnp.sqrt(jnp.sum((a - b + 1e-06) ** 2, axis=1))

    hcp = _rsf_feat(hcp_ref[...].reshape(B * D1, AUG), rsf_emb)
    hcn = _rsf_feat(hcn_ref[...].reshape(B * D1, AUG), rsf_emb)
    tcp = _rsf_feat(tcp_ref[...].reshape(B * D1, AUG), rsf_emb)
    tcn = _rsf_feat(tcn_ref[...].reshape(B * D1, AUG), rsf_emb)
    pos_ref[0, :] = pd(hr, hcp)
    pos_ref[1, :] = pd(tr, tcp)
    neg_ref[0, :] = pd(hr, hcn)
    neg_ref[1, :] = pd(tr, tcn)


def _tail(rsf_list, rsf_emb, rsf_rel_sel, conve_rel_emb, fcs_W, fcs_b,
          g_out, head_embs, tail_embs, rel_emb_sel, fc_W, fc_b,
          head_con_pos, head_con_neg, tail_con_pos, tail_con_neg):
    out_shapes = (
        jax.ShapeDtypeStruct((B, 1), jnp.float32),
        jax.ShapeDtypeStruct((2, B * D1), jnp.float32),
        jax.ShapeDtypeStruct((2, B * D1), jnp.float32),
    )
    out, pos, neg = pl.pallas_call(
        _tail_kernel,
        out_shape=out_shapes,
    )(rsf_list, rsf_emb, rsf_rel_sel, conve_rel_emb, fcs_W,
      fcs_b.reshape(1, RELD), g_out, head_embs, tail_embs, rel_emb_sel,
      fc_W, fc_b.reshape(1, 1),
      head_con_pos, head_con_neg, tail_con_pos, tail_con_neg)
    return out, pos.reshape(2 * B * D1), neg.reshape(2 * B * D1)


def kernel(x, edge_index, edge_type, graph_ids, head_ids, tail_ids, rel_labels,
           rsf_list, head_con_pos, head_con_neg, tail_con_pos, tail_con_neg,
           W0, Wself0, relw0, W1, Wself1, relw1,
           rel_emb, rsf_rel_emb, rsf_emb, conve_rel_emb, fcs_W, fcs_b, fc_W, fc_b):
    src = edge_index[0]
    dst = edge_index[1]
    h = x
    reprs = []
    for (W, Ws, rw) in ((W0, Wself0, relw0), (W1, Wself1, relw1)):
        pre = h[src] * rw[edge_type]
        agg = jax.ops.segment_sum(pre, dst, num_segments=N)
        h = jax.nn.relu(agg @ W + h @ Ws)
        reprs.append(h)
    rep = jnp.stack(reprs, axis=1)
    counts = jnp.maximum(jnp.bincount(graph_ids, length=B), 1).astype(jnp.float32)
    g_out = jax.ops.segment_sum(rep, graph_ids, num_segments=B) / counts[:, None, None]
    head_embs = rep[head_ids]
    tail_embs = rep[tail_ids]
    out, pos, neg = _tail(rsf_list, rsf_emb, rsf_rel_emb[rel_labels],
                          conve_rel_emb, fcs_W, fcs_b, g_out, head_embs,
                          tail_embs, rel_emb[rel_labels], fc_W, fc_b,
                          head_con_pos, head_con_neg, tail_con_pos, tail_con_neg)
    return (out, pos, neg)

# --- scband reference (transcript-rebuilt; emitter-appended) ---
"""Pipeline reference for scband-graph-classifier-80814104641907 (READ-ONLY COPY).

The authoritative reference and input builder live on the scoring server;
editing this copy changes nothing except your own understanding.
"""

import jax, jax.numpy as jnp
import numpy as np

N = 50000
E = 800000
B = 128
D = 64
L = 2
NUM_RELS = 200
AUG = 400
RSF = 32
RELD = 32
RELNUM = 4
D1 = 10


def setup_inputs(seed: int = 0) -> dict:
    key = jax.random.key(seed)
    ks = jax.random.split(key, 30)
    sc = 0.05
    inp = {}
    inp['x'] = jax.random.normal(ks[0], (N, D), jnp.float32)
    inp['edge_index'] = jax.random.randint(ks[1], (2, E), 0, N)
    inp['edge_type'] = jax.random.randint(ks[2], (E,), 0, NUM_RELS)
    inp['graph_ids'] = jnp.sort(jax.random.randint(ks[3], (N,), 0, B))
    inp['head_ids'] = jax.random.randint(ks[4], (B,), 0, N)
    inp['tail_ids'] = jax.random.randint(ks[5], (B,), 0, N)
    inp['rel_labels'] = jax.random.randint(ks[6], (B,), 0, NUM_RELS)
    inp['rsf_list'] = jax.random.uniform(ks[7], (B, 2, AUG), jnp.float32) + 0.01
    inp['head_con_pos'] = jax.random.uniform(ks[8], (B, D1, AUG), jnp.float32) + 0.01
    inp['head_con_neg'] = jax.random.uniform(ks[9], (B, D1, AUG), jnp.float32) + 0.01
    inp['tail_con_pos'] = jax.random.uniform(ks[10], (B, D1, AUG), jnp.float32) + 0.01
    inp['tail_con_neg'] = jax.random.uniform(ks[11], (B, D1, AUG), jnp.float32) + 0.01
    # RGCN parameters (2 layers): per-edge relation scaling + linear + self-loop
    inp['W0'] = jax.random.normal(ks[12], (D, D), jnp.float32) * sc
    inp['Wself0'] = jax.random.normal(ks[13], (D, D), jnp.float32) * sc
    inp['relw0'] = jax.random.normal(ks[14], (NUM_RELS, D), jnp.float32) * sc + 1.0
    inp['W1'] = jax.random.normal(ks[15], (D, D), jnp.float32) * sc
    inp['Wself1'] = jax.random.normal(ks[16], (D, D), jnp.float32) * sc
    inp['relw1'] = jax.random.normal(ks[17], (NUM_RELS, D), jnp.float32) * sc + 1.0
    # GraphClassifier embedding tables and linear layers
    inp['rel_emb'] = jax.random.normal(ks[18], (NUM_RELS, RELD), jnp.float32) * sc
    inp['rsf_rel_emb'] = jax.random.normal(ks[19], (NUM_RELS, RSF), jnp.float32) * sc
    inp['rsf_emb'] = jax.random.normal(ks[20], (AUG, RSF), jnp.float32) * sc
    # ConvE parameters
    inp['conve_rel_emb'] = jax.random.normal(ks[21], (NUM_RELS, 2 * RELD), jnp.float32) * sc
    inp['fcs_W'] = jax.random.normal(ks[22], (2 * RELD, RELD), jnp.float32) * sc
    inp['fcs_b'] = jnp.zeros((RELD,), jnp.float32)
    inp['fc_W'] = jax.random.normal(ks[23], (3 * L * D + 2 * RELD, 1), jnp.float32) * sc
    inp['fc_b'] = jnp.zeros((1,), jnp.float32)
    return inp


def _rsf_of(lst, rsf_emb):
    s = jnp.sum(lst, axis=1, keepdims=True)
    return jnp.sum(lst[:, :, None] * rsf_emb[None, :, :], axis=1) / s


def reference(x, edge_index, edge_type, graph_ids, head_ids, tail_ids, rel_labels, rsf_list,
              head_con_pos, head_con_neg, tail_con_pos, tail_con_neg,
              W0, Wself0, relw0, W1, Wself1, relw1,
              rel_emb, rsf_rel_emb, rsf_emb, conve_rel_emb, fcs_W, fcs_b, fc_W, fc_b):
    src = edge_index[0]
    dst = edge_index[1]
    # --- RGCN (relation-scaled message passing, 2 layers) ---
    h = x
    reprs = []
    for (W, Ws, rw) in ((W0, Wself0, relw0), (W1, Wself1, relw1)):
        msg = (h[src] * rw[edge_type]) @ W
        agg = jax.ops.segment_sum(msg, dst, num_segments=N)
        h = jax.nn.relu(agg + h @ Ws)
        reprs.append(h)
    rep = jnp.stack(reprs, axis=1)  # [N, L, D] == g.ndata['repr']
    # mean_nodes(g, 'repr')
    counts = jnp.maximum(jnp.bincount(graph_ids, length=B), 1).astype(jnp.float32)
    g_out = jax.ops.segment_sum(rep, graph_ids, num_segments=B) / counts[:, None, None]
    head_embs = rep[head_ids]
    tail_embs = rep[tail_ids]
    # --- rsf features ---
    head_rsf = _rsf_of(rsf_list[:, 0], rsf_emb)
    tail_rsf = _rsf_of(rsf_list[:, 1], rsf_emb)
    rsf_output = jnp.sum(head_rsf * rsf_rel_emb[rel_labels] * tail_rsf, axis=1, keepdims=True)
    # --- ConvE ---
    R = conve_rel_emb
    stacked = jnp.concatenate([head_rsf, tail_rsf], axis=1)
    S = jax.nn.sigmoid(stacked @ R.T)
    Sx, idx = jax.lax.top_k(S, RELNUM)
    Sx3 = Sx[:, :, None]
    R1 = jax.nn.relu(R @ fcs_W + fcs_b)
    Sg = R1[idx] * Sx3
    denom = jnp.sum(Sx3, axis=1, keepdims=True)
    potential_rel = jnp.sum(Sg / denom, axis=1)
    # --- classifier head ---
    g_rep = jnp.concatenate([
        g_out.reshape(B, L * D),
        head_embs.reshape(B, L * D),
        tail_embs.reshape(B, L * D),
        potential_rel,
        rel_emb[rel_labels],
    ], axis=1)
    output = g_rep @ fc_W + fc_b
    # --- contrastive distances ---
    hcp = _rsf_of(head_con_pos.reshape(B * D1, AUG), rsf_emb)
    hcn = _rsf_of(head_con_neg.reshape(B * D1, AUG), rsf_emb)
    tcp = _rsf_of(tail_con_pos.reshape(B * D1, AUG), rsf_emb)
    tcn = _rsf_of(tail_con_neg.reshape(B * D1, AUG), rsf_emb)
    hr = jnp.repeat(head_rsf[:, None, :], D1, axis=1).reshape(B * D1, RSF)
    tr = jnp.repeat(tail_rsf[:, None, :], D1, axis=1).reshape(B * D1, RSF)

    def pdist(a, b):
        return jnp.sqrt(jnp.sum((a - b + 1e-06) ** 2, axis=1))

    con_pos_dis = jnp.concatenate([pdist(hr, hcp), pdist(tr, tcp)])
    con_neg_dis = jnp.concatenate([pdist(hr, hcn), pdist(tr, tcn)])
    return (output + rsf_output, con_pos_dis, con_neg_dis)

if __name__ == "__main__":
    import jax
    _d = setup_inputs()
    print(jax.jit(kernel)(*tuple(_d.values())))

</pallas_src>

<mosaic_0001>
module attributes {stable_mosaic.version = 14 : i64} {
  func.func @_tail_kernel(%arg0: memref<128x2x400xf32, #tpu.memory_space<vmem>>, %arg1: memref<400x32xf32, #tpu.memory_space<vmem>>, %arg2: memref<128x32xf32, #tpu.memory_space<vmem>>, %arg3: memref<200x64xf32, #tpu.memory_space<vmem>>, %arg4: memref<64x32xf32, #tpu.memory_space<vmem>>, %arg5: memref<1x32xf32, #tpu.memory_space<vmem>>, %arg6: memref<128x2x64xf32, #tpu.memory_space<vmem>>, %arg7: memref<128x2x64xf32, #tpu.memory_space<vmem>>, %arg8: memref<128x2x64xf32, #tpu.memory_space<vmem>>, %arg9: memref<128x32xf32, #tpu.memory_space<vmem>>, %arg10: memref<448x1xf32, #tpu.memory_space<vmem>>, %arg11: memref<1x1xf32, #tpu.memory_space<vmem>>, %arg12: memref<128x10x400xf32, #tpu.memory_space<vmem>>, %arg13: memref<128x10x400xf32, #tpu.memory_space<vmem>>, %arg14: memref<128x10x400xf32, #tpu.memory_space<vmem>>, %arg15: memref<128x10x400xf32, #tpu.memory_space<vmem>>, %arg16: memref<128x1xf32, #tpu.memory_space<vmem>>, %arg17: memref<2x1280xf32, #tpu.memory_space<vmem>>, %arg18: memref<2x1280xf32, #tpu.memory_space<vmem>>) attributes {dimension_semantics = [], scalar_prefetch = 0 : i64, scratch_operands = 0 : i64, tpu.core_type = #tpu.core_type<tc>} {
    %get3A = arith.constant 0 : index
    %get3A_0 = arith.constant 0 : index
    %get3A_1 = vector.load %arg1[%get3A, %get3A_0] : memref<400x32xf32, #tpu.memory_space<vmem>>, vector<400x32xf32>
    %get3A_2 = arith.constant 0 : index
    %get3A_3 = arith.constant 0 : index
    %get3A_4 = arith.constant 0 : index
    %get3A_5 = vector.load %arg0[%get3A_2, %get3A_3, %get3A_4] : memref<128x2x400xf32, #tpu.memory_space<vmem>>, vector<128x1x400xf32>
    %get3A_6 = vector.shape_cast %get3A_5 : vector<128x1x400xf32> to vector<128x400xf32>
    %get3A_7 = arith.constant 0 : index
    %get3A_8 = arith.constant 1 : index
    %get3A_9 = arith.constant 0 : index
    %get3A_10 = vector.load %arg0[%get3A_7, %get3A_8, %get3A_9] : memref<128x2x400xf32, #tpu.memory_space<vmem>>, vector<128x1x400xf32>
    %get3A_11 = vector.shape_cast %get3A_10 : vector<128x1x400xf32> to vector<128x400xf32>
    %reduce_sum3A = arith.constant dense<0.000000e+00> : vector<128xf32>
    %reduce_sum3A_12 = vector.multi_reduction <add>, %get3A_6, %reduce_sum3A [1] : vector<128x400xf32> to vector<128xf32>
    %broadcast_in_dim3A = vector.shape_cast %reduce_sum3A_12 : vector<128xf32> to vector<128x1xf32>
    %dot_general3A = arith.constant dense<0.000000e+00> : vector<128x32xf32>
    %dot_general3A_13 = tpu.matmul %get3A_6, %get3A_1, %dot_general3A {dimension_numbers = #tpu.dot_dimension_numbers<[1], [0], [0], [1], [0, 0, 1, 1], [], []>, transpose_lhs_hint = false} : vector<128x400xf32>, vector<400x32xf32>, vector<128x32xf32> -> vector<128x32xf32>
    %div3A = vector.broadcast %broadcast_in_dim3A : vector<128x1xf32> to vector<128x32xf32>
    %div3A_14 = arith.divf %dot_general3A_13, %div3A : vector<128x32xf32>
    %reduce_sum3A_15 = arith.constant dense<0.000000e+00> : vector<128xf32>
    %reduce_sum3A_16 = vector.multi_reduction <add>, %get3A_11, %reduce_sum3A_15 [1] : vector<128x400xf32> to vector<128xf32>
    %broadcast_in_dim3A_17 = vector.shape_cast %reduce_sum3A_16 : vector<128xf32> to vector<128x1xf32>
    %dot_general3A_18 = arith.constant dense<0.000000e+00> : vector<128x32xf32>
    %dot_general3A_19 = tpu.matmul %get3A_11, %get3A_1, %dot_general3A_18 {dimension_numbers = #tpu.dot_dimension_numbers<[1], [0], [0], [1], [0, 0, 1, 1], [], []>, transpose_lhs_hint = false} : vector<128x400xf32>, vector<400x32xf32>, vector<128x32xf32> -> vector<128x32xf32>
    %div3A_20 = vector.broadcast %broadcast_in_dim3A_17 : vector<128x1xf32> to vector<128x32xf32>
    %div3A_21 = arith.divf %dot_general3A_19, %div3A_20 : vector<128x32xf32>
    %get3A_22 = arith.constant 0 : index
    %get3A_23 = arith.constant 0 : index
    %get3A_24 = vector.load %arg2[%get3A_22, %get3A_23] : memref<128x32xf32, #tpu.memory_space<vmem>>, vector<128x32xf32>
    %mul3A = arith.mulf %div3A_14, %get3A_24 : vector<128x32xf32>
    %mul3A_25 = arith.mulf %mul3A, %div3A_21 : vector<128x32xf32>
    %reduce_sum3A_26 = arith.constant dense<0.000000e+00> : vector<128xf32>
    %reduce_sum3A_27 = vector.multi_reduction <add>, %mul3A_25, %reduce_sum3A_26 [1] : vector<128x32xf32> to vector<128xf32>
    %broadcast_in_dim3A_28 = vector.shape_cast %reduce_sum3A_27 : vector<128xf32> to vector<128x1xf32>
    %get3A_29 = arith.constant 0 : index
    %get3A_30 = arith.constant 0 : index
    %get3A_31 = vector.load %arg3[%get3A_29, %get3A_30] : memref<200x64xf32, #tpu.memory_space<vmem>>, vector<200x64xf32>
    %concatenate3A = tpu.concatenate %div3A_14, %div3A_21 in 1 : vector<128x32xf32>, vector<128x32xf32> -> vector<128x64xf32>
    %transpose3A = tpu.transpose %get3A_31, [1, 0] : vector<200x64xf32> -> vector<64x200xf32>
    %dot_general3A_32 = arith.constant dense<0.000000e+00> : vector<128x200xf32>
    %dot_general3A_33 = tpu.matmul %concatenate3A, %transpose3A, %dot_general3A_32 {dimension_numbers = #tpu.dot_dimension_numbers<[1], [0], [0], [1], [0, 0, 1, 1], [], []>, transpose_lhs_hint = false} : vector<128x64xf32>, vector<64x200xf32>, vector<128x200xf32> -> vector<128x200xf32>
    %logistic3A = arith.negf %dot_general3A_33 : vector<128x200xf32>
    %logistic3A_34 = math.exp %logistic3A : vector<128x200xf32>
    %logistic3A_35 = arith.constant 1.000000e+00 : f32
    %logistic3A_36 = vector.broadcast %logistic3A_35 : f32 to vector<128x200xf32>
    %logistic3A_37 = arith.addf %logistic3A_36, %logistic3A_34 : vector<128x200xf32>
    %logistic3A_38 = arith.divf %logistic3A_36, %logistic3A_37 : vector<128x200xf32>
    %get3A_39 = arith.constant 0 : index
    %get3A_40 = arith.constant 0 : index
    %get3A_41 = vector.load %arg4[%get3A_39, %get3A_40] : memref<64x32xf32, #tpu.memory_space<vmem>>, vector<64x32xf32>
    %dot_general3A_42 = arith.constant dense<0.000000e+00> : vector<200x32xf32>
    %dot_general3A_43 = tpu.matmul %get3A_31, %get3A_41, %dot_general3A_42 {dimension_numbers = #tpu.dot_dimension_numbers<[1], [0], [0], [1], [0, 0, 1, 1], [], []>, transpose_lhs_hint = false} : vector<200x64xf32>, vector<64x32xf32>, vector<200x32xf32> -> vector<200x32xf32>
    %get3A_44 = arith.constant 0 : index
    %get3A_45 = arith.constant 0 : index
    %get3A_46 = vector.load %arg5[%get3A_44, %get3A_45] : memref<1x32xf32, #tpu.memory_space<vmem>>, vector<1x32xf32>
    %add3A = vector.broadcast %get3A_46 : vector<1x32xf32> to vector<200x32xf32>
    %add3A_47 = arith.addf %dot_general3A_43, %add3A : vector<200x32xf32>
    %max3A = arith.constant 0.000000e+00 : f32
    %max3A_48 = vector.broadcast %max3A : f32 to vector<200x32xf32>
    %max3A_49 = arith.maximumf %add3A_47, %max3A_48 : vector<200x32xf32>
    %iota3A = tpu.iota {dimensions = array<i32: 1>} : vector<128x200xi32>
    %broadcast_in_dim3A_50 = arith.constant 0.000000e+00 : f32
    %broadcast_in_dim3A_51 = vector.broadcast %broadcast_in_dim3A_50 : f32 to vector<128x1xf32>
    %broadcast_in_dim3A_52 = arith.constant 0.000000e+00 : f32
    %broadcast_in_dim3A_53 = vector.broadcast %broadcast_in_dim3A_52 : f32 to vector<128x32xf32>
    %reduce_max3A = arith.constant dense<0xFF800000> : vector<128xf32>
    %reduce_max3A_54 = vector.multi_reduction <maximumf>, %logistic3A_38, %reduce_max3A [1] : vector<128x200xf32> to vector<128xf32>
    %broadcast_in_dim3A_55 = vector.shape_cast %reduce_max3A_54 : vector<128xf32> to vector<128x1xf32>
    %argmax3A = tpu.reduce_index %logistic3A_38 {axis = 1 : i32, kind = #tpu.reduction_kind<arg_max>} : vector<128x200xf32> -> vector<128xi32>
    %broadcast_in_dim3A_56 = vector.shape_cast %argmax3A : vector<128xi32> to vector<128x1xi32>
    %eq3A = vector.broadcast %broadcast_in_dim3A_56 : vector<128x1xi32> to vector<128x200xi32>
    %eq3A_57 = arith.cmpi eq, %iota3A, %eq3A : vector<128x200xi32>
    %convert_element_type3A = arith.extui %eq3A_57 : vector<128x200xi1> to vector<128x200xi32>
    %convert_element_type3A_58 = arith.sitofp %convert_element_type3A : vector<128x200xi32> to vector<128x200xf32>
    %dot_general3A_59 = arith.constant dense<0.000000e+00> : vector<128x32xf32>
    %dot_general3A_60 = tpu.matmul %convert_element_type3A_58, %max3A_49, %dot_general3A_59 {dimension_numbers = #tpu.dot_dimension_numbers<[1], [0], [0], [1], [0, 0, 1, 1], [], []>, transpose_lhs_hint = false} : vector<128x200xf32>, vector<200x32xf32>, vector<128x32xf32> -> vector<128x32xf32>
    %mul3A_61 = vector.broadcast %broadcast_in_dim3A_55 : vector<128x1xf32> to vector<128x32xf32>
    %mul3A_62 = arith.mulf %dot_general3A_60, %mul3A_61 : vector<128x32xf32>
    %add3A_63 = arith.addf %broadcast_in_dim3A_53, %mul3A_62 : vector<128x32xf32>
    %add3A_64 = arith.addf %broadcast_in_dim3A_51, %broadcast_in_dim3A_55 : vector<128x1xf32>
    %jit3A = arith.constant 0xFF800000 : f32
    %broadcast_in_dim3A_65 = vector.broadcast %jit3A : f32 to vector<128x200xf32>
    %select_n3A = arith.select %eq3A_57, %broadcast_in_dim3A_65, %logistic3A_38 : vector<128x200xi1>, vector<128x200xf32>
    %reduce_max3A_66 = arith.constant dense<0xFF800000> : vector<128xf32>
    %reduce_max3A_67 = vector.multi_reduction <maximumf>, %select_n3A, %reduce_max3A_66 [1] : vector<128x200xf32> to vector<128xf32>
    %broadcast_in_dim3A_68 = vector.shape_cast %reduce_max3A_67 : vector<128xf32> to vector<128x1xf32>
    %argmax3A_69 = tpu.reduce_index %select_n3A {axis = 1 : i32, kind = #tpu.reduction_kind<arg_max>} : vector<128x200xf32> -> vector<128xi32>
    %broadcast_in_dim3A_70 = vector.shape_cast %argmax3A_69 : vector<128xi32> to vector<128x1xi32>
    %eq3A_71 = vector.broadcast %broadcast_in_dim3A_70 : vector<128x1xi32> to vector<128x200xi32>
    %eq3A_72 = arith.cmpi eq, %iota3A, %eq3A_71 : vector<128x200xi32>
    %convert_element_type3A_73 = arith.extui %eq3A_72 : vector<128x200xi1> to vector<128x200xi32>
    %convert_element_type3A_74 = arith.sitofp %convert_element_type3A_73 : vector<128x200xi32> to vector<128x200xf32>
    %dot_general3A_75 = arith.constant dense<0.000000e+00> : vector<128x32xf32>
    %dot_general3A_76 = tpu.matmul %convert_element_type3A_74, %max3A_49, %dot_general3A_75 {dimension_numbers = #tpu.dot_dimension_numbers<[1], [0], [0], [1], [0, 0, 1, 1], [], []>, transpose_lhs_hint = false} : vector<128x200xf32>, vector<200x32xf32>, vector<128x32xf32> -> vector<128x32xf32>
    %mul3A_77 = vector.broadcast %broadcast_in_dim3A_68 : vector<128x1xf32> to vector<128x32xf32>
    %mul3A_78 = arith.mulf %dot_general3A_76, %mul3A_77 : vector<128x32xf32>
    %add3A_79 = arith.addf %add3A_63, %mul3A_78 : vector<128x32xf32>
    %add3A_80 = arith.addf %add3A_64, %broadcast_in_dim3A_68 : vector<128x1xf32>
    %jit3A_81 = arith.constant 0xFF800000 : f32
    %broadcast_in_dim3A_82 = vector.broadcast %jit3A_81 : f32 to vector<128x200xf32>
    %select_n3A_83 = arith.select %eq3A_72, %broadcast_in_dim3A_82, %select_n3A : vector<128x200xi1>, vector<128x200xf32>
    %reduce_max3A_84 = arith.constant dense<0xFF800000> : vector<128xf32>
    %reduce_max3A_85 = vector.multi_reduction <maximumf>, %select_n3A_83, %reduce_max3A_84 [1] : vector<128x200xf32> to vector<128xf32>
    %broadcast_in_dim3A_86 = vector.shape_cast %reduce_max3A_85 : vector<128xf32> to vector<128x1xf32>
    %argmax3A_87 = tpu.reduce_index %select_n3A_83 {axis = 1 : i32, kind = #tpu.reduction_kind<arg_max>} : vector<128x200xf32> -> vector<128xi32>
    %broadcast_in_dim3A_88 = vector.shape_cast %argmax3A_87 : vector<128xi32> to vector<128x1xi32>
    %eq3A_89 = vector.broadcast %broadcast_in_dim3A_88 : vector<128x1xi32> to vector<128x200xi32>
    %eq3A_90 = arith.cmpi eq, %iota3A, %eq3A_89 : vector<128x200xi32>
    %convert_element_type3A_91 = arith.extui %eq3A_90 : vector<128x200xi1> to vector<128x200xi32>
    %convert_element_type3A_92 = arith.sitofp %convert_element_type3A_91 : vector<128x200xi32> to vector<128x200xf32>
    %dot_general3A_93 = arith.constant dense<0.000000e+00> : vector<128x32xf32>
    %dot_general3A_94 = tpu.matmul %convert_element_type3A_92, %max3A_49, %dot_general3A_93 {dimension_numbers = #tpu.dot_dimension_numbers<[1], [0], [0], [1], [0, 0, 1, 1], [], []>, transpose_lhs_hint = false} : vector<128x200xf32>, vector<200x32xf32>, vector<128x32xf32> -> vector<128x32xf32>
    %mul3A_95 = vector.broadcast %broadcast_in_dim3A_86 : vector<128x1xf32> to vector<128x32xf32>
    %mul3A_96 = arith.mulf %dot_general3A_94, %mul3A_95 : vector<128x32xf32>
    %add3A_97 = arith.addf %add3A_79, %mul3A_96 : vector<128x32xf32>
    %add3A_98 = arith.addf %add3A_80, %broadcast_in_dim3A_86 : vector<128x1xf32>
    %jit3A_99 = arith.constant 0xFF800000 : f32
    %broadcast_in_dim3A_100 = vector.broadcast %jit3A_99 : f32 to vector<128x200xf32>
    %select_n3A_101 = arith.select %eq3A_90, %broadcast_in_dim3A_100, %select_n3A_83 : vector<128x200xi1>, vector<128x200xf32>
    %reduce_max3A_102 = arith.constant dense<0xFF800000> : vector<128xf32>
    %reduce_max3A_103 = vector.multi_reduction <maximumf>, %select_n3A_101, %reduce_max3A_102 [1] : vector<128x200xf32> to vector<128xf32>
    %broadcast_in_dim3A_104 = vector.shape_cast %reduce_max3A_103 : vector<128xf32> to vector<128x1xf32>
    %argmax3A_105 = tpu.reduce_index %select_n3A_101 {axis = 1 : i32, kind = #tpu.reduction_kind<arg_max>} : vector<128x200xf32> -> vector<128xi32>
    %broadcast_in_dim3A_106 = vector.shape_cast %argmax3A_105 : vector<128xi32> to vector<128x1xi32>
    %eq3A_107 = vector.broadcast %broadcast_in_dim3A_106 : vector<128x1xi32> to vector<128x200xi32>
    %eq3A_108 = arith.cmpi eq, %iota3A, %eq3A_107 : vector<128x200xi32>
    %convert_element_type3A_109 = arith.extui %eq3A_108 : vector<128x200xi1> to vector<128x200xi32>
    %convert_element_type3A_110 = arith.sitofp %convert_element_type3A_109 : vector<128x200xi32> to vector<128x200xf32>
    %dot_general3A_111 = arith.constant dense<0.000000e+00> : vector<128x32xf32>
    %dot_general3A_112 = tpu.matmul %convert_element_type3A_110, %max3A_49, %dot_general3A_111 {dimension_numbers = #tpu.dot_dimension_numbers<[1], [0], [0], [1], [0, 0, 1, 1], [], []>, transpose_lhs_hint = false} : vector<128x200xf32>, vector<200x32xf32>, vector<128x32xf32> -> vector<128x32xf32>
    %mul3A_113 = vector.broadcast %broadcast_in_dim3A_104 : vector<128x1xf32> to vector<128x32xf32>
    %mul3A_114 = arith.mulf %dot_general3A_112, %mul3A_113 : vector<128x32xf32>
    %add3A_115 = arith.addf %add3A_97, %mul3A_114 : vector<128x32xf32>
    %add3A_116 = arith.addf %add3A_98, %broadcast_in_dim3A_104 : vector<128x1xf32>
    %div3A_117 = vector.broadcast %add3A_116 : vector<128x1xf32> to vector<128x32xf32>
    %div3A_118 = arith.divf %add3A_115, %div3A_117 : vector<128x32xf32>
    %get3A_119 = arith.constant 0 : index
    %get3A_120 = arith.constant 0 : index
    %get3A_121 = arith.constant 0 : index
    %get3A_122 = vector.load %arg6[%get3A_119, %get3A_120, %get3A_121] : memref<128x2x64xf32, #tpu.memory_space<vmem>>, vector<128x2x64xf32>
    %reshape3A = vector.shape_cast %get3A_122 : vector<128x2x64xf32> to vector<128x128xf32>
    %get3A_123 = arith.constant 0 : index
    %get3A_124 = arith.constant 0 : index
    %get3A_125 = arith.constant 0 : index
    %get3A_126 = vector.load %arg7[%get3A_123, %get3A_124, %get3A_125] : memref<128x2x64xf32, #tpu.memory_space<vmem>>, vector<128x2x64xf32>
    %reshape3A_127 = vector.shape_cast %get3A_126 : vector<128x2x64xf32> to vector<128x128xf32>
    %get3A_128 = arith.constant 0 : index
    %get3A_129 = arith.constant 0 : index
    %get3A_130 = arith.constant 0 : index
    %get3A_131 = vector.load %arg8[%get3A_128, %get3A_129, %get3A_130] : memref<128x2x64xf32, #tpu.memory_space<vmem>>, vector<128x2x64xf32>
    %reshape3A_132 = vector.shape_cast %get3A_131 : vector<128x2x64xf32> to vector<128x128xf32>
    %get3A_133 = arith.constant 0 : index
    %get3A_134 = arith.constant 0 : index
    %get3A_135 = vector.load %arg9[%get3A_133, %get3A_134] : memref<128x32xf32, #tpu.memory_space<vmem>>, vector<128x32xf32>
    %concatenate3A_136 = tpu.concatenate %reshape3A, %reshape3A_127, %reshape3A_132, %div3A_118, %get3A_135 in 1 : vector<128x128xf32>, vector<128x128xf32>, vector<128x128xf32>, vector<128x32xf32>, vector<128x32xf32> -> vector<128x448xf32>
    %get3A_137 = arith.constant 0 : index
    %get3A_138 = arith.constant 0 : index
    %get3A_139 = vector.load %arg10[%get3A_137, %get3A_138] : memref<448x1xf32, #tpu.memory_space<vmem>>, vector<448x1xf32>
    %dot_general3A_140 = arith.constant dense<0.000000e+00> : vector<128x1xf32>
    %dot_general3A_141 = tpu.matmul %concatenate3A_136, %get3A_139, %dot_general3A_140 {dimension_numbers = #tpu.dot_dimension_numbers<[1], [0], [0], [1], [0, 0, 1, 1], [], []>, transpose_lhs_hint = false} : vector<128x448xf32>, vector<448x1xf32>, vector<128x1xf32> -> vector<128x1xf32>
    %get3A_142 = arith.constant 0 : index
    %get3A_143 = arith.constant 0 : index
    %get3A_144 = vector.load %arg11[%get3A_142, %get3A_143] : memref<1x1xf32, #tpu.memory_space<vmem>>, vector<1x1xf32>
    %add3A_145 = vector.broadcast %get3A_144 : vector<1x1xf32> to vector<128x1xf32>
    %add3A_146 = arith.addf %dot_general3A_141, %add3A_145 : vector<128x1xf32>
    %add3A_147 = arith.addf %add3A_146, %broadcast_in_dim3A_28 : vector<128x1xf32>
    %swap3A = arith.constant 0 : index
    %swap3A_148 = arith.constant 0 : index
    %swap3A_149 = vector.load %arg16[%swap3A, %swap3A_148] : memref<128x1xf32, #tpu.memory_space<vmem>>, vector<128x1xf32>
    tpu.vector_store %arg16[%swap3A, %swap3A_148], %add3A_147 {strides = array<i32>} : memref<128x1xf32, #tpu.memory_space<vmem>>, vector<128x1xf32>,
    %broadcast_in_dim3A_150 = vector.shape_cast %div3A_14 : vector<128x32xf32> to vector<128x1x32xf32>
    %broadcast_in_dim3A_151 = vector.shape_cast %broadcast_in_dim3A_150 : vector<128x1x32xf32> to vector<128x1x32xf32>
    %broadcast_in_dim3A_152 = vector.broadcast %broadcast_in_dim3A_151 : vector<128x1x32xf32> to vector<128x10x32xf32>
    %reshape3A_153 = vector.shape_cast %broadcast_in_dim3A_152 : vector<128x10x32xf32> to vector<1280x32xf32>
    %broadcast_in_dim3A_154 = vector.shape_cast %div3A_21 : vector<128x32xf32> to vector<128x1x32xf32>
    %broadcast_in_dim3A_155 = vector.shape_cast %broadcast_in_dim3A_154 : vector<128x1x32xf32> to vector<128x1x32xf32>
    %broadcast_in_dim3A_156 = vector.broadcast %broadcast_in_dim3A_155 : vector<128x1x32xf32> to vector<128x10x32xf32>
    %reshape3A_157 = vector.shape_cast %broadcast_in_dim3A_156 : vector<128x10x32xf32> to vector<1280x32xf32>
    %get3A_158 = arith.constant 0 : index
    %get3A_159 = arith.constant 0 : index
    %get3A_160 = arith.constant 0 : index
    %get3A_161 = vector.load %arg12[%get3A_158, %get3A_159, %get3A_160] : memref<128x10x400xf32, #tpu.memory_space<vmem>>, vector<128x10x400xf32>
    %reshape3A_162 = vector.shape_cast %get3A_161 : vector<128x10x400xf32> to vector<1280x400xf32>
    %reduce_sum3A_163 = arith.constant dense<0.000000e+00> : vector<1280xf32>
    %reduce_sum3A_164 = vector.multi_reduction <add>, %reshape3A_162, %reduce_sum3A_163 [1] : vector<1280x400xf32> to vector<1280xf32>
    %broadcast_in_dim3A_165 = vector.shape_cast %reduce_sum3A_164 : vector<1280xf32> to vector<1280x1xf32>
    %dot_general3A_166 = arith.constant dense<0.000000e+00> : vector<1280x32xf32>
    %dot_general3A_167 = tpu.matmul %reshape3A_162, %get3A_1, %dot_general3A_166 {dimension_numbers = #tpu.dot_dimension_numbers<[1], [0], [0], [1], [0, 0, 1, 1], [], []>, transpose_lhs_hint = false} : vector<1280x400xf32>, vector<400x32xf32>, vector<1280x32xf32> -> vector<1280x32xf32>
    %div3A_168 = vector.broadcast %broadcast_in_dim3A_165 : vector<1280x1xf32> to vector<1280x32xf32>
    %div3A_169 = arith.divf %dot_general3A_167, %div3A_168 : vector<1280x32xf32>
    %get3A_170 = arith.constant 0 : index
    %get3A_171 = arith.constant 0 : index
    %get3A_172 = arith.constant 0 : index
    %get3A_173 = vector.load %arg13[%get3A_170, %get3A_171, %get3A_172] : memref<128x10x400xf32, #tpu.memory_space<vmem>>, vector<128x10x400xf32>
    %reshape3A_174 = vector.shape_cast %get3A_173 : vector<128x10x400xf32> to vector<1280x400xf32>
    %reduce_sum3A_175 = arith.constant dense<0.000000e+00> : vector<1280xf32>
    %reduce_sum3A_176 = vector.multi_reduction <add>, %reshape3A_174, %reduce_sum3A_175 [1] : vector<1280x400xf32> to vector<1280xf32>
    %broadcast_in_dim3A_177 = vector.shape_cast %reduce_sum3A_176 : vector<1280xf32> to vector<1280x1xf32>
    %dot_general3A_178 = arith.constant dense<0.000000e+00> : vector<1280x32xf32>
    %dot_general3A_179 = tpu.matmul %reshape3A_174, %get3A_1, %dot_general3A_178 {dimension_numbers = #tpu.dot_dimension_numbers<[1], [0], [0], [1], [0, 0, 1, 1], [], []>, transpose_lhs_hint = false} : vector<1280x400xf32>, vector<400x32xf32>, vector<1280x32xf32> -> vector<1280x32xf32>
    %div3A_180 = vector.broadcast %broadcast_in_dim3A_177 : vector<1280x1xf32> to vector<1280x32xf32>
    %div3A_181 = arith.divf %dot_general3A_179, %div3A_180 : vector<1280x32xf32>
    %get3A_182 = arith.constant 0 : index
    %get3A_183 = arith.constant 0 : index
    %get3A_184 = arith.constant 0 : index
    %get3A_185 = vector.load %arg14[%get3A_182, %get3A_183, %get3A_184] : memref<128x10x400xf32, #tpu.memory_space<vmem>>, vector<128x10x400xf32>
    %reshape3A_186 = vector.shape_cast %get3A_185 : vector<128x10x400xf32> to vector<1280x400xf32>
    %reduce_sum3A_187 = arith.constant dense<0.000000e+00> : vector<1280xf32>
    %reduce_sum3A_188 = vector.multi_reduction <add>, %reshape3A_186, %reduce_sum3A_187 [1] : vector<1280x400xf32> to vector<1280xf32>
    %broadcast_in_dim3A_189 = vector.shape_cast %reduce_sum3A_188 : vector<1280xf32> to vector<1280x1xf32>
    %dot_general3A_190 = arith.constant dense<0.000000e+00> : vector<1280x32xf32>
    %dot_general3A_191 = tpu.matmul %reshape3A_186, %get3A_1, %dot_general3A_190 {dimension_numbers = #tpu.dot_dimension_numbers<[1], [0], [0], [1], [0, 0, 1, 1], [], []>, transpose_lhs_hint = false} : vector<1280x400xf32>, vector<400x32xf32>, vector<1280x32xf32> -> vector<1280x32xf32>
    %div3A_192 = vector.broadcast %broadcast_in_dim3A_189 : vector<1280x1xf32> to vector<1280x32xf32>
    %div3A_193 = arith.divf %dot_general3A_191, %div3A_192 : vector<1280x32xf32>
    %get3A_194 = arith.constant 0 : index
    %get3A_195 = arith.constant 0 : index
    %get3A_196 = arith.constant 0 : index
    %get3A_197 = vector.load %arg15[%get3A_194, %get3A_195, %get3A_196] : memref<128x10x400xf32, #tpu.memory_space<vmem>>, vector<128x10x400xf32>
    %reshape3A_198 = vector.shape_cast %get3A_197 : vector<128x10x400xf32> to vector<1280x400xf32>
    %reduce_sum3A_199 = arith.constant dense<0.000000e+00> : vector<1280xf32>
    %reduce_sum3A_200 = vector.multi_reduction <add>, %reshape3A_198, %reduce_sum3A_199 [1] : vector<1280x400xf32> to vector<1280xf32>
    %broadcast_in_dim3A_201 = vector.shape_cast %reduce_sum3A_200 : vector<1280xf32> to vector<1280x1xf32>
    %dot_general3A_202 = arith.constant dense<0.000000e+00> : vector<1280x32xf32>
    %dot_general3A_203 = tpu.matmul %reshape3A_198, %get3A_1, %dot_general3A_202 {dimension_numbers = #tpu.dot_dimension_numbers<[1], [0], [0], [1], [0, 0, 1, 1], [], []>, transpose_lhs_hint = false} : vector<1280x400xf32>, vector<400x32xf32>, vector<1280x32xf32> -> vector<1280x32xf32>
    %div3A_204 = vector.broadcast %broadcast_in_dim3A_201 : vector<1280x1xf32> to vector<1280x32xf32>
    %div3A_205 = arith.divf %dot_general3A_203, %div3A_204 : vector<1280x32xf32>
    %sub3A = arith.subf %reshape3A_153, %div3A_169 : vector<1280x32xf32>
    %add3A_206 = arith.constant 9.99999997E-7 : f32
    %add3A_207 = vector.broadcast %add3A_206 : f32 to vector<1280x32xf32>
    %add3A_208 = arith.addf %sub3A, %add3A_207 : vector<1280x32xf32>
    %integer_pow3A = arith.mulf %add3A_208, %add3A_208 : vector<1280x32xf32>
    %reduce_sum3A_209 = arith.constant dense<0.000000e+00> : vector<1280xf32>
    %reduce_sum3A_210 = vector.multi_reduction <add>, %integer_pow3A, %reduce_sum3A_209 [1] : vector<1280x32xf32> to vector<1280xf32>
    %sqrt3A = math.sqrt %reduce_sum3A_210 : vector<1280xf32>
    %swap3A_211 = arith.constant 0 : index
    %swap3A_212 = arith.constant 0 : index
    %swap3A_213 = vector.load %arg17[%swap3A_211, %swap3A_212] : memref<2x1280xf32, #tpu.memory_space<vmem>>, vector<1x1280xf32>
    %swap3A_214 = vector.shape_cast %swap3A_213 : vector<1x1280xf32> to vector<1280xf32>
    %swap3A_215 = vector.shape_cast %sqrt3A : vector<1280xf32> to vector<1x1280xf32>
    tpu.vector_store %arg17[%swap3A_211, %swap3A_212], %swap3A_215 {strides = array<i32>} : memref<2x1280xf32, #tpu.memory_space<vmem>>, vector<1x1280xf32>,
    %sub3A_216 = arith.subf %reshape3A_157, %div3A_193 : vector<1280x32xf32>
    %add3A_217 = arith.constant 9.99999997E-7 : f32
    %add3A_218 = vector.broadcast %add3A_217 : f32 to vector<1280x32xf32>
    %add3A_219 = arith.addf %sub3A_216, %add3A_218 : vector<1280x32xf32>
    %integer_pow3A_220 = arith.mulf %add3A_219, %add3A_219 : vector<1280x32xf32>
    %reduce_sum3A_221 = arith.constant dense<0.000000e+00> : vector<1280xf32>
    %reduce_sum3A_222 = vector.multi_reduction <add>, %integer_pow3A_220, %reduce_sum3A_221 [1] : vector<1280x32xf32> to vector<1280xf32>
    %sqrt3A_223 = math.sqrt %reduce_sum3A_222 : vector<1280xf32>
    %swap3A_224 = arith.constant 1 : index
    %swap3A_225 = arith.constant 0 : index
    %swap3A_226 = vector.load %arg17[%swap3A_224, %swap3A_225] : memref<2x1280xf32, #tpu.memory_space<vmem>>, vector<1x1280xf32>
    %swap3A_227 = vector.shape_cast %swap3A_226 : vector<1x1280xf32> to vector<1280xf32>
    %swap3A_228 = vector.shape_cast %sqrt3A_223 : vector<1280xf32> to vector<1x1280xf32>
    tpu.vector_store %arg17[%swap3A_224, %swap3A_225], %swap3A_228 {strides = array<i32>} : memref<2x1280xf32, #tpu.memory_space<vmem>>, vector<1x1280xf32>,
    %sub3A_229 = arith.subf %reshape3A_153, %div3A_181 : vector<1280x32xf32>
    %add3A_230 = arith.constant 9.99999997E-7 : f32
    %add3A_231 = vector.broadcast %add3A_230 : f32 to vector<1280x32xf32>
    %add3A_232 = arith.addf %sub3A_229, %add3A_231 : vector<1280x32xf32>
    %integer_pow3A_233 = arith.mulf %add3A_232, %add3A_232 : vector<1280x32xf32>
    %reduce_sum3A_234 = arith.constant dense<0.000000e+00> : vector<1280xf32>
    %reduce_sum3A_235 = vector.multi_reduction <add>, %integer_pow3A_233, %reduce_sum3A_234 [1] : vector<1280x32xf32> to vector<1280xf32>
    %sqrt3A_236 = math.sqrt %reduce_sum3A_235 : vector<1280xf32>
    %swap3A_237 = arith.constant 0 : index
    %swap3A_238 = arith.constant 0 : index
    %swap3A_239 = vector.load %arg18[%swap3A_237, %swap3A_238] : memref<2x1280xf32, #tpu.memory_space<vmem>>, vector<1x1280xf32>
    %swap3A_240 = vector.shape_cast %swap3A_239 : vector<1x1280xf32> to vector<1280xf32>
    %swap3A_241 = vector.shape_cast %sqrt3A_236 : vector<1280xf32> to vector<1x1280xf32>
    tpu.vector_store %arg18[%swap3A_237, %swap3A_238], %swap3A_241 {strides = array<i32>} : memref<2x1280xf32, #tpu.memory_space<vmem>>, vector<1x1280xf32>,
    %sub3A_242 = arith.subf %reshape3A_157, %div3A_205 : vector<1280x32xf32>
    %add3A_243 = arith.constant 9.99999997E-7 : f32
    %add3A_244 = vector.broadcast %add3A_243 : f32 to vector<1280x32xf32>
    %add3A_245 = arith.addf %sub3A_242, %add3A_244 : vector<1280x32xf32>
    %integer_pow3A_246 = arith.mulf %add3A_245, %add3A_245 : vector<1280x32xf32>
    %reduce_sum3A_247 = arith.constant dense<0.000000e+00> : vector<1280xf32>
    %reduce_sum3A_248 = vector.multi_reduction <add>, %integer_pow3A_246, %reduce_sum3A_247 [1] : vector<1280x32xf32> to vector<1280xf32>
    %sqrt3A_249 = math.sqrt %reduce_sum3A_248 : vector<1280xf32>
    %swap3A_250 = arith.constant 1 : index
    %swap3A_251 = arith.constant 0 : index
    %swap3A_252 = vector.load %arg18[%swap3A_250, %swap3A_251] : memref<2x1280xf32, #tpu.memory_space<vmem>>, vector<1x1280xf32>
    %swap3A_253 = vector.shape_cast %swap3A_252 : vector<1x1280xf32> to vector<1280xf32>
    %swap3A_254 = vector.shape_cast %sqrt3A_249 : vector<1280xf32> to vector<1x1280xf32>
    tpu.vector_store %arg18[%swap3A_250, %swap3A_251], %swap3A_254 {strides = array<i32>} : memref<2x1280xf32, #tpu.memory_space<vmem>>, vector<1x1280xf32>,
    return
  }
}

</mosaic_0001>

<sc_bundles>
// kernel: scatter_offload_async_start.1
scs
__scs_entry_jumppad:
0x0: {  	(pc) =	sbr.rel $0x88, $3  }
0x1: {  	(tag) =	ssettag $0x0;
	lr =	simm.s32 $0x1  }
0x2: {  	[smem:$0x3F87] =	sst lr;
	_ =	strace $0xD0000000  }
0x3: {  	_ = 	snop  }
0x4: {  	_ = 	snop  }
0x5: {  	_ = 	snop  }
0x6: {  	_ = 	snop  }
0x7: {  	_ = 	snop  }
__scs_overlays_trampoline_lowered:
0x8: {  	[smem:$0x3F96] =	sst s0  }
0x9: {  	[smem:$0x3F97] =	sst s1  }
0xa: {  	[smem:$0x3F98] =	sst s2  }
0xb: {  	[smem:$0x3F99] =	sst s3  }
0xc: {  	[smem:$0x3F9A] =	sst s4  }
0xd: {  	[smem:$0x3F9B] =	sst s5  }
0xe: {  	[smem:$0x3F9C] =	sst s6  }
0xf: {  	[smem:$0x3F9D] =	sst s7  }
0x10: {  	[smem:$0x3F9E] =	sst s8  }
0x11: {  	[smem:$0x3F9F] =	sst s9;
	s0 =	simm.s32 @!p0 $0x0  }
0x12: {  	s1 =	sld [smem:$0x3F85];
	s0 =	simm.s32 @p0 $0x1  }
0x13: {  	[smem:$0x3FA0] =	sst s0;
	s0 =	simm.s32 @!p1 $0x0  }
0x14: {  	s2 =	sld [smem:$0x3F84];
	s0 =	simm.s32 @p1 $0x1  }
0x15: {  	[smem:$0x3FA1] =	sst s0;
	s0 =	simm.s32 @!p2 $0x0  }
0x16: {  	s3 =	sld [smem:$0x3FDB];
	s0 =	simm.s32 @p2 $0x1  }
0x17: {  	s4 =	simm.s32 $0x1BF5;
	[smem:$0x3FA3] =	sst s0  }
0x18: {  	s0 =	sld [smem:$0x3F86];
	_ =	swait.ge [sflag:s4], $0x0  }
0x19: {  	s7 =	sld [smem:$0x3F87]  }
0x1a: {  	s8 =	sadd.s32 $0xFFFFE003, lr  }
0x1b: {  	s9 =	sadd.s32 $0xFFFFFEF7, lr;
	s5 =	simm.s32 $0xFFFFFFFF;
	p2 =	slt.u32 s8, $0xFFFFF086  }
0x1c: {  	p1 =	slt.u32 s9, $0xF7A;
	s5 =	simm.s32 @!p2 $0x0  }
0x1d: {  	s5 =	simm.s32 @p1 $0x1;
	p0 =	seq.s32 s7, s2  }
0x1e: {  	s7 =	smul.u32 @!p0 $0xF7A, s2;
	p2 =	seq.s32 @!p0 s5, $0x0  }
0x1f: {  	s9 =	smul.u32 $0xF7A, s1;
	s8 =	simm.s32 @!p0 $0x1BF5;
	p2 =	por !p2, p0  }
0x20: {  	[sflag:s8] =	ssyncset.s32 @!p0 $0xFFFFF086;
	s6 =	sadd.s32 @!p0 s3, s7;
	s7 =	simm.s32 @!p0 $0x108  }
0x21: {  	s3 =	sadd.s32 s3, s9;
	s6 =	sadd.s32 @!p0 $0x88, s6;
	s7 =	simm.s32 @p2 $0x1082  }
0x22: {  	[simem:s7], [sflag:s8] =	dma.local @!p0 [hbm:s6], $0xF7A  }
0x23: {  	s9 =	sor.u32 $0xD0000000, s2;
	s6 =	simm.s32 $0x108;
	_ =	swait.ge @!p0 [sflag:s8], $0x0  }
0x24: {  	s3 =	sadd.s32 $0x88, s3;
	s6 =	simm.s32 @!p1 $0x1082;
	[sflag:s4] =	ssyncset.s32 $0xFFFFF086  }
0x25: {  	[simem:s6], [sflag:s4] =	dma.local [hbm:s3], $0xF7A  }
0x26: {  	[smem:$0x3F87] =	sst s1;
	(tag) =	ssettag s2;
	_ =	strace s9  }
0x27: {  	s1 =	sld [smem:$0x3F97]  }
0x28: {  	s2 =	sld [smem:$0x3F98]  }
0x29: {  	s4 =	sld [smem:$0x3F9A]  }
0x2a: {  	p0 =	seq.s32 s5, $0x0;
	s5 =	sld [smem:$0x3F9B]  }
0x2b: {  	s6 =	sld [smem:$0x3F9C]  }
0x2c: {  	s7 =	sld [smem:$0x3F9D]  }
0x2d: {  	s3 =	simm.s32 $0x108;
	s8 =	sld [smem:$0x3F9E]  }
0x2e: {  	s3 =	simm.s32 @!p0 $0x1082;
	s9 =	sld [smem:$0x3F9F]  }
0x2f: {  	lr =	sadd.s32 s0, s3;
	s0 =	sld [smem:$0x3F96]  }
0x30: {  	s3 =	sld [smem:$0x3F99]  }
0x31: {  	[smem:$0x3FA2] =	sst s10  }
0x32: {  	s10 =	sld [smem:$0x3FA0];
	_ =	sdelay $0x3  }
0x33: {  	p0 =	seq.s32 s10, $0x1;
	s10 =	sld [smem:$0x3FA2];
	_ =	sdelay $0x3  }
0x34: {  	[smem:$0x3FA2] =	sst s10  }
0x35: {  	s10 =	sld [smem:$0x3FA1];
	_ =	sdelay $0x3  }
0x36: {  	p1 =	seq.s32 s10, $0x1;
	s10 =	sld [smem:$0x3FA2];
	_ =	sdelay $0x3  }
0x37: {  	[smem:$0x3FA2] =	sst s10  }
0x38: {  	s10 =	sld [smem:$0x3FA3]  }
0x39: {  	_ = 	snop;
	(pc) =	sbr.ind lr, $3  }
0x3a: {  	_ = 	snop  }
0x3b: {  	_ = 	snop  }
0x3c: {  	p2 =	seq.s32 s10, $0x1;
	s10 =	sld [smem:$0x3FA2]  }
0x3d: {  	_ =	shalt  }
0x3e: {  	_ =	shalt  }
0x3f: {  	_ =	shalt  }
0x40: {  	_ =	shalt  }
0x41: {  	_ =	shalt  }
0x42: {  	_ =	shalt  }
0x43: {  	_ =	shalt  }
0x44: {  	_ =	shalt  }
0x45: {  	_ =	shalt  }
0x46: {  	_ =	shalt  }
0x47: {  	_ =	shalt  }
0x48: {  	_ =	shalt  }
0x49: {  	_ =	shalt  }
0x4a: {  	_ =	shalt  }
0x4b: {  	_ =	shalt  }
0x4c: {  	_ =	shalt  }
0x4d: {  	_ =	shalt  }
0x4e: {  	_ =	shalt  }
0x4f: {  	_ =	shalt  }
0x50: {  	_ =	shalt  }
0x51: {  	_ =	shalt  }
0x52: {  	_ =	shalt  }
0x53: {  	_ =	shalt  }
0x54: {  	_ =	shalt  }
0x55: {  	_ =	shalt  }
0x56: {  	_ =	shalt  }
0x57: {  	_ =	shalt  }
0x58: {  	_ =	shalt  }
0x59: {  	_ =	shalt  }
0x5a: {  	_ =	shalt  }
0x5b: {  	_ =	shalt  }
0x5c: {  	_ =	shalt  }
0x5d: {  	_ =	shalt  }
0x5e: {  	_ =	shalt  }
0x5f: {  	_ =	shalt  }
0x60: {  	_ =	shalt  }
0x61: {  	_ =	shalt  }
0x62: {  	_ =	shalt  }
0x63: {  	_ =	shalt  }
0x64: {  	_ =	shalt  }
0x65: {  	_ =	shalt  }
0x66: {  	_ =	shalt  }
0x67: {  	_ =	shalt  }
0x68: {  	_ =	shalt  }
0x69: {  	_ =	shalt  }
0x6a: {  	_ =	shalt  }
0x6b: {  	_ =	shalt  }
0x6c: {  	_ =	shalt  }
0x6d: {  	_ =	shalt  }
0x6e: {  	_ =	shalt  }
0x6f: {  	_ =	shalt  }
0x70: {  	_ =	shalt  }
0x71: {  	_ =	shalt  }
0x72: {  	_ =	shalt  }
0x73: {  	_ =	shalt  }
0x74: {  	_ =	shalt  }
0x75: {  	_ =	shalt  }
0x76: {  	_ =	shalt  }
0x77: {  	_ =	shalt  }
0x78: {  	_ =	shalt  }
0x79: {  	_ =	shalt  }
0x7a: {  	_ =	shalt  }
0x7b: {  	_ =	shalt  }
0x7c: {  	_ =	shalt  }
0x7d: {  	_ =	shalt  }
0x7e: {  	_ =	shalt  }
0x7f: {  	_ =	shalt  }
0x80: {  	_ =	shalt  }
0x81: {  	_ =	shalt  }
0x82: {  	_ =	shalt  }
0x83: {  	_ =	shalt  }
0x84: {  	_ =	shalt  }
0x85: {  	_ =	shalt  }
0x86: {  	_ =	shalt  }
0x87: {  	_ =	shalt  }
.Lfunc_end0:
.L_simem_size_0:
called_computation.1_lowered:
.L_overlay_start_0:
0x88: {  	s2 =	sld [smem:$0x3FD9]  }
0x89: {  	s3 =	sld [smem:$0x3FFE];
	_ =	sdelay $0x1  }
0x8a: {  	s1 =	srdreg.scid  }
0x8b: {  	s0 =	sand.u32 $0x1, s1  }
0x8c: {  	s17 =	sshll.u32 s0, $0xA;
	s2 =	sadd.s32 s3, s2  }
0x8d: {  	s2 =	sadd.s32 s2, s17  }
0x8e: {  	[smem:$0x3FAE] =	sst s2  }
0x8f: {  	_ = 	snop  }
0x90: {  	(tm) =	ssettm $0x1  }
0x91: {  	s18 =	sld [smem:$0x3FFB];
	_ =	sdelay $0x3  }
0x92: {  	_ =	strace s18  }
0x93: {  	s2 =	sld [smem:$0x3FFC];
	_ =	sdelay $0x3  }
0x94: {  	_ =	strace s2  }
0x95: {  	s2 =	sld [smem:$0x3FFD];
	_ =	sdelay $0x3  }
0x96: {  	_ =	strace s2  }
0x97: {  	_ =	strace $0x8FFFFFFF  }
0x98: {  	s19 =	sld [smem:$0x3FDB];
	_ =	sdelay $0x1  }
0x99: {  	s20 =	simm.s32 $_scs_section_size  }
0x9a: {  	s4 =	simm.s32 $_size__tile_overlayer_lowered;
	s5 =	simm.s32 $_tile_overlayer_lowered  }
0x9b: {  	s6 =	simm.s32 $0x1BFF;
	s21 =	sshll.u32 s5, $0x1;
	s3 =	sadd.s32 s20, s19  }
0x9c: {  	s22 =	simm.s32 $0x0;
	s4 =	sshll.u32 s4, $0x1;
	s5 =	sadd.s32 s21, s3  }
0x9d: {  	[timem:s22], [sflag:s6] =	dma.local [hbm:s5], s4  }
0x9e: {  	_ =	swait.ge [sflag:s6], s4  }
0x9f: {  	s4 =	ssub.s32 $0x0, s4;
	[sflag:s6] =	ssyncset.done $0x0  }
0xa0: {  	[sflag:s6] =	ssyncadd.s32 s4;
	_ =	sdelay $0x1  }
0xa1: {  	s23 =	simm.s32 $0x1B8B  }
0xa2: {  	_ =	swait.ge [sflag:s23], $0x1  }
0xa3: {  	[sflag:s23] =	ssyncset.done $0x0  }
0xa4: {  	[sflag:s23] =	ssyncadd.s32 $0xFFFFFFFF  }
0xa5: {  	s4 =	sld [smem:$0x0]  }
0xa6: {  	s5 =	sand.u32 $0xFFFFFFFE, s1  }
0xa7: {  	p0 =	sne.s32 s1, s5  }
0xa8: {  	s5 =	sshll.u32 @p0 s5, $0xE  }
0xa9: {  	s5 =	sadd.s32 @p0 $0x11B8D, s5;
	s6 =	sshll.u32 @p0 s4, $0x11  }
0xaa: {  	s5 =	sor.u32 @p0 s6, s5  }
0xab: {  	[sflag:s5] =	ssyncadd.remote.s32 @p0 $0x1;
	_ =	sdelay $0x1  }
0xac: {  	s5 =	simm.s32 @p0 $0x1B8D  }
0xad: {  	_ =	swait.eq @p0 [sflag:s5], $0x1  }
0xae: {  	[sflag:s5] =	ssyncadd.s32 @p0 $0xFFFFFFFF  }
0xaf: {  	s6 =	sshll.u32 @!p0 s1, $0xE  }
0xb0: {  	s6 =	sor.u32 @!p0 $0x4000, s6;
	s5 =	simm.s32 @!p0 $0x1B8D  }
0xb1: {  	s7 =	sshll.u32 @!p0 s4, $0x11;
	s6 =	sadd.s32 @!p0 $0x11B8D, s6;
	_ =	swait.eq @!p0 [sflag:s5], $0x1  }
0xb2: {  	[sflag:s5] =	ssyncadd.s32 @!p0 $0xFFFFFFFF;
	s5 =	sor.u32 @!p0 s7, s6  }
0xb3: {  	s25 =	simm.s32 $0x1B8E;
	s24 =	sld [smem:$0x3FFE];
	[sflag:s5] =	ssyncadd.remote.s32 @!p0 $0x1  }
0xb4: {  	s26 =	simm.s32 $execute0_lowered;
	[smem:$0x3FD2] =	sst s25  }
0xb5: {  	s6 =	sshll.u32 s26, $0x1;
	_ =	strace $0x8000004F;
	[dreg:$0x1] =	wrdreg $0xFFFFFFFF  }
0xb6: {  	s28 =	simm.s32 $_size_execute0_lowered;
	s3 =	sadd.s32 s3, s6;
	[dreg:$0x0] =	wrdreg $0x0  }
0xb7: {  	s6 =	sshll.u32 s28, $0x1;
	[dreg:$0x2] =	wrdreg s3  }
0xb8: {  	[dreg:$0x3] =	wrdreg s6  }
0xb9: {  	[dreg:$0x4] =	wrdreg $0xC0  }
0xba: {  	_ =	task [dreg:s22], $0x5FFFF  }
0xbb: {  	[dreg:$0x1] =	wrdreg $0xFFFFFFFF  }
0xbc: {  	[dreg:$0x0] =	wrdreg $0x60  }
0xbd: {  	[dreg:$0x2] =	wrdreg s24  }
0xbe: {  	[dreg:$0x3] =	wrdreg s1  }
0xbf: {  	[dreg:$0x4] =	wrdreg s4  }
0xc0: {  	[dreg:$0x5] =	wrdreg $0x9  }
0xc1: {  	_ =	task.clear_ibuf [dreg:s22], $0x6FFFF;
	_ =	strace $0x9000004F  }
0xc2: {  	s29 =	simm.s32 $0x9;
	_ =	strace $0x80000051  }
0xc3: {  	_ =	swait.ge [sflag:s29], $0x1  }
0xc4: {  	[sflag:s29] =	ssyncadd.s32 $0xFFFFFFFF  }
0xc5: {  	_ =	strace $0x90000051  }
0xc6: {  	_ =	sfence  }
0xc7: {  	s30 =	sld [smem:$0x0];
	_ =	sdelay $0x2  }
0xc8: {  	s31 =	sshll.u32 s1, $0xD;
	s1 =	sshrl.u32 s1, $0x2  }
0xc9: {  	s4 =	sand.u32 $0x4000, s31;
	s1 =	sadd.s32 s1, s30  }
0xca: {  	s0 =	sor.u32 s4, s0;
	s1 =	sshll.u32 s1, $0x11  }
0xcb: {  	s0 =	sor.u32 s1, s0  }
0xcc: {  	s0 =	sadd.s32 $0x8F2B, s0  }
0xcd: {  	[sflag:s0] =	ssyncadd.remote.s32 $0x1  }
0xce: {  	_ =	sfence.sel $0xFFFF  }
0xcf: {  	[dreg:$0x0] =	wrdreg $0xFFFFFFFF;
	(pc) =	sbr.abs _section_cstart, $3  }
0xd0: {  	[dreg:$0x1] =	wrdreg $0xFFFFFFFF  }
0xd1: {  	_ =	task.clear_ibuf [dreg:s22], $0x2FFFF;
	_ =	strace $0x9FFFFFFF  }
0xd2: {  	(tm) =	ssettm $0x7FFFFFFF  }
0xd3: {  	_ =	shalt  }
tec
execute0_lowered:
.L_overlay_start_1:
0x0: {  	(tag) =	ssettag $0x1  }
0x1: {  	s2 =	rddreg [dreg:$0x0]  }
0x2: {  	s4 =	rddreg [dreg:$0x1];
	_ =	strace $0x80000050;
	s0 =	simm.s32 $0x1  }
0x3: {  	s3 =	simm.s32 $0x88;
	v0 =	vimm.s32 $0x0;
	[sflag:s0] =	ssyncpa.u1 $0x0  }
0x4: {  	[tilespmem:s3+$0x30] =	vst v0  }
0x5: {  	s1 =	sadd.s32 $0xC99A00, s2;
	s0 =	sadd.s32 $0x1C00, s2;
	s6 =	sadd.s32 $0x34600, s2;
	[tilespmem:s3+$0x20] =	vst v0  }
0x6: {  	s2 =	sadd.s32 $0xC81200, s2;
	s7 =	sand.u32 $0x1, s4;
	s4 =	simm.s32 $0x40;
	[tilespmem:s3+$0x10] =	vst v0  }
.LBB2_1:
0x7: {  	s4 =	sadd.s32 $0x40, s4  }
0x8: {  	[tilespmem:s3+$0x0] =	vst v0;
	s3 =	sadd.s32 $0x40, s3;
	p0 =	slt.u32 s4, $0x5040  }
.Ltmp0:
0x9: {  	(pc) =	sbr.rel @p0 .LBB2_1-.Ltmp0, $4  }
0xa: {  	_ = 	snop  }
0xb: {  	[tilespmem:s3+$0x30] =	vst v0  }
0xc: {  	[tilespmem:s3+$0x20] =	vst v0  }
0xd: {  	[tilespmem:s3+$0x10] =	vst v0  }
0xe: {  	s8 =	stileid.u32  }
0xf: {  	s4 =	smul.u32 $0x4E, s8  }
0x10: {  	s5 =	smin.u32 s8, $0x2  }
0x11: {  	s4 =	sadd.s32 s5, s4  }
0x12: {  	p0 =	slt.u32 s8, $0x2;
	s12 =	smul.u32 $0x140, s4;
	s4 =	simm.s32 $0x62C0  }
0x13: {  	s4 =	simm.s32 @!p0 $0x6180  }
0x14: {  	s25 =	simm.s32 $0x2;
	s4 =	sadd.s32 s4, s12  }
0x15: {  	s28 =	simm.s32 $0x9;
	s9 =	simm.s32 $0xA;
	s14 =	smin.u32 s4, $0x61A80  }
0x16: {  	s30 =	simm.s32 $0xB;
	[dreg:$0x4] =	wrdreg s7;
	s4 =	ssub.s32 s14, s12  }
0x17: {  	s31 =	smul.u32 $0xC350, s7;
	s13 =	simm.s32 $0x1;
	p0 =	sgt.s32 s4, $0x0  }
0x18: {  	s19 =	simm.s32 $0x0;
	s20 =	simm.s32 $0xA808;
	s4 =	simm.s32 @!p0 $0x0  }
0x19: {  	s21 =	simm.s32 $0xFFFFFFFF;
	p1 =	por $0x0, $0x0;
	s26 =	smulhi.u32 $0x66666667, s4  }
0x1a: {  	[tilespmem:s3+$0x0] =	vst v0;
	s23 =	simm.s32 $0x0;
	[sflag:s25] =	ssyncpa.u1 $0x0;
	s18 =	sshll.u32 s8, $0x7  }
0x1b: {  	s0 =	sadd.s32 s31, s0;
	[dreg:$0xa] =	wrdreg s18;
	s3 =	sshrl.u32 s26, $0x7  }
0x1c: {  	v0 =	vimm.s32 $0xFFFFFFFF;
	s17 =	sadd.s32 s31, s2;
	[dreg:$0x9] =	wrdreg s0;
	s29 =	smul.u32 $0x140, s3  }
0x1d: {  	s25 =	simm.s32 $0x0;
	[tilespmem:$0xA108] =	vst v0;
	[sflag:s28] =	ssyncpa.u1 $0x0;
	[dreg:$0x8] =	wrdreg s17  }
.Ltmp1:
0x1e: {  	p0 =	sne.s32 s4, s29;
	s4 =	simm.s32 $0x1;
	(pc) =	sbr.rel .LBB2_3-.Ltmp1, $4  }
0x1f: {  	[sflag:s9] =	ssyncpa.u1 $0x0;
	[dreg:$0x5] =	wrdreg s12;
	s4 =	simm.s32 @!p0 $0x0  }
0x20: {  	[sflag:s30] =	ssyncpa.u1 $0x0;
	[dreg:$0x6] =	wrdreg s14;
	s15 =	sadd.s32 s4, s3  }
0x21: {  	s24 =	smov.u32 s12;
	s22 =	sadd.s32 $0x1, s15;
	[dreg:$0x7] =	wrdreg s15  }
0x22: {  	v0 =	vlaneseq.u32;
	s26 =	simm.s32 $0x0;
	p0 =	por $0x1, $0x1;
	[dreg:$0xb] =	wrdreg s22  }
.LBB2_22:
0x23: {  	s0 =	sshrl.u32 s3, $0x2  }
.LBB2_24:
0x24: {  	s3 =	simm.s32 $0xC  }
0x25: {  	_ =	swait.ge [sflag:s3], s0  }
0x26: {  	s31 =	ssub.s32 $0x0, s0;
	v1 =	vmov s4;
	vm0 =	veq.s32 v0, $0x0;
	[sflag:s3] =	ssyncset.done $0x0  }
0x27: {  	vm15 =	veq.s32 v0, $0x2;
	v1 =	vsel vm0, s2, v1;
	[sflag:s3] =	ssyncadd.s32 s31  }
0x28: {  	v1 =	vsel vm15, s26, v1;
	[sflag:s3] =	ssyncpa.u1 $0x1  }
0x29: {  	[tilespmem:$0xA108] =	vst v1  }
.LBB2_25:
0x2a: {  	s0 =	sadd.s32 $0x140, s24  }
0x2b: {  	s2 =	smov.u32 s12;
	p2 =	slt.s32 s0, s14  }
0x2c: {  	s2 =	smov.u32 @p2 s0;
	p2 =	sne.s32 s25, s22  }
.Ltmp2:
0x2d: {  	_ = 	snop;
	(pc) =	sbr.rel @!p2 .LBB2_26-.Ltmp2, $4  }
0x2e: {  	_ = 	snop  }
0x2f: {  	s26 =	smov.u32 s23;
	s31 =	sadd.s32 $0x1, s25;
	p0 =	por !p0, !p0  }
0x30: {  	s23 =	smov.u32 s24;
	s20 =	sadd.s32 $0x140, s20;
	s21 =	sadd.s32 $0x1, s21  }
0x31: {  	p1 =	por !p1, !p1;
	s25 =	smov.u32 s31;
	s24 =	smov.u32 s2  }
.LBB2_3:
0x32: {  	p2 =	sge.u32 s25, s15  }
0x33: {  	s0 =	smulhi.u32 @!p2 $0xAAAAAAAB, s25  }
0x34: {  	s2 =	smov.u32 s24;
	p3 =	sgt.s32 @!p2 s24, $0x61940  }
0x35: {  	s3 =	sshra.s32 @!p2 s24, $0x1F;
	p3 =	por !p3, p2;
	s0 =	sshrl.u32 @!p2 s0, $0x1  }
0x36: {  	s3 =	sand.u32 @!p2 s3, s24;
	s2 =	simm.s32 @p3 $0x61940;
	s0 =	smul.u32 @!p2 $0x3, s0  }
0x37: {  	s2 =	ssub.s32 @!p2 s2, s3  }
0x38: {  	s2 =	sadd.s32 @!p2 $0xFFF9E6C0, s2;
	s0 =	ssub.s32 @!p2 s25, s0  }
0x39: {  	s3 =	sshll.u32 @!p2 s2, $0x2;
	p3 =	sgt.s32 @!p2 s2, $0x13F;
	s0 =	smul.u32 @!p2 $0x500, s0  }
0x3a: {  	s4 =	sand.u32 @!p2 $0x7, s24;
	s2 =	ssub.s32 @!p2 $0x500, s3;
	p3 =	por !p3, p2  }
0x3b: {  	s3 =	sshrl.u32 @!p2 s24, $0x3;
	s2 =	sshrl.u32 @!p2 s2, $0x2;
	s0 =	sshrl.u32 @!p2 s0, $0x2  }
0x3c: {  	s3 =	sadd.s32 @!p2 s3, s17;
	s2 =	simm.s32 @!p3 $0x0;
	s0 =	sadd.s32 @!p2 $0xA948, s0  }
0x3d: {  	[tilespmem:s0], [sflag:$0xA] =	stream.linear.gather @!p2 [hbm4b:s3+s4], s2, $0x38;
	[tilespmem:$0x1EF88] =	vst v63  }
0x3e: {  	s0 =	sadd.s32 $0xFFFFFFFF, s25  }
0x3f: {  	p2 =	sge.u32 s0, s15  }
.Ltmp3:
0x40: {  	_ = 	snop;
	(pc) =	sbr.rel @p2 .LBB2_7-.Ltmp3, $1  }
0x41: {  	_ =	sdelay $0x3  }
0x42: {  	p2 =	sgt.s32 s23, $0x61940;
	s2 =	smov.u32 s23;
	s3 =	sshra.s32 s23, $0x1F  }
0x43: {  	s2 =	simm.s32 @!p2 $0x61940;
	s3 =	sand.u32 s3, s23  }
0x44: {  	s17 =	smulhi.u32 $0xAAAAAAAB, s21;
	s2 =	ssub.s32 s2, s3  }
0x45: {  	s0 =	sand.u32 $0x1, s0;
	s2 =	sadd.s32 $0xFFF9E6C0, s2  }
0x46: {  	s5 =	simm.s32 $0xA;
	s3 =	sshrl.u32 s17, $0x1;
	s4 =	sshll.u32 s2, $0x2  }
0x47: {  	s7 =	sshrl.u32 s23, $0x3;
	s3 =	smul.u32 $0xFFFFF100, s3;
	s4 =	ssub.s32 $0x500, s4  }
0x48: {  	s18 =	smul.u32 $0x500, s0;
	p2 =	sgt.s32 s2, $0x13F;
	s2 =	sshrl.u32 s4, $0x2  }
0x49: {  	s9 =	sand.u32 $0x7, s23;
	s3 =	sshra.s32 s3, $0x2;
	s2 =	simm.s32 @p2 $0x0  }
0x4a: {  	s0 =	sadd.s32 s3, s20;
	s4 =	sshrl.u32 s18, $0x2;
	_ =	swait.ge [sflag:s5], s2  }
0x4b: {  	s22 =	ssub.s32 $0x0, s2;
	[sflag:s5] =	ssyncset.done $0x0;
	s8 =	rddreg [dreg:$0x9]  }
0x4c: {  	s4 =	sadd.s32 $0xAD08, s4;
	[sflag:s5] =	ssyncadd.s32 s22;
	s3 =	sadd.s32 s7, s8  }
0x4d: {  	[tilespmem:s4], [sflag:$0xB] =	stream.linear.gather [hbm4b:s3+s9], s2, $0x38;
	[tilespmem:$0x1EF88] =	vst v63  }
0x4e: {  	v1 =	vld.msk [tilespmem:s0+$0x0], $0xffff;
	_ =	sdelay $0x4  }
0x4f: {  	v1 =	vshll.u32 v1, $0x4  }
0x50: {  	(v2sf) =	vpush v1, $0x0  }
0x51: {  	(v2sf) =	vpush v1, $0x1  }
0x52: {  	(v2sf) =	vpush v1, $0x2;
	_ =	sdelay $0x3  }
0x53: {  	(v2sf) =	vpush v1, $0x3;
	_ =	sdelay $0x1  }
0x54: {  	(v2sf) =	vpush v1, $0x4  }
0x55: {  	s2 =	simm.s32 $0x1;
	(v2sf) =	vpush v1, $0x5  }
0x56: {  	s2 =	simm.s32 @!p0 $0x0  }
0x57: {  	s2 =	smul.u32 $0x28000, s2;
	(v2sf) =	vpush v1, $0x6;
	_ =	sdelay $0x1  }
0x58: {  	s2 =	sshrl.u32 s2, $0x2  }
0x59: {  	s28 =	sadd.s32 $0xB708, s2  }
0x5a: {  	s12 =	sadd.s32 $0xFFFFF880, s28;
	s17 =	sadd.s32 $0xFFFFF900, s28;
	s10 =	spop (v2sf);
	(v2sf) =	vpush v1, $0x7  }
0x5b: {  	s18 =	sadd.s32 $0xFFFFF980, s28;
	s11 =	sand.u32 $0x1FFFFFF0, s10;
	s14 =	spop (v2sf)  }
0x5c: {  	(v2sf) =	vpush v1, $0x8;
	s2 =	sadd.s32 s6, s11;
	s15 =	sand.u32 $0x1FFFFFF0, s14;
	s16 =	spop (v2sf)  }
0x5d: {  	[tilespmem:s12], [sflag:$0x9] =	stream.linear.gather [hbm4b:s2+s19], $0x40, $0x38;
	[tilespmem:$0x1EF88] =	vst v63  }
0x5e: {  	s5 =	sadd.s32 $0xFFFFFA00, s28;
	s2 =	sadd.s32 s6, s15;
	s3 =	sand.u32 $0x1FFFFFF0, s16  }
0x5f: {  	(v2sf) =	vpush v1, $0x9;
	[tilespmem:s17], [sflag:$0x9] =	stream.linear.gather [hbm4b:s2+s19], $0x40, $0x38;
	[tilespmem:$0x1EF88] =	vst v63  }
0x60: {  	s7 =	sadd.s32 $0xFFFFFA80, s28;
	s22 =	spop (v2sf);
	s3 =	sadd.s32 s6, s3  }
0x61: {  	(v2sf) =	vpush v1, $0xA;
	[tilespmem:s18], [sflag:$0x9] =	stream.linear.gather [hbm4b:s3+s19], $0x40, $0x38;
	[tilespmem:$0x1EF88] =	vst v63  }
0x62: {  	s11 =	sadd.s32 $0xFFFFFB00, s28;
	s4 =	spop (v2sf);
	(v2sf) =	vpush v1, $0xB;
	s3 =	sand.u32 $0x1FFFFFF0, s22  }
0x63: {  	s8 =	spop (v2sf);
	s2 =	sadd.s32 s6, s3;
	s3 =	sand.u32 $0x1FFFFFF0, s4  }
0x64: {  	(v2sf) =	vpush v1, $0xC;
	[tilespmem:s5], [sflag:$0x9] =	stream.linear.gather [hbm4b:s2+s19], $0x40, $0x38;
	[tilespmem:$0x1EF88] =	vst v63  }
0x65: {  	s9 =	sand.u32 $0x1FFFFFF0, s8;
	s10 =	spop (v2sf);
	s3 =	sadd.s32 s6, s3  }
0x66: {  	(v2sf) =	vpush v1, $0xD;
	[tilespmem:s7], [sflag:$0x9] =	stream.linear.gather [hbm4b:s3+s19], $0x40, $0x38;
	[tilespmem:$0x1EF88] =	vst v63  }
0x67: {  	s12 =	sadd.s32 $0xFFFFFB80, s28;
	s2 =	sadd.s32 s6, s9;
	s3 =	sand.u32 $0x1FFFFFF0, s10  }
0x68: {  	[tilespmem:s11], [sflag:$0x9] =	stream.linear.gather [hbm4b:s2+s19], $0x40, $0x38;
	[tilespmem:$0x1EF88] =	vst v63  }
0x69: {  	s17 =	sadd.s32 $0xFFFFFC00, s28;
	s3 =	sadd.s32 s6, s3;
	s14 =	spop (v2sf)  }
0x6a: {  	[tilespmem:s12], [sflag:$0x9] =	stream.linear.gather [hbm4b:s3+s19], $0x40, $0x38;
	(v2sf) =	vpush v1, $0xE;
	[tilespmem:$0x1EF88] =	vst v63  }
0x6b: {  	s18 =	sadd.s32 $0xFFFFFC80, s28;
	s15 =	sand.u32 $0x1FFFFFF0, s14;
	s16 =	spop (v2sf)  }
0x6c: {  	s5 =	sadd.s32 $0xFFFFFD00, s28;
	(v2sf) =	vpush v1, $0xF;
	s2 =	sadd.s32 s6, s15;
	s3 =	sand.u32 $0x1FFFFFF0, s16  }
0x6d: {  	[tilespmem:s17], [sflag:$0x9] =	stream.linear.gather [hbm4b:s2+s19], $0x40, $0x38;
	[tilespmem:$0x1EF88] =	vst v63  }
0x6e: {  	s7 =	sadd.s32 $0xFFFFFD80, s28;
	s22 =	spop (v2sf);
	s3 =	sadd.s32 s6, s3  }
0x6f: {  	[tilespmem:s18], [sflag:$0x9] =	stream.linear.gather [hbm4b:s3+s19], $0x40, $0x38;
	[tilespmem:$0x1EF88] =	vst v63  }
0x70: {  	s11 =	sadd.s32 $0xFFFFFE00, s28;
	s4 =	spop (v2sf);
	s3 =	sand.u32 $0x1FFFFFF0, s22  }
0x71: {  	s8 =	spop (v2sf);
	s2 =	sadd.s32 s6, s3;
	s3 =	sand.u32 $0x1FFFFFF0, s4  }
0x72: {  	[tilespmem:s5], [sflag:$0x9] =	stream.linear.gather [hbm4b:s2+s19], $0x40, $0x38;
	[tilespmem:$0x1EF88] =	vst v63  }
0x73: {  	s9 =	sand.u32 $0x1FFFFFF0, s8;
	s10 =	spop (v2sf);
	s3 =	sadd.s32 s6, s3  }
0x74: {  	[tilespmem:s7], [sflag:$0x9] =	stream.linear.gather [hbm4b:s3+s19], $0x40, $0x38;
	[tilespmem:$0x1EF88] =	vst v63  }
0x75: {  	s14 =	spop (v2sf);
	s2 =	sadd.s32 s6, s9;
	s3 =	sand.u32 $0x1FFFFFF0, s10  }
0x76: {  	[tilespmem:s11], [sflag:$0x9] =	stream.linear.gather [hbm4b:s2+s19], $0x40, $0x38;
	[tilespmem:$0x1EF88] =	vst v63  }
0x77: {  	s12 =	sadd.s32 $0xFFFFFE80, s28;
	s15 =	sand.u32 $0x1FFFFFF0, s14;
	s3 =	sadd.s32 s6, s3  }
0x78: {  	[tilespmem:s12], [sflag:$0x9] =	stream.linear.gather [hbm4b:s3+s19], $0x40, $0x38;
	[tilespmem:$0x1EF88] =	vst v63  }
0x79: {  	s17 =	sadd.s32 $0xFFFFFF00, s28;
	s2 =	sadd.s32 s6, s15;
	s16 =	spop (v2sf)  }
0x7a: {  	[tilespmem:s17], [sflag:$0x9] =	stream.linear.gather [hbm4b:s2+s19], $0x40, $0x38;
	[tilespmem:$0x1EF88] =	vst v63  }
0x7b: {  	s29 =	simm.s32 $0x0;
	s3 =	sand.u32 $0x1FFFFFF0, s16;
	s18 =	spop (v2sf)  }
0x7c: {  	s22 =	sadd.s32 $0xFFFFFF80, s28;
	s3 =	sadd.s32 s6, s3;
	s2 =	sand.u32 $0x1FFFFFF0, s18  }
0x7d: {  	[tilespmem:s22], [sflag:$0x9] =	stream.linear.gather [hbm4b:s3+s19], $0x40, $0x38;
	[tilespmem:$0x1EF88] =	vst v63  }
0x7e: {  	s31 =	sadd.s32 $0x10, s0;
	s30 =	sadd.s32 $0x800, s28;
	s2 =	sadd.s32 s6, s2  }
.LBB2_5:
0x7f: {  	[tilespmem:s28], [sflag:$0x9] =	stream.linear.gather [hbm4b:s2+s19], $0x40, $0x38;
	[tilespmem:$0x1EF88] =	vst v63  }
0x80: {  	s29 =	sadd.s32 $0x10, s29;
	s28 =	smov.u32 s30  }
0x81: {  	p2 =	slt.u32 s29, $0x130;
	v1 =	vld.msk [tilespmem:s31+$0x0], $0xffff;
	_ =	sdelay $0x4  }
0x82: {  	v1 =	vshll.u32 v1, $0x4  }
0x83: {  	(v2sf) =	vpush v1, $0x0  }
0x84: {  	(v2sf) =	vpush v1, $0x1  }
0x85: {  	(v2sf) =	vpush v1, $0x2;
	_ =	sdelay $0x1  }
0x86: {  	(v2sf) =	vpush v1, $0x3;
	_ =	sdelay $0x1  }
0x87: {  	(v2sf) =	vpush v1, $0x4;
	_ =	sdelay $0x1  }
0x88: {  	(v2sf) =	vpush v1, $0x5;
	_ =	sdelay $0x1  }
0x89: {  	(v2sf) =	vpush v1, $0x6  }
0x8a: {  	s4 =	sadd.s32 $0xFFFFFE80, s30;
	s0 =	sadd.s32 $0xFFFFFF00, s30  }
0x8b: {  	s3 =	sadd.s32 $0xFFFFFD00, s30;
	s2 =	sadd.s32 $0xFFFFFD80, s30;
	s5 =	sadd.s32 $0xFFFFFE00, s30;
	(v2sf) =	vpush v1, $0x7  }
0x8c: {  	s10 =	sadd.s32 $0xFFFFFB80, s30;
	s9 =	sadd.s32 $0xFFFFFC00, s30;
	s16 =	sadd.s32 $0xFFFFFC80, s30  }
0x8d: {  	s11 =	sadd.s32 $0xFFFFFA00, s30;
	s12 =	sadd.s32 $0xFFFFFA80, s30;
	s15 =	sadd.s32 $0xFFFFFB00, s30;
	(v2sf) =	vpush v1, $0x8  }
0x8e: {  	s18 =	sadd.s32 $0xFFFFF900, s30;
	s7 =	sadd.s32 $0xFFFFF980, s30;
	s22 =	spop (v2sf)  }
0x8f: {  	s8 =	sadd.s32 $0xFFFFF880, s30;
	s22 =	sand.u32 $0x1FFFFFF0, s22;
	s14 =	spop (v2sf);
	(v2sf) =	vpush v1, $0x9  }
0x90: {  	s22 =	sadd.s32 s6, s22;
	s14 =	sand.u32 $0x1FFFFFF0, s14;
	s17 =	spop (v2sf)  }
0x91: {  	[tilespmem:s8], [sflag:$0x9] =	stream.linear.gather [hbm4b:s22+s19], $0x40, $0x38;
	(v2sf) =	vpush v1, $0xA;
	[tilespmem:$0x1EF88] =	vst v63  }
0x92: {  	s8 =	sadd.s32 s6, s14;
	s14 =	sand.u32 $0x1FFFFFF0, s17;
	s17 =	spop (v2sf)  }
0x93: {  	[tilespmem:s18], [sflag:$0x9] =	stream.linear.gather [hbm4b:s8+s19], $0x40, $0x38;
	(v2sf) =	vpush v1, $0xB;
	[tilespmem:$0x1EF88] =	vst v63  }
0x94: {  	s8 =	sadd.s32 s6, s14;
	s14 =	sand.u32 $0x1FFFFFF0, s17;
	s17 =	spop (v2sf)  }
0x95: {  	[tilespmem:s7], [sflag:$0x9] =	stream.linear.gather [hbm4b:s8+s19], $0x40, $0x38;
	(v2sf) =	vpush v1, $0xC;
	[tilespmem:$0x1EF88] =	vst v63  }
0x96: {  	s7 =	sadd.s32 s6, s14;
	s8 =	sand.u32 $0x1FFFFFF0, s17;
	s14 =	spop (v2sf)  }
0x97: {  	[tilespmem:s11], [sflag:$0x9] =	stream.linear.gather [hbm4b:s7+s19], $0x40, $0x38;
	(v2sf) =	vpush v1, $0xD;
	[tilespmem:$0x1EF88] =	vst v63  }
0x98: {  	s7 =	sadd.s32 s6, s8;
	s8 =	sand.u32 $0x1FFFFFF0, s14;
	s11 =	spop (v2sf)  }
0x99: {  	[tilespmem:s12], [sflag:$0x9] =	stream.linear.gather [hbm4b:s7+s19], $0x40, $0x38;
	(v2sf) =	vpush v1, $0xE;
	[tilespmem:$0x1EF88] =	vst v63  }
0x9a: {  	s7 =	sadd.s32 s6, s8;
	s8 =	sand.u32 $0x1FFFFFF0, s11;
	s11 =	spop (v2sf)  }
0x9b: {  	[tilespmem:s15], [sflag:$0x9] =	stream.linear.gather [hbm4b:s7+s19], $0x40, $0x38;
	(v2sf) =	vpush v1, $0xF;
	[tilespmem:$0x1EF88] =	vst v63  }
0x9c: {  	s7 =	sadd.s32 s6, s8;
	s8 =	sand.u32 $0x1FFFFFF0, s11;
	s11 =	spop (v2sf)  }
0x9d: {  	[tilespmem:s10], [sflag:$0x9] =	stream.linear.gather [hbm4b:s7+s19], $0x40, $0x38;
	[tilespmem:$0x1EF88] =	vst v63  }
0x9e: {  	s7 =	sadd.s32 s6, s8;
	s8 =	sand.u32 $0x1FFFFFF0, s11;
	s10 =	spop (v2sf)  }
0x9f: {  	[tilespmem:s9], [sflag:$0x9] =	stream.linear.gather [hbm4b:s7+s19], $0x40, $0x38;
	[tilespmem:$0x1EF88] =	vst v63  }
0xa0: {  	s7 =	sadd.s32 s6, s8;
	s8 =	sand.u32 $0x1FFFFFF0, s10;
	s9 =	spop (v2sf)  }
0xa1: {  	[tilespmem:s16], [sflag:$0x9] =	stream.linear.gather [hbm4b:s7+s19], $0x40, $0x38;
	[tilespmem:$0x1EF88] =	vst v63  }
0xa2: {  	s7 =	sadd.s32 s6, s8;
	s8 =	sand.u32 $0x1FFFFFF0, s9;
	s9 =	spop (v2sf)  }
0xa3: {  	[tilespmem:s3], [sflag:$0x9] =	stream.linear.gather [hbm4b:s7+s19], $0x40, $0x38;
	[tilespmem:$0x1EF88] =	vst v63  }
0xa4: {  	s3 =	sadd.s32 s6, s8;
	s7 =	sand.u32 $0x1FFFFFF0, s9;
	s8 =	spop (v2sf)  }
0xa5: {  	[tilespmem:s2], [sflag:$0x9] =	stream.linear.gather [hbm4b:s3+s19], $0x40, $0x38;
	[tilespmem:$0x1EF88] =	vst v63  }
0xa6: {  	s2 =	sadd.s32 s6, s7;
	s3 =	sand.u32 $0x1FFFFFF0, s8;
	s7 =	spop (v2sf)  }
0xa7: {  	[tilespmem:s5], [sflag:$0x9] =	stream.linear.gather [hbm4b:s2+s19], $0x40, $0x38;
	[tilespmem:$0x1EF88] =	vst v63  }
0xa8: {  	s2 =	sadd.s32 s6, s3;
	s3 =	sand.u32 $0x1FFFFFF0, s7;
	s5 =	spop (v2sf)  }
0xa9: {  	[tilespmem:s4], [sflag:$0x9] =	stream.linear.gather [hbm4b:s2+s19], $0x40, $0x38;
	[tilespmem:$0x1EF88] =	vst v63  }
0xaa: {  	s2 =	sadd.s32 s6, s3  }
.Ltmp4:
0xab: {  	s3 =	sand.u32 $0x1FFFFFF0, s5;
	s4 =	spop (v2sf);
	(pc) =	sbr.rel @p2 .LBB2_5-.Ltmp4, $4  }
0xac: {  	[tilespmem:s0], [sflag:$0x9] =	stream.linear.gather [hbm4b:s2+s19], $0x40, $0x38;
	[tilespmem:$0x1EF88] =	vst v63  }
0xad: {  	s0 =	sadd.s32 s6, s3;
	s2 =	sadd.s32 $0xFFFFFF80, s30;
	s3 =	sand.u32 $0x1FFFFFF0, s4  }
0xae: {  	[tilespmem:s2], [sflag:$0x9] =	stream.linear.gather [hbm4b:s0+s19], $0x40, $0x38;
	[tilespmem:$0x1EF88] =	vst v63  }
0xaf: {  	s31 =	sadd.s32 $0x10, s31;
	s30 =	sadd.s32 $0x800, s30;
	s2 =	sadd.s32 s6, s3  }
0xb0: {  	[tilespmem:s28], [sflag:$0x9] =	stream.linear.gather [hbm4b:s2+s19], $0x40, $0x38;
	[tilespmem:$0x1EF88] =	vst v63  }
0xb1: {  	s12 =	rddreg [dreg:$0x5]  }
0xb2: {  	s14 =	rddreg [dreg:$0x6]  }
0xb3: {  	s15 =	rddreg [dreg:$0x7]  }
0xb4: {  	s17 =	rddreg [dreg:$0x8]  }
0xb5: {  	s18 =	rddreg [dreg:$0xa]  }
0xb6: {  	s22 =	rddreg [dreg:$0xb]  }
.LBB2_7:
0xb7: {  	p2 =	slt.u32 s25, $0x2  }
.Ltmp5:
0xb8: {  	_ = 	snop;
	(pc) =	sbr.rel @p2 .LBB2_25-.Ltmp5, $1  }
0xb9: {  	_ =	sdelay $0x3  }
0xba: {  	p2 =	sgt.s32 s26, $0x61940;
	s0 =	smov.u32 s26;
	s2 =	sshra.s32 s26, $0x1F  }
0xbb: {  	s0 =	simm.s32 @!p2 $0x61940;
	s2 =	sand.u32 s2, s26  }
0xbc: {  	s0 =	ssub.s32 s0, s2  }
0xbd: {  	s0 =	sadd.s32 $0xFFF9E6C0, s0  }
0xbe: {  	s3 =	simm.s32 $0x9;
	s29 =	sshll.u32 s0, $0x2  }
0xbf: {  	_ =	swait.ge [sflag:s3], $0x5000;
	s2 =	ssub.s32 $0x500, s29  }
0xc0: {  	[sflag:s3] =	ssyncset.done $0x0;
	p2 =	sgt.s32 s0, $0x13F;
	s0 =	sshrl.u32 s2, $0x2  }
0xc1: {  	s30 =	simm.s32 $0xB;
	[sflag:s3] =	ssyncadd.s32 $0xFFFFB000;
	s0 =	simm.s32 @p2 $0x0  }
0xc2: {  	_ =	swait.ge [sflag:s30], s0  }
0xc3: {  	s0 =	ssub.s32 $0x0, s0;
	[sflag:s30] =	ssyncset.done $0x0  }
0xc4: {  	[sflag:s30] =	ssyncadd.s32 s0  }
0xc5: {  	v1 =	vld [tilespmem:$0xA108];
	_ =	sdelay $0x4  }
0xc6: {  	(v2sf) =	vpush v1, $0x0  }
0xc7: {  	(v2sf) =	vpush v1, $0x1  }
0xc8: {  	(v2sf) =	vpush v1, $0x2;
	_ =	sdelay $0x3  }
0xc9: {  	s0 =	sadd.s32 $0x140, s26  }
0xca: {  	s4 =	ssub.s32 $0xC3500, s26;
	p2 =	slt.s32 s14, s0  }
0xcb: {  	s0 =	smov.u32 @p2 s14;
	p2 =	sgt.s32 s4, $0x0  }
0xcc: {  	s0 =	ssub.s32 s0, s26;
	s4 =	simm.s32 @!p2 $0x0  }
0xcd: {  	p2 =	slt.s32 s4, s0  }
0xce: {  	s0 =	smov.u32 @p2 s4  }
0xcf: {  	s2 =	simm.s32 $0x1;
	p2 =	slt.s32 s0, $0x1  }
.Ltmp6:
0xd0: {  	s2 =	simm.s32 @!p1 $0x0;
	(pc) =	sbr.rel @p2 .LBB2_12-.Ltmp6, $4  }
0xd1: {  	s7 =	smul.u32 $0x500, s2  }
0xd2: {  	s3 =	spop (v2sf)  }
0xd3: {  	s31 =	sshrl.u32 s7, $0x2;
	s5 =	spop (v2sf)  }
0xd4: {  	s28 =	sadd.s32 $0xAD08, s31;
	s26 =	spop (v2sf)  }
0xd5: {  	s4 =	smin.u32 s0, $0x10  }
0xd6: {  	v1 =	vmov s4  }
0xd7: {  	p3 =	sgt.s32 s0, $0x10;
	vm1 =	vgt.u32 v1, v0  }
.Ltmp7:
0xd8: {  	_ = 	snop;
	(pc) =	sbr.rel @!p3 .LBB2_11-.Ltmp7, $2  }
0xd9: {  	_ =	sdelay $0x2  }
0xda: {  	s9 =	simm.s32 $0x10;
	s10 =	sadd.s32 $0xFFFFFFF0, s0;
	s4 =	smov.u32 s28;
	vm0 =	vmmov vm1  }
.LBB2_10:
0xdb: {  	s7 =	smin.u32 s10, $0x10;
	s9 =	sadd.s32 $0x10, s9;
	v1 =	vld.msk [tilespmem:s4+$0x0 ss:$0x1], vm1  }
0xdc: {  	v2 =	vmov s7;
	p3 =	slt.s32 s9, s0  }
0xdd: {  	vm1 =	vgt.u32 v2, v0  }
.Ltmp8:
0xde: {  	(pc) =	sbr.rel @p3 .LBB2_10-.Ltmp8, $3  }
0xdf: {  	_ =	sdelay $0x1  }
0xe0: {  	v1 =	vshll.u32 v1, $0x4  }
0xe1: {  	s10 =	sadd.s32 $0xFFFFFFF0, s10;
	[tilespmem:s4+$0x0] =	vst.msk vm0, v1;
	s4 =	sadd.s32 $0x10, s4;
	vm0 =	vmmov vm1  }
.LBB2_11:
0xe2: {  	_ =	sdelay $0x4  }
0xe3: {  	v1 =	vld.msk [tilespmem:s4+$0x0 ss:$0x1], vm1;
	_ =	sdelay $0x4  }
0xe4: {  	v1 =	vshll.u32 v1, $0x4  }
0xe5: {  	[tilespmem:s4+$0x0] =	vst.msk vm0, v1  }
.LBB2_12:
0xe6: {  	s4 =	sand.u32 $0x1, s25  }
0xe7: {  	s4 =	smul.u32 $0x140, s4  }
0xe8: {  	p3 =	sne.s32 s5, $0xFFFFFFFF  }
0xe9: {  	v1 =	vld.msk @!p3 [tilespmem:s4+$0xAD08], $0x1;
	_ =	sdelay $0x4  }
0xea: {  	(v2sf) =	vpush @!p3 v1, $0x0;
	_ =	sdelay $0xc  }
.Ltmp9:
0xeb: {  	_ = 	snop;
	(pc) =	sbr.rel @p2 .LBB2_23-.Ltmp9, $4  }
0xec: {  	_ = 	snop  }
0xed: {  	s29 =	spop @!p3 (v2sf)  }
0xee: {  	s31 =	simm.s32 $0xC;
	s26 =	simm.s32 @!p3 $0x0;
	s4 =	smov.u32 s29  }
0xef: {  	[sflag:s31] =	ssyncpa.u1 $0x0;
	s29 =	smov.u32 @p3 s3;
	s4 =	smov.u32 @p3 s5  }
0xf0: {  	v1 =	vld.msk [tilespmem:s28+$0x0], $0x1;
	_ =	sdelay $0x4  }
0xf1: {  	(v2sf) =	vpush v1, $0x0;
	_ =	sdelay $0xe  }
0xf2: {  	s2 =	smul.u32 $0x28000, s2;
	s5 =	spop (v2sf)  }
0xf3: {  	s31 =	ssub.s32 $0x0, s0;
	p2 =	seq.s32 s29, s5  }
0xf4: {  	s3 =	smov.u32 s29;
	s2 =	sshrl.u32 s2, $0x2;
	p3 =	sgt.s32 @!p2 s29, $0x0  }
0xf5: {  	s30 =	sadd.s32 $0xAFA8, s2;
	s2 =	sadd.s32 $0x1, s31;
	p3 =	por !p3, p2  }
0xf6: {  	s3 =	simm.s32 @p3 $0x0;
	p3 =	seq.s32 s2, $0x0  }
.Ltmp10:
0xf7: {  	_ = 	snop;
	(pc) =	sbr.rel @p3 .LBB2_15-.Ltmp10, $4  }
0xf8: {  	_ = 	snop  }
0xf9: {  	s0 =	simm.s32 $0x0;
	s9 =	simm.s32 @!p2 $0x1;
	s3 =	smin.u32 @!p2 s3, $0xC34F8  }
0xfa: {  	s10 =	simm.s32 @!p2 $0x50C8;
	s9 =	smov.u32 @p2 s0;
	s7 =	sand.u32 @!p2 $0xFFFF8, s3  }
0xfb: {  	s16 =	sand.u32 @!p2 $0x7, s3;
	s3 =	sadd.s32 $0x1, s28;
	s11 =	sadd.s32 @!p2 s1, s7  }
.LBB2_14:
0xfc: {  	s7 =	smov.u32 s9  }
0xfd: {  	[tilespmem:s10], [sflag:$0x2] =	stream.linear.gather @!p2 [hbm4b:s11+s16], $0x40, $0x38;
	[tilespmem:$0x1EF88] =	vst v63  }
0xfe: {  	s2 =	sadd.s32 $0x1, s2;
	s8 =	smov.u32 s5;
	v1 =	vld.msk [tilespmem:s3+$0x0], $0x1  }
0xff: {  	p3 =	seq.s32 s2, $0x0;
	_ =	sdelay $0x3  }
0x100: {  	(v2sf) =	vpush v1, $0x0;
	_ =	sdelay $0xe  }
0x101: {  	s5 =	spop (v2sf)  }
0x102: {  	p2 =	seq.s32 s8, s5  }
0x103: {  	p4 =	sgt.s32 @!p2 s8, $0x0;
	s10 =	sshll.u32 @!p2 s9, $0x8;
	s9 =	sadd.s32 @!p2 $0x1, s9  }
.Ltmp11:
0x104: {  	p4 =	por !p4, p2;
	s10 =	sshra.s32 @!p2 s10, $0x2;
	(pc) =	sbr.rel @!p3 .LBB2_14-.Ltmp11, $4  }
0x105: {  	s9 =	smov.u32 @p2 s7;
	s8 =	simm.s32 @p4 $0x0;
	s10 =	sadd.s32 @!p2 $0x50C8, s10  }
0x106: {  	s7 =	smin.u32 @!p2 s8, $0xC34F8  }
0x107: {  	s8 =	sand.u32 @!p2 $0xFFFF8, s7;
	s16 =	sand.u32 @!p2 $0x7, s7  }
0x108: {  	s3 =	sadd.s32 $0x1, s3;
	s11 =	sadd.s32 @!p2 s1, s8  }
.LBB2_15:
0x109: {  	[tilespmem:s10], [sflag:$0x2] =	stream.linear.gather @!p2 [hbm4b:s11+s16], $0x40, $0x38;
	[tilespmem:$0x1EF88] =	vst v63  }
.Ltmp12:
0x10a: {  	s2 =	sshll.u32 s9, $0x6;
	(pc) =	sbr.rel .LBB2_16-.Ltmp12, $4  }
0x10b: {  	s3 =	simm.s32 $0x2;
	s2 =	sand.u32 $0x3FFFFFC0, s2  }
0x10c: {  	_ =	swait.ge [sflag:s3], s2  }
0x10d: {  	s2 =	ssub.s32 $0x0, s2;
	[sflag:s3] =	ssyncset.done $0x0  }
0x10e: {  	[sflag:s3] =	ssyncadd.s32 s2;
	s3 =	simm.s32 $0x0  }
.LBB2_17:
0x10f: {  	v1 =	vld [tilespmem:s30+$0xFFFFFFE0];
	_ =	sdelay $0x4  }
0x110: {  	[tilespmem:s5+$0x88] =	vst.add.f32.msk $0xffff, v1  }
0x111: {  	v1 =	vld [tilespmem:s30+$0xFFFFFFF0];
	_ =	sdelay $0x4  }
0x112: {  	[tilespmem:s5+$0x98] =	vst.add.f32.msk $0xffff, v1  }
0x113: {  	v1 =	vld [tilespmem:s30+$0x0];
	_ =	sdelay $0x4  }
0x114: {  	[tilespmem:s5+$0xA8] =	vst.add.f32.msk $0xffff, v1  }
0x115: {  	v1 =	vld [tilespmem:s30+$0x10];
	_ =	sdelay $0x4  }
0x116: {  	[tilespmem:s5+$0xB8] =	vst.add.f32.msk $0xffff, v1  }
.LBB2_21:
0x117: {  	s31 =	sadd.s32 $0x1, s31  }
0x118: {  	p2 =	seq.s32 s31, $0x0  }
.Ltmp13:
0x119: {  	_ = 	snop;
	(pc) =	sbr.rel @p2 .LBB2_22-.Ltmp13, $2  }
0x11a: {  	_ =	sdelay $0x2  }
0x11b: {  	s30 =	sadd.s32 $0x80, s30;
	s28 =	sadd.s32 $0x1, s28;
	s29 =	smov.u32 s2  }
.LBB2_16:
0x11c: {  	v1 =	vld.msk [tilespmem:s28+$0x0], $0x1;
	_ =	sdelay $0x4  }
0x11d: {  	(v2sf) =	vpush v1, $0x0;
	_ =	sdelay $0xe  }
0x11e: {  	s2 =	spop (v2sf)  }
0x11f: {  	p2 =	sne.s32 s29, s2  }
.Ltmp14:
0x120: {  	_ = 	snop;
	(pc) =	sbr.rel @!p2 .LBB2_17-.Ltmp14, $3  }
0x121: {  	_ =	sdelay $0x1  }
0x122: {  	s5 =	sshll.u32 s26, $0x8  }
0x123: {  	s5 =	sshra.s32 s5, $0x2  }
0x124: {  	p2 =	seq.s32 s29, s4  }
.Ltmp15:
0x125: {  	_ = 	snop;
	(pc) =	sbr.rel @!p2 .LBB2_19-.Ltmp15, $1  }
0x126: {  	_ =	sdelay $0x3  }
.Ltmp16:
0x127: {  	s5 =	sadd.s32 $0x88, s5;
	(pc) =	sbr.rel .LBB2_20-.Ltmp16, $4  }
0x128: {  	[spmem:s18] =	stream.linear.scatter [tilespmem:s5], [sflag:$0x1], $0x40, $0x38;
	[tilespmem:$0x1EF88] =	vst v63  }
0x129: {  	_ =	swait.ge [sflag:s13], $0x40  }
0x12a: {  	[sflag:s13] =	ssyncset.done $0x0  }
0x12b: {  	[sflag:s13] =	ssyncadd.s32 $0xFFFFFFC0  }
.LBB2_19:
0x12c: {  	s7 =	sshll.u32 s0, $0x8  }
0x12d: {  	s7 =	sshra.s32 s7, $0x2  }
0x12e: {  	v1 =	vld [tilespmem:s7+$0x50C8];
	_ =	sdelay $0x4  }
0x12f: {  	[tilespmem:s5+$0x88] =	vst.add.f32.msk $0xffff, v1  }
0x130: {  	v1 =	vld [tilespmem:s7+$0x50D8];
	_ =	sdelay $0x4  }
0x131: {  	[tilespmem:s5+$0x98] =	vst.add.f32.msk $0xffff, v1  }
0x132: {  	v1 =	vld [tilespmem:s7+$0x50E8];
	_ =	sdelay $0x4  }
0x133: {  	[tilespmem:s5+$0xA8] =	vst.add.f32.msk $0xffff, v1  }
0x134: {  	v1 =	vld [tilespmem:s7+$0x50F8];
	_ =	sdelay $0x2  }
0x135: {  	p2 =	sgt.u32 s29, $0xC34F8  }
0x136: {  	s7 =	sand.u32 @!p2 $0xFFFF8, s29  }
0x137: {  	s8 =	sadd.s32 $0x88, s5;
	[tilespmem:s5+$0xB8] =	vst.add.f32.msk $0xffff, v1;
	s5 =	sadd.s32 @!p2 s1, s7;
	s7 =	sand.u32 @!p2 $0x7, s29  }
0x138: {  	[hbm4b:s5+s7] =	stream.linear.scatter @!p2 [tilespmem:s8], [sflag:$0xC], $0x40, $0x38;
	[tilespmem:$0x1EF88] =	vst v63  }
0x139: {  	s5 =	simm.s32 $0x0  }
0x13a: {  	s5 =	simm.s32 @!p2 $0x100  }
0x13b: {  	s3 =	sadd.s32 s5, s3  }
.LBB2_20:
0x13c: {  	s5 =	sadd.s32 $0x1, s26  }
0x13d: {  	s7 =	smulhi.u32 $0xCCCCCCCD, s5;
	_ =	sdelay $0x1  }
0x13e: {  	v1 =	vld [tilespmem:s30+$0xFFFFFFE0];
	s7 =	sshrl.u32 s7, $0x8  }
0x13f: {  	s7 =	smul.u32 $0x140, s7;
	_ =	sdelay $0x1  }
0x140: {  	s26 =	ssub.s32 s5, s7  }
0x141: {  	s5 =	sshll.u32 s26, $0x6  }
0x142: {  	[tilespmem:s5+$0x88] =	vst v1  }
0x143: {  	v1 =	vld [tilespmem:s30+$0xFFFFFFF0];
	_ =	sdelay $0x4  }
0x144: {  	[tilespmem:s5+$0x98] =	vst v1  }
0x145: {  	v1 =	vld [tilespmem:s30+$0x0];
	_ =	sdelay $0x4  }
0x146: {  	[tilespmem:s5+$0xA8] =	vst v1  }
0x147: {  	v1 =	vld [tilespmem:s30+$0x10]  }
.Ltmp17:
0x148: {  	_ = 	snop;
	(pc) =	sbr.rel .LBB2_21-.Ltmp17, $2  }
0x149: {  	_ =	sdelay $0x2  }
0x14a: {  	s0 =	sadd.s32 $0x1, s0;
	[tilespmem:s5+$0xB8] =	vst v1  }
.LBB2_23:
.Ltmp18:
0x14b: {  	(pc) =	sbr.rel .LBB2_24-.Ltmp18, $4  }
0x14c: {  	_ = 	snop  }
0x14d: {  	s0 =	simm.s32 $0x2  }
0x14e: {  	_ =	swait.ge [sflag:s0], $0x0  }
0x14f: {  	s2 =	smov.u32 s29;
	[sflag:s0] =	ssyncset.done $0x0;
	s0 =	simm.s32 $0x0  }
.LBB2_26:
0x150: {  	_ =	sfence.sel $0x180000  }
0x151: {  	s0 =	simm.s32 $0x9;
	[bflag:$0x0] =	sbarrier.arrive $0xFFFF  }
0x152: {  	s24 =	simm.s32 $0xA;
	[sflag:s0] =	ssyncpa.u1 $0x1  }
0x153: {  	s25 =	simm.s32 $0xB;
	[sflag:s24] =	ssyncpa.u1 $0x1  }
0x154: {  	s26 =	simm.s32 $0x2;
	[sflag:s25] =	ssyncpa.u1 $0x1  }
0x155: {  	[sflag:s26] =	ssyncpa.u1 $0x1  }
0x156: {  	v0 =	vld [tilespmem:$0xA108];
	_ =	sdelay $0x4  }
0x157: {  	(v2sf) =	vpush v0, $0x0  }
0x158: {  	(v2sf) =	vpush v0, $0x1;
	_ =	sdelay $0x1  }
0x159: {  	(v2sf) =	vpush v0, $0x2;
	_ =	sdelay $0xb  }
0x15a: {  	s0 =	spop (v2sf)  }
0x15b: {  	s2 =	spop (v2sf)  }
0x15c: {  	s3 =	smov.u32 s0;
	p0 =	sne.s32 s0, s2  }
0x15d: {  	s4 =	spop (v2sf);
	s3 =	simm.s32 @!p0 $0xFFFFFFFF  }
0x15e: {  	v2 =	vimm.s32 $0x1;
	v3 =	vlaneseq.u32;
	p0 =	seq.s32 s4, $0xFFFFFFFF;
	v1 =	vmov s3  }
0x15f: {  	s14 =	stileid.u32;
	v0 =	vperm.xlane v0, v2;
	p1 =	sne.s32 @!p0 s0, s2;
	v1 =	vperm.xlane v1, v3  }
0x160: {  	vm0 =	vcmask $0x3F04;
	s6 =	simm.s32 $0xA108;
	s0 =	simm.s32 @!p0 $0x1;
	p1 =	por !p1, p0  }
0x161: {  	s3 =	sshll.u32 s14, $0x1;
	s2 =	sshll.u32 @!p0 s4, $0x8;
	s0 =	simm.s32 @p1 $0x0;
	v0 =	vsel vm0, v1, v0  }
0x162: {  	s5 =	sor.u32 $0x800, s3;
	s2 =	sshra.s32 @!p0 s2, $0x2;
	s0 =	sor.u32 @!p0 s0, s3;
	[tilespmem:$0xA108] =	vst v0  }
0x163: {  	[spmem:s5] =	stream.linear.scatter [tilespmem:s6], [sflag:$0x1], $0x2, $0x38;
	[tilespmem:$0x1EF88] =	vst v63  }
0x164: {  	s2 =	sadd.s32 @!p0 $0x88, s2;
	s0 =	sshll.u32 @!p0 s0, $0x6  }
0x165: {  	[spmem:s0] =	stream.linear.scatter @!p0 [tilespmem:s2], [sflag:$0x1], $0x40, $0x38;
	[tilespmem:$0x1EF88] =	vst v63  }
0x166: {  	s0 =	simm.s32 @!p0 $0x42  }
0x167: {  	s28 =	simm.s32 $0x1;
	s0 =	simm.s32 @p0 $0x2  }
0x168: {  	_ =	swait.ge [sflag:s28], s0  }
0x169: {  	s0 =	ssub.s32 $0x0, s0;
	[sflag:s28] =	ssyncset.done $0x0  }
0x16a: {  	p0 =	sne.s32 s14, $0x0;
	[sflag:s28] =	ssyncadd.s32 s0  }
.Ltmp19:
0x16b: {  	_ =	sfence.stream.spmem;
	(pc) =	sbr.rel @p0 .LBB2_43-.Ltmp19, $4  }
0x16c: {  	s29 =	simm.s32 $0x3;
	[bflag:$0x0] =	sbarrier.arrive $0xFFFF  }
0x16d: {  	s30 =	simm.s32 $0x4;
	[sflag:s29] =	ssyncpa.u1 $0x1  }
0x16e: {  	s31 =	simm.s32 $0x3C;
	[sflag:s30] =	ssyncpa.u1 $0x1  }
0x16f: {  	s13 =	rddreg [dreg:$0x4];
	[sflag:s31] =	ssyncpa.u1 $0x1  }
0x170: {  	_ =	sfence.stream.spmem;
	s0 =	simm.s32 $0x5  }
0x171: {  	s2 =	simm.s32 $0x800;
	s3 =	simm.s32 $0xA118;
	[sflag:s0] =	ssyncpa.u1 $0x0  }
0x172: {  	[tilespmem:s3], [sflag:$0x5] =	stream.linear.gather [spmem:s2], $0x20, $0x38;
	[tilespmem:$0x1EF88] =	vst v63  }
0x173: {  	s26 =	simm.s32 $0x0;
	s28 =	simm.s32 $0xA138  }
0x174: {  	[tilespmem:s28], [sflag:$0x5] =	stream.linear.gather [spmem:s26], $0x800, $0x38;
	[tilespmem:$0x1EF88] =	vst v63  }
0x175: {  	_ =	swait.ge [sflag:s0], $0x820  }
0x176: {  	[sflag:s0] =	ssyncset.done $0x0  }
0x177: {  	s29 =	simm.s32 $0x0;
	[sflag:s0] =	ssyncadd.s32 $0xFFFFF7E0  }
0x178: {  	v0 =	vld.msk [tilespmem:s29+$0xA118], $0x1;
	_ =	sdelay $0x1  }
0x179: {  	s30 =	simm.s32 $0x1  }
0x17a: {  	v1 =	vld.msk [tilespmem:s30+$0xA118], $0x1;
	_ =	sdelay $0x1  }
0x17b: {  	(v2sf) =	vpush v0, $0x0;
	_ =	sdelay $0x2  }
0x17c: {  	(v2sf) =	vpush v1, $0x0;
	_ =	sdelay $0x2  }
0x17d: {  	s31 =	simm.s32 $0x2  }
0x17e: {  	v0 =	vld.msk [tilespmem:s31+$0xA118], $0x1;
	_ =	sdelay $0x2  }
0x17f: {  	s2 =	simm.s32 $0xFFFFFFFF;
	s3 =	simm.s32 $0xFFFFFFFF;
	s0 =	simm.s32 $0xC  }
.LBB2_28:
0x180: {  	s4 =	smov.u32 s3;
	s5 =	smov.u32 s2  }
0x181: {  	s2 =	sshra.s32 s0, $0x2;
	p1 =	sne.s32 s0, $0x7C;
	s0 =	sadd.s32 $0x4, s0;
	(v2sf) =	vpush v0, $0x0  }
0x182: {  	v0 =	vld.msk [tilespmem:s2+$0xA118], $0x1  }
.Ltmp20:
0x183: {  	(pc) =	sbr.rel @p1 .LBB2_28-.Ltmp20, $4  }
0x184: {  	s3 =	spop (v2sf)  }
0x185: {  	p2 =	sne.s32 s5, $0xFFFFFFFF;
	s2 =	smov.u32 s3  }
0x186: {  	p3 =	seq.s32 s3, $0xFFFFFFFF;
	s2 =	smov.u32 @p2 s5  }
0x187: {  	s3 =	smov.u32 @p3 s4;
	s2 =	smov.u32 @p3 s5  }
0x188: {  	(v2sf) =	vpush v0, $0x0;
	_ =	sdelay $0x8  }
0x189: {  	s0 =	spop (v2sf)  }
0x18a: {  	p1 =	sne.s32 s2, $0xFFFFFFFF;
	s4 =	smov.u32 s0  }
0x18b: {  	s6 =	simm.s32 $0x0;
	p2 =	seq.s32 s0, $0xFFFFFFFF;
	s4 =	smov.u32 @p1 s2  }
0x18c: {  	s9 =	simm.s32 $0xA0C8;
	s4 =	smov.u32 @p2 s2;
	s2 =	spop (v2sf)  }
0x18d: {  	s0 =	smov.u32 @p2 s3;
	p1 =	sne.s32 s4, $0xFFFFFFFF;
	s5 =	smov.u32 s2  }
.Ltmp21:
0x18e: {  	p2 =	seq.s32 s2, $0xFFFFFFFF;
	s5 =	smov.u32 @p1 s4;
	(pc) =	sbr.rel .LBB2_30-.Ltmp21, $4  }
0x18f: {  	s10 =	simm.s32 $0x0;
	s5 =	smov.u32 @p2 s4;
	s7 =	spop (v2sf)  }
0x190: {  	s2 =	smov.u32 @p2 s0;
	p1 =	sne.s32 s5, $0xFFFFFFFF;
	s8 =	smov.u32 s7  }
0x191: {  	s0 =	simm.s32 $0x6;
	p2 =	seq.s32 s7, $0xFFFFFFFF;
	s8 =	smov.u32 @p1 s5  }
0x192: {  	[sflag:s0] =	ssyncpa.u1 $0x0;
	s7 =	smov.u32 @p2 s2;
	s8 =	smov.u32 @p2 s5  }
.LBB2_36:
0x193: {  	p1 =	sgt.u32 s2, $0xC34F8  }
0x194: {  	p2 =	seq.s32 @!p1 s2, s8  }
0x195: {  	p1 =	por p1, p2  }
0x196: {  	p2 =	sne.s32 @!p1 s2, s7  }
0x197: {  	p1 =	por p1, !p2  }
0x198: {  	s2 =	sshll.u32 @p1 s10, $0x8  }
0x199: {  	s3 =	sand.u32 @!p1 $0xFFFF8, s2  }
0x19a: {  	s2 =	sand.u32 @!p1 $0x7, s2;
	s3 =	sadd.s32 @!p1 s1, s3  }
0x19b: {  	[tilespmem:s9], [sflag:$0x6] =	stream.linear.gather @!p1 [hbm4b:s3+s2], $0x40, $0x38;
	[tilespmem:$0x1EF88] =	vst v63  }
0x19c: {  	_ =	swait.ge @!p1 [sflag:s0], $0x40  }
0x19d: {  	[sflag:s0] =	ssyncset.done @!p1 $0x0  }
0x19e: {  	[sflag:s0] =	ssyncadd.s32 @!p1 $0xFFFFFFC0  }
0x19f: {  	v1 =	vld @!p1 [tilespmem:$0xA0C8];
	_ =	sdelay $0x2  }
0x1a0: {  	s2 =	sshll.u32 @!p1 s10, $0x8  }
0x1a1: {  	s3 =	sshrl.u32 @!p1 s2, $0x2  }
0x1a2: {  	[tilespmem:s3+$0xA138] =	vst.add.f32.msk @!p1 $0xffff, v1  }
0x1a3: {  	v1 =	vld @!p1 [tilespmem:$0xA0D8];
	_ =	sdelay $0x4  }
0x1a4: {  	[tilespmem:s3+$0xA148] =	vst.add.f32.msk @!p1 $0xffff, v1  }
0x1a5: {  	v1 =	vld @!p1 [tilespmem:$0xA0E8];
	_ =	sdelay $0x4  }
0x1a6: {  	[tilespmem:s3+$0xA158] =	vst.add.f32.msk @!p1 $0xffff, v1  }
0x1a7: {  	v1 =	vld @!p1 [tilespmem:$0xA0F8];
	_ =	sdelay $0x4  }
0x1a8: {  	[tilespmem:s3+$0xA168] =	vst.add.f32.msk @!p1 $0xffff, v1  }
0x1a9: {  	s2 =	sshrl.u32 s2, $0x2;
	[tilespmem:s6+$0xA118] =	vst.msk $0x1, v0  }
0x1aa: {  	v0 =	vld [tilespmem:s2+$0xA138];
	_ =	sdelay $0x2  }
0x1ab: {  	s31 =	sshll.u32 s6, $0x8  }
0x1ac: {  	s3 =	sshra.s32 s31, $0x2  }
0x1ad: {  	[tilespmem:s3+$0xA138] =	vst v0  }
0x1ae: {  	v0 =	vld [tilespmem:s2+$0xA148];
	_ =	sdelay $0x4  }
0x1af: {  	[tilespmem:s3+$0xA148] =	vst v0  }
0x1b0: {  	v0 =	vld [tilespmem:s2+$0xA158];
	_ =	sdelay $0x4  }
0x1b1: {  	[tilespmem:s3+$0xA158] =	vst v0  }
0x1b2: {  	v0 =	vld [tilespmem:s2+$0xA168];
	_ =	sdelay $0x4  }
0x1b3: {  	s6 =	sadd.s32 $0x1, s6;
	[tilespmem:s3+$0xA168] =	vst v0  }
.LBB2_37:
0x1b4: {  	s10 =	sadd.s32 $0x1, s10  }
0x1b5: {  	p1 =	sne.s32 s10, $0x20  }
.Ltmp22:
0x1b6: {  	_ = 	snop;
	(pc) =	sbr.rel @!p1 .LBB2_38-.Ltmp22, $1  }
0x1b7: {  	_ =	sdelay $0x3  }
.LBB2_30:
0x1b8: {  	v0 =	vld.msk [tilespmem:s10+$0xA118], $0x1;
	_ =	sdelay $0x4  }
0x1b9: {  	(v2sf) =	vpush v0, $0x0;
	_ =	sdelay $0xe  }
0x1ba: {  	s2 =	spop (v2sf)  }
0x1bb: {  	p1 =	seq.s32 s2, $0xFFFFFFFF  }
.Ltmp23:
0x1bc: {  	_ = 	snop;
	(pc) =	sbr.rel @p1 .LBB2_37-.Ltmp23, $1  }
0x1bd: {  	_ =	sdelay $0x3  }
0x1be: {  	p1 =	slt.s32 s6, $0x1  }
.Ltmp24:
0x1bf: {  	_ = 	snop;
	(pc) =	sbr.rel @p1 .LBB2_36-.Ltmp24, $1  }
0x1c0: {  	_ =	sdelay $0x3  }
0x1c1: {  	s3 =	simm.s32 $0xA118;
	p1 =	por $0x0, $0x0  }
0x1c2: {  	v1 =	vld.msk @!p1 [tilespmem:s3+$0x0], $0x1;
	_ =	sdelay $0x4  }
0x1c3: {  	(v2sf) =	vpush @!p1 v1, $0x0;
	_ =	sdelay $0xd  }
0x1c4: {  	p3 =	sne.s32 s6, $0x1  }
.Ltmp25:
0x1c5: {  	s4 =	spop @!p1 (v2sf);
	(pc) =	sbr.rel @!p3 .LBB2_34-.Ltmp25, $4  }
0x1c6: {  	p2 =	seq.s32 @!p1 s2, s4  }
0x1c7: {  	s4 =	simm.s32 $0x0;
	p2 =	por !p2, p1  }
0x1c8: {  	s11 =	simm.s32 $0xFFFFFFFF;
	s4 =	simm.s32 @p2 $0xFFFFFFFF  }
0x1c9: {  	s5 =	simm.s32 $0x1;
	s4 =	smov.u32 @p1 s11  }
.LBB2_33:
0x1ca: {  	s11 =	smov.u32 s4;
	p1 =	sne.s32 s4, $0xFFFFFFFF  }
0x1cb: {  	s3 =	sadd.s32 $0x1, s3;
	s4 =	smov.u32 s5;
	s5 =	sadd.s32 $0x1, s5  }
0x1cc: {  	p2 =	sne.s32 s6, s5;
	v1 =	vld.msk @!p1 [tilespmem:s3+$0x0], $0x1;
	_ =	sdelay $0x4  }
0x1cd: {  	(v2sf) =	vpush @!p1 v1, $0x0;
	_ =	sdelay $0xe  }
.Ltmp26:
0x1ce: {  	s12 =	spop @!p1 (v2sf);
	(pc) =	sbr.rel @p2 .LBB2_33-.Ltmp26, $4  }
0x1cf: {  	p3 =	seq.s32 @!p1 s2, s12  }
0x1d0: {  	p3 =	por !p3, p1  }
0x1d1: {  	s4 =	simm.s32 @p3 $0xFFFFFFFF  }
0x1d2: {  	s4 =	smov.u32 @p1 s11  }
.LBB2_34:
0x1d3: {  	p1 =	seq.s32 s4, $0xFFFFFFFF  }
.Ltmp27:
0x1d4: {  	_ = 	snop;
	(pc) =	sbr.rel @p1 .LBB2_36-.Ltmp27, $1  }
0x1d5: {  	_ =	sdelay $0x3  }
0x1d6: {  	s2 =	sshll.u32 s10, $0x6  }
0x1d7: {  	s2 =	sand.u32 $0x3FFFFFC0, s2  }
0x1d8: {  	v0 =	vld [tilespmem:s2+$0xA138];
	_ =	sdelay $0x2  }
0x1d9: {  	s3 =	sshll.u32 s4, $0x8  }
0x1da: {  	s3 =	sshra.s32 s3, $0x2  }
0x1db: {  	[tilespmem:s3+$0xA138] =	vst.add.f32.msk $0xffff, v0  }
0x1dc: {  	v0 =	vld [tilespmem:s2+$0xA148];
	_ =	sdelay $0x4  }
0x1dd: {  	[tilespmem:s3+$0xA148] =	vst.add.f32.msk $0xffff, v0  }
0x1de: {  	v0 =	vld [tilespmem:s2+$0xA158];
	_ =	sdelay $0x4  }
0x1df: {  	[tilespmem:s3+$0xA158] =	vst.add.f32.msk $0xffff, v0  }
0x1e0: {  	v0 =	vld [tilespmem:s2+$0xA168]  }
.Ltmp28:
0x1e1: {  	_ = 	snop;
	(pc) =	sbr.rel .LBB2_37-.Ltmp28, $2  }
0x1e2: {  	_ =	sdelay $0x2  }
0x1e3: {  	[tilespmem:s3+$0xA168] =	vst.add.f32.msk $0xffff, v0  }
.LBB2_38:
0x1e4: {  	s0 =	simm.s32 $0x6;
	p1 =	seq.s32 s6, $0x0  }
0x1e5: {  	[sflag:s0] =	ssyncpa.u1 $0x1;
	v0 =	vimm.s32 @p1 $0xFFFFFFFF  }
0x1e6: {  	s0 =	sadd.s32 $0xFFFFFFFF, s6;
	[tilespmem:$0xA938] =	vst @p1 v0  }
0x1e7: {  	v0 =	vld.msk @!p1 [tilespmem:s0+$0xA118], $0x1;
	_ =	sdelay $0x1  }
0x1e8: {  	v1 =	vld.msk @!p1 [tilespmem:$0xA118], $0x1;
	_ =	sdelay $0x2  }
0x1e9: {  	p2 =	seq.s32 @!p1 s0, $0x0;
	v0 =	vbroadcast @!p1 v0, $0x0  }
0x1ea: {  	vm0 =	vmmov @!p1 $0x1;
	p2 =	por !p2, p1  }
0x1eb: {  	v1 =	vnsel @!p1 vm0, $0xFFFFFFFF, v1;
	vm0 =	vcmask @!p1 $0x308;
	v0 =	vpsel !p2, $0xFFFFFFFF, v0  }
0x1ec: {  	p2 =	sne.s32 @!p1 s8, s7;
	v0 =	vsel @!p1 vm0, v1, v0  }
0x1ed: {  	s2 =	simm.s32 @!p1 $0xA138;
	s3 =	simm.s32 @!p1 $0x0;
	p3 =	por !p2, p1;
	[tilespmem:$0xA938] =	vst @!p1 v0  }
0x1ee: {  	[spmem:s3] =	stream.linear.scatter @!p1 [tilespmem:s2], [sflag:$0x1], $0x40, $0x38;
	[tilespmem:$0x1EF88] =	vst v63  }
0x1ef: {  	s2 =	sshll.u32 @!p3 s0, $0x8  }
0x1f0: {  	s2 =	sshra.s32 @!p3 s2, $0x2  }
0x1f1: {  	s3 =	simm.s32 @!p3 $0x40;
	s2 =	sadd.s32 @!p3 $0xA138, s2  }
0x1f2: {  	[spmem:s3] =	stream.linear.scatter @!p3 [tilespmem:s2], [sflag:$0x1], $0x40, $0x38;
	[tilespmem:$0x1EF88] =	vst v63  }
0x1f3: {  	s2 =	simm.s32 @!p3 $0x1  }
0x1f4: {  	_ =	swait.ge @!p3 [sflag:s2], $0x80  }
0x1f5: {  	p1 =	por p2, p1;
	[sflag:s2] =	ssyncset.done @!p3 $0x0  }
0x1f6: {  	[sflag:s2] =	ssyncadd.s32 @!p3 $0xFFFFFF80;
	s2 =	simm.s32 @!p1 $0x1  }
0x1f7: {  	_ =	swait.ge @!p1 [sflag:s2], $0x40  }
0x1f8: {  	s29 =	simm.s32 $0xA938;
	[sflag:s2] =	ssyncset.done @!p1 $0x0  }
0x1f9: {  	s30 =	simm.s32 $0x800;
	s31 =	simm.s32 $0x1;
	[sflag:s2] =	ssyncadd.s32 @!p1 $0xFFFFFFC0  }
0x1fa: {  	[spmem:s30] =	stream.linear.scatter [tilespmem:s29], [sflag:$0x1], $0x10, $0x38;
	[tilespmem:$0x1EF88] =	vst v63  }
0x1fb: {  	_ =	swait.ge [sflag:s31], $0x10  }
0x1fc: {  	[sflag:s31] =	ssyncset.done $0x0  }
0x1fd: {  	p1 =	seq.s32 s13, $0x0;
	s9 =	rddreg [dreg:$0x1];
	[sflag:s31] =	ssyncadd.s32 $0xFFFFFFF0  }
0x1fe: {  	s3 =	sshll.u32 @p1 s9, $0xE;
	s8 =	rddreg [dreg:$0x2]  }
0x1ff: {  	s2 =	sadd.s32 @p1 $0x15C3C, s3;
	s3 =	sshll.u32 @p1 s8, $0x11  }
0x200: {  	_ =	sfence.stream.spmem;
	s2 =	sor.u32 @p1 s3, s2  }
0x201: {  	[sflag:s2] =	ssyncadd.remote.s32 @p1 $0x1;
	s2 =	simm.s32 @p1 $0x4  }
0x202: {  	s4 =	simm.s32 @!p1 $0x3C;
	s3 =	sand.u32 $0xFFFFFFFE, s9;
	_ =	swait.ge @p1 [sflag:s2], $0x12  }
0x203: {  	s5 =	simm.s32 @!p1 $0x0;
	s3 =	sadd.s32 @!p1 $0x4, s3;
	[sflag:s2] =	ssyncset.done @p1 $0x0  }
0x204: {  	s7 =	simm.s32 @!p1 $0x80;
	[sflag:s2] =	ssyncadd.s32 @p1 $0xFFFFFFEE;
	s2 =	sshll.u32 @!p1 s3, $0x1A  }
0x205: {  	s3 =	sshll.u32 @!p1 s3, $0xD;
	s2 =	sor.u32 @!p1 s2, s8;
	_ =	swait.eq @!p1 [sflag:s4], $0x1  }
0x206: {  	s3 =	sor.u32 @!p1 $0x1C04, s3;
	s4 =	simm.s32 @!p1 $0x1C03;
	s2 =	sor.u32 @!p1 $0x80004000, s2  }
0x207: {  	[spmem:s7], [sflag:s3] =	dma.general @!p1 [spmem:s5], [sflag:s4], length:$0x10, [dreg:$0x0], stride_count:$0x0, ici_dest:s2, dma_misc:DstOpCode:WRITE  }
0x208: {  	p2 =	slt.s32 s0, $0x2;
	s5 =	simm.s32 @!p1 $0x100;
	s7 =	simm.s32 @!p1 $0x102  }
0x209: {  	[spmem:s7], [sflag:s3] =	dma.general @!p1 [spmem:s5], [sflag:s4], length:$0x2, [dreg:$0x0], stride_count:$0x0, ici_dest:s2, dma_misc:DstOpCode:WRITE  }
.Ltmp29:
0x20a: {  	s2 =	simm.s32 @!p1 $0x3;
	(pc) =	sbr.rel @p2 .LBB2_42-.Ltmp29, $4  }
0x20b: {  	s3 =	sshll.u32 @!p1 s9, $0xE;
	_ =	swait.ge @!p1 [sflag:s2], $0x12  }
0x20c: {  	s4 =	sshll.u32 @!p1 s8, $0x11;
	s3 =	sadd.s32 @!p1 $0x11C3C, s3;
	[sflag:s2] =	ssyncset.done @!p1 $0x0  }
0x20d: {  	[sflag:s2] =	ssyncadd.s32 @!p1 $0xFFFFFFEE;
	s2 =	sor.u32 @!p1 s4, s3  }
0x20e: {  	s0 =	simm.s32 $0x0;
	[sflag:s2] =	ssyncadd.remote.s32 @!p1 $0xFFFFFFFF  }
0x20f: {  	s0 =	simm.s32 $0xA119  }
0x210: {  	v0 =	vld.msk [tilespmem:s0+$0x0], $0x1;
	_ =	sdelay $0x4  }
0x211: {  	(v2sf) =	vpush v0, $0x0;
	_ =	sdelay $0xc  }
0x212: {  	s2 =	sadd.s32 $0xFFFFFFFE, s6  }
0x213: {  	s2 =	sadd.s32 $0xFFFFFFFF, s2  }
0x214: {  	p2 =	sne.s32 s2, $0x0;
	s3 =	spop (v2sf)  }
.Ltmp30:
0x215: {  	p1 =	sgt.u32 s3, $0xC34F8;
	(pc) =	sbr.rel @!p2 .LBB2_41-.Ltmp30, $4  }
0x216: {  	s5 =	simm.s32 $0x0;
	s4 =	sand.u32 @!p1 $0xFFFF8, s3  }
0x217: {  	s0 =	simm.s32 $0xA178;
	s3 =	sand.u32 @!p1 $0x7, s3;
	s4 =	sadd.s32 @!p1 s1, s4  }
0x218: {  	[hbm4b:s4+s3] =	stream.linear.scatter @!p1 [tilespmem:s0], [sflag:$0x5], $0x40, $0x38;
	[tilespmem:$0x1EF88] =	vst v63  }
0x219: {  	s5 =	simm.s32 @!p1 $0x100;
	s3 =	simm.s32 $0x0;
	s4 =	simm.s32 $0xA11A  }
.LBB2_40:
0x21a: {  	v0 =	vld.msk [tilespmem:s4+$0x0], $0x1;
	s2 =	sadd.s32 $0xFFFFFFFF, s2;
	s3 =	sadd.s32 s3, s5  }
0x21b: {  	p1 =	sne.s32 s2, $0x0;
	_ =	sdelay $0x3  }
0x21c: {  	(v2sf) =	vpush v0, $0x0;
	_ =	sdelay $0xe  }
.Ltmp31:
0x21d: {  	s6 =	spop (v2sf);
	(pc) =	sbr.rel @p1 .LBB2_40-.Ltmp31, $4  }
0x21e: {  	s5 =	simm.s32 $0x0;
	p2 =	sgt.u32 s6, $0xC34F8  }
0x21f: {  	s0 =	sadd.s32 $0x40, s0;
	s5 =	simm.s32 @!p2 $0x100;
	s7 =	sand.u32 @!p2 $0xFFFF8, s6  }
0x220: {  	s4 =	sadd.s32 $0x1, s4;
	s6 =	sand.u32 @!p2 $0x7, s6;
	s7 =	sadd.s32 @!p2 s1, s7  }
0x221: {  	[hbm4b:s7+s6] =	stream.linear.scatter @!p2 [tilespmem:s0], [sflag:$0x5], $0x40, $0x38;
	[tilespmem:$0x1EF88] =	vst v63  }
.LBB2_41:
0x222: {  	s0 =	sadd.s32 s3, s5  }
0x223: {  	s0 =	sshrl.u32 s0, $0x2  }
.LBB2_42:
0x224: {  	s2 =	simm.s32 $0x5  }
0x225: {  	_ =	swait.ge [sflag:s2], s0  }
0x226: {  	s31 =	ssub.s32 $0x0, s0;
	[sflag:s2] =	ssyncset.done $0x0  }
0x227: {  	[sflag:s2] =	ssyncadd.s32 s31  }
0x228: {  	[sflag:s2] =	ssyncpa.u1 $0x1  }
.LBB2_43:
0x229: {  	s0 =	sor.u32 s13, s14  }
0x22a: {  	p1 =	sne.s32 s0, $0x0  }
.Ltmp32:
0x22b: {  	_ = 	snop;
	(pc) =	sbr.rel @p1 .LBB2_58-.Ltmp32, $3  }
0x22c: {  	_ =	sdelay $0x1  }
0x22d: {  	[bflag:$0x0] =	sbarrier.arrive $0xFFFF  }
0x22e: {  	_ =	sfence  }
0x22f: {  	s2 =	simm.s32 $0x7  }
0x230: {  	s0 =	simm.s32 $0x800;
	s3 =	simm.s32 $0xA118;
	[sflag:s2] =	ssyncpa.u1 $0x0  }
0x231: {  	[tilespmem:s3], [sflag:$0x7] =	stream.linear.gather [spmem:s0], $0x20, $0x38;
	[tilespmem:$0x1EF88] =	vst v63  }
0x232: {  	s30 =	simm.s32 $0xA138;
	s0 =	simm.s32 $0x0  }
0x233: {  	[tilespmem:s30], [sflag:$0x7] =	stream.linear.gather [spmem:s0], $0x800, $0x38;
	[tilespmem:$0x1EF88] =	vst v63  }
.Ltmp33:
0x234: {  	_ = 	snop;
	(pc) =	sbr.rel .LBB2_45-.Ltmp33, $4  }
0x235: {  	_ =	swait.ge [sflag:s2], $0x820  }
0x236: {  	[sflag:s2] =	ssyncset.done $0x0  }
0x237: {  	s31 =	simm.s32 $0x8;
	[sflag:s2] =	ssyncadd.s32 $0xFFFFF7E0  }
0x238: {  	s2 =	simm.s32 $0x0;
	[sflag:s31] =	ssyncpa.u1 $0x0  }
.LBB2_51:
0x239: {  	p1 =	slt.u32 s3, $0xC34F9  }
0x23a: {  	s4 =	sand.u32 @p1 $0xFFFF8, s3  }
0x23b: {  	s3 =	sand.u32 @p1 $0x7, s3;
	s5 =	simm.s32 @p1 $0xA0C8;
	s4 =	sadd.s32 @p1 s1, s4  }
0x23c: {  	[tilespmem:s5], [sflag:$0x8] =	stream.linear.gather @p1 [hbm4b:s4+s3], $0x40, $0x38;
	[tilespmem:$0x1EF88] =	vst v63  }
0x23d: {  	s3 =	simm.s32 @p1 $0x8  }
0x23e: {  	_ =	swait.ge @p1 [sflag:s3], $0x40  }
0x23f: {  	[sflag:s3] =	ssyncset.done @p1 $0x0  }
0x240: {  	[sflag:s3] =	ssyncadd.s32 @p1 $0xFFFFFFC0  }
0x241: {  	v1 =	vld @p1 [tilespmem:$0xA0C8];
	_ =	sdelay $0x2  }
0x242: {  	s3 =	sshll.u32 @p1 s2, $0x8  }
0x243: {  	s4 =	sshrl.u32 @p1 s3, $0x2  }
0x244: {  	[tilespmem:s4+$0xA138] =	vst.add.f32.msk @p1 $0xffff, v1  }
0x245: {  	v1 =	vld @p1 [tilespmem:$0xA0D8];
	_ =	sdelay $0x4  }
0x246: {  	[tilespmem:s4+$0xA148] =	vst.add.f32.msk @p1 $0xffff, v1  }
0x247: {  	v1 =	vld @p1 [tilespmem:$0xA0E8];
	_ =	sdelay $0x4  }
0x248: {  	[tilespmem:s4+$0xA158] =	vst.add.f32.msk @p1 $0xffff, v1  }
0x249: {  	v1 =	vld @p1 [tilespmem:$0xA0F8];
	_ =	sdelay $0x3  }
0x24a: {  	s5 =	sshll.u32 @!p1 s2, $0x8  }
0x24b: {  	s5 =	smov.u32 @p1 s3;
	[tilespmem:s4+$0xA168] =	vst.add.f32.msk @p1 $0xffff, v1  }
0x24c: {  	s3 =	sshrl.u32 s5, $0x2;
	[tilespmem:s0+$0xA118] =	vst.msk $0x1, v0  }
0x24d: {  	v0 =	vld [tilespmem:s3+$0xA138];
	_ =	sdelay $0x2  }
0x24e: {  	s31 =	sshll.u32 s0, $0x8  }
0x24f: {  	s4 =	sshra.s32 s31, $0x2  }
0x250: {  	[tilespmem:s4+$0xA138] =	vst v0  }
0x251: {  	v0 =	vld [tilespmem:s3+$0xA148];
	_ =	sdelay $0x4  }
0x252: {  	[tilespmem:s4+$0xA148] =	vst v0  }
0x253: {  	v0 =	vld [tilespmem:s3+$0xA158];
	_ =	sdelay $0x4  }
0x254: {  	[tilespmem:s4+$0xA158] =	vst v0  }
0x255: {  	v0 =	vld [tilespmem:s3+$0xA168];
	_ =	sdelay $0x4  }
0x256: {  	s0 =	sadd.s32 $0x1, s0;
	[tilespmem:s4+$0xA168] =	vst v0  }
.LBB2_52:
0x257: {  	s2 =	sadd.s32 $0x1, s2  }
0x258: {  	p1 =	sne.s32 s2, $0x20  }
.Ltmp34:
0x259: {  	_ = 	snop;
	(pc) =	sbr.rel @!p1 .LBB2_53-.Ltmp34, $1  }
0x25a: {  	_ =	sdelay $0x3  }
.LBB2_45:
0x25b: {  	v0 =	vld.msk [tilespmem:s2+$0xA118], $0x1;
	_ =	sdelay $0x4  }
0x25c: {  	(v2sf) =	vpush v0, $0x0;
	_ =	sdelay $0xe  }
0x25d: {  	s3 =	spop (v2sf)  }
0x25e: {  	p1 =	seq.s32 s3, $0xFFFFFFFF  }
.Ltmp35:
0x25f: {  	_ = 	snop;
	(pc) =	sbr.rel @p1 .LBB2_52-.Ltmp35, $1  }
0x260: {  	_ =	sdelay $0x3  }
0x261: {  	p1 =	slt.s32 s0, $0x1  }
.Ltmp36:
0x262: {  	_ = 	snop;
	(pc) =	sbr.rel @p1 .LBB2_51-.Ltmp36, $1  }
0x263: {  	_ =	sdelay $0x3  }
0x264: {  	s4 =	simm.s32 $0xA118;
	p1 =	por $0x0, $0x0  }
0x265: {  	v1 =	vld.msk @!p1 [tilespmem:s4+$0x0], $0x1;
	_ =	sdelay $0x4  }
0x266: {  	(v2sf) =	vpush @!p1 v1, $0x0;
	_ =	sdelay $0xd  }
0x267: {  	p3 =	sne.s32 s0, $0x1  }
.Ltmp37:
0x268: {  	s5 =	spop @!p1 (v2sf);
	(pc) =	sbr.rel @!p3 .LBB2_49-.Ltmp37, $4  }
0x269: {  	p2 =	seq.s32 @!p1 s3, s5  }
0x26a: {  	s5 =	simm.s32 $0x0;
	p2 =	por !p2, p1  }
0x26b: {  	s7 =	simm.s32 $0xFFFFFFFF;
	s5 =	simm.s32 @p2 $0xFFFFFFFF  }
0x26c: {  	s6 =	simm.s32 $0x1;
	s5 =	smov.u32 @p1 s7  }
.LBB2_48:
0x26d: {  	s7 =	smov.u32 s5;
	p1 =	sne.s32 s5, $0xFFFFFFFF  }
0x26e: {  	s4 =	sadd.s32 $0x1, s4;
	s5 =	smov.u32 s6;
	s6 =	sadd.s32 $0x1, s6  }
0x26f: {  	p2 =	sne.s32 s0, s6;
	v1 =	vld.msk @!p1 [tilespmem:s4+$0x0], $0x1;
	_ =	sdelay $0x4  }
0x270: {  	(v2sf) =	vpush @!p1 v1, $0x0;
	_ =	sdelay $0xe  }
.Ltmp38:
0x271: {  	s8 =	spop @!p1 (v2sf);
	(pc) =	sbr.rel @p2 .LBB2_48-.Ltmp38, $4  }
0x272: {  	p3 =	seq.s32 @!p1 s3, s8  }
0x273: {  	p3 =	por !p3, p1  }
0x274: {  	s5 =	simm.s32 @p3 $0xFFFFFFFF  }
0x275: {  	s5 =	smov.u32 @p1 s7  }
.LBB2_49:
0x276: {  	p1 =	seq.s32 s5, $0xFFFFFFFF  }
.Ltmp39:
0x277: {  	_ = 	snop;
	(pc) =	sbr.rel @p1 .LBB2_51-.Ltmp39, $1  }
0x278: {  	_ =	sdelay $0x3  }
0x279: {  	s3 =	sshll.u32 s2, $0x6  }
0x27a: {  	s3 =	sand.u32 $0x3FFFFFC0, s3  }
0x27b: {  	v0 =	vld [tilespmem:s3+$0xA138];
	_ =	sdelay $0x2  }
0x27c: {  	s4 =	sshll.u32 s5, $0x8  }
0x27d: {  	s4 =	sshra.s32 s4, $0x2  }
0x27e: {  	[tilespmem:s4+$0xA138] =	vst.add.f32.msk $0xffff, v0  }
0x27f: {  	v0 =	vld [tilespmem:s3+$0xA148];
	_ =	sdelay $0x4  }
0x280: {  	[tilespmem:s4+$0xA148] =	vst.add.f32.msk $0xffff, v0  }
0x281: {  	v0 =	vld [tilespmem:s3+$0xA158];
	_ =	sdelay $0x4  }
0x282: {  	[tilespmem:s4+$0xA158] =	vst.add.f32.msk $0xffff, v0  }
0x283: {  	v0 =	vld [tilespmem:s3+$0xA168]  }
.Ltmp40:
0x284: {  	_ = 	snop;
	(pc) =	sbr.rel .LBB2_52-.Ltmp40, $2  }
0x285: {  	_ =	sdelay $0x2  }
0x286: {  	[tilespmem:s4+$0xA168] =	vst.add.f32.msk $0xffff, v0  }
.LBB2_53:
0x287: {  	p1 =	slt.s32 s0, $0x1  }
.Ltmp41:
0x288: {  	_ = 	snop;
	(pc) =	sbr.rel @p1 .LBB2_57-.Ltmp41, $3  }
0x289: {  	_ =	sdelay $0x1  }
0x28a: {  	s2 =	simm.s32 $0x8  }
0x28b: {  	[sflag:s2] =	ssyncpa.u1 $0x1;
	s2 =	simm.s32 $0x0  }
0x28c: {  	s3 =	simm.s32 $0xA118  }
0x28d: {  	v0 =	vld.msk [tilespmem:s3+$0x0], $0x1;
	_ =	sdelay $0x4  }
0x28e: {  	(v2sf) =	vpush v0, $0x0;
	_ =	sdelay $0xe  }
0x28f: {  	s0 =	sadd.s32 $0xFFFFFFFF, s0;
	s4 =	spop (v2sf)  }
0x290: {  	p2 =	sne.s32 s0, $0x0;
	p1 =	sgt.u32 s4, $0xC34F8  }
.Ltmp42:
0x291: {  	s5 =	sand.u32 @!p1 $0xFFFF8, s4;
	(pc) =	sbr.rel @!p2 .LBB2_56-.Ltmp42, $4  }
0x292: {  	s3 =	simm.s32 $0xA138;
	s4 =	sand.u32 @!p1 $0x7, s4;
	s5 =	sadd.s32 @!p1 s1, s5  }
0x293: {  	[hbm4b:s5+s4] =	stream.linear.scatter @!p1 [tilespmem:s3], [sflag:$0x7], $0x40, $0x38;
	[tilespmem:$0x1EF88] =	vst v63  }
0x294: {  	s5 =	simm.s32 $0x0  }
0x295: {  	s4 =	simm.s32 $0xA119;
	s5 =	simm.s32 @!p1 $0x100  }
.LBB2_55:
0x296: {  	v0 =	vld.msk [tilespmem:s4+$0x0], $0x1;
	s0 =	sadd.s32 $0xFFFFFFFF, s0;
	s2 =	sadd.s32 s2, s5  }
0x297: {  	p1 =	sne.s32 s0, $0x0;
	_ =	sdelay $0x3  }
0x298: {  	(v2sf) =	vpush v0, $0x0;
	_ =	sdelay $0xe  }
.Ltmp43:
0x299: {  	s6 =	spop (v2sf);
	(pc) =	sbr.rel @p1 .LBB2_55-.Ltmp43, $4  }
0x29a: {  	s5 =	simm.s32 $0x0;
	p2 =	sgt.u32 s6, $0xC34F8  }
0x29b: {  	s3 =	sadd.s32 $0x40, s3;
	s5 =	simm.s32 @!p2 $0x100;
	s7 =	sand.u32 @!p2 $0xFFFF8, s6  }
0x29c: {  	s4 =	sadd.s32 $0x1, s4;
	s6 =	sand.u32 @!p2 $0x7, s6;
	s7 =	sadd.s32 @!p2 s1, s7  }
0x29d: {  	[hbm4b:s7+s6] =	stream.linear.scatter @!p2 [tilespmem:s3], [sflag:$0x7], $0x40, $0x38;
	[tilespmem:$0x1EF88] =	vst v63  }
.LBB2_56:
0x29e: {  	s0 =	sadd.s32 s2, s5  }
0x29f: {  	s2 =	sshrl.u32 s0, $0x2  }
.LBB2_57:
0x2a0: {  	s0 =	simm.s32 $0x7  }
0x2a1: {  	_ =	swait.ge [sflag:s0], s2  }
0x2a2: {  	s1 =	ssub.s32 $0x0, s2;
	[sflag:s0] =	ssyncset.done $0x0  }
0x2a3: {  	[sflag:s0] =	ssyncadd.s32 s1  }
0x2a4: {  	[sflag:s0] =	ssyncpa.u1 $0x1  }
.LBB2_58:
0x2a5: {  	_ =	sfence;
	s0 =	simm.s32 $0x1  }
0x2a6: {  	[sflag:s0] =	ssyncpa.u1 $0x1  }
0x2a7: {  	_ =	strace $0x90000050  }
0x2a8: {  	[bflag:$0x2] =	sbarrier.arrive $0xFFFF  }
0x2a9: {  	s0 =	rddreg [dreg:$0x3]  }
0x2aa: {  	s0 =	sadd.s32 @!p0 $0x100000, s0  }
0x2ab: {  	[sflag:s0] =	ssyncadd.tile.s32 @!p0 $0x1;
	_ =	shalt  }
.Lfunc_end2:
_tile_overlayer_lowered:
.L_overlay_start_2:
0x2ac: {  	(tag) =	ssettag $0x2  }
0x2ad: {  	s0 =	rddreg [dreg:$0x0];
	s2 =	stileid.u32  }
0x2ae: {  	s1 =	rddreg [dreg:$0x1];
	p0 =	sne.s32 s2, $0x0  }
0x2af: {  	s3 =	rddreg [dreg:$0x2];
	[bflag:$0x3] =	sbarrier.arrive $0xFFFF;
	s2 =	simm.s32 @!p0 $0x1C01  }
0x2b0: {  	[timem:s3], [sflag:s2] =	dma.local @!p0 [hbm:s0], s1  }
0x2b1: {  	s0 =	simm.s32 @!p0 $0x1  }
0x2b2: {  	_ =	swait.ge @!p0 [sflag:s0], s1  }
0x2b3: {  	s1 =	ssub.s32 @!p0 $0x0, s1;
	[sflag:s0] =	ssyncset.done @!p0 $0x0  }
0x2b4: {  	[sflag:s0] =	ssyncadd.s32 @!p0 s1  }
0x2b5: {  	[bflag:$0x3] =	sbarrier.arrive $0xFFFF  }
0x2b6: {  	_ =	shalt  }

// kernel: scatter_offload_async_start.2
scs
__scs_entry_jumppad:
0x0: {  	(pc) =	sbr.rel $0x88, $3  }
0x1: {  	(tag) =	ssettag $0x0;
	lr =	simm.s32 $0x1  }
0x2: {  	[smem:$0x3F87] =	sst lr;
	_ =	strace $0xD0000000  }
0x3: {  	_ = 	snop  }
0x4: {  	_ = 	snop  }
0x5: {  	_ = 	snop  }
0x6: {  	_ = 	snop  }
0x7: {  	_ = 	snop  }
__scs_overlays_trampoline_lowered:
0x8: {  	[smem:$0x3F96] =	sst s0  }
0x9: {  	[smem:$0x3F97] =	sst s1  }
0xa: {  	[smem:$0x3F98] =	sst s2  }
0xb: {  	[smem:$0x3F99] =	sst s3  }
0xc: {  	[smem:$0x3F9A] =	sst s4  }
0xd: {  	[smem:$0x3F9B] =	sst s5  }
0xe: {  	[smem:$0x3F9C] =	sst s6  }
0xf: {  	[smem:$0x3F9D] =	sst s7  }
0x10: {  	[smem:$0x3F9E] =	sst s8  }
0x11: {  	[smem:$0x3F9F] =	sst s9;
	s0 =	simm.s32 @!p0 $0x0  }
0x12: {  	s1 =	sld [smem:$0x3F85];
	s0 =	simm.s32 @p0 $0x1  }
0x13: {  	[smem:$0x3FA0] =	sst s0;
	s0 =	simm.s32 @!p1 $0x0  }
0x14: {  	s2 =	sld [smem:$0x3F84];
	s0 =	simm.s32 @p1 $0x1  }
0x15: {  	[smem:$0x3FA1] =	sst s0;
	s0 =	simm.s32 @!p2 $0x0  }
0x16: {  	s3 =	sld [smem:$0x3FDB];
	s0 =	simm.s32 @p2 $0x1  }
0x17: {  	s4 =	simm.s32 $0x1BF5;
	[smem:$0x3FA3] =	sst s0  }
0x18: {  	s0 =	sld [smem:$0x3F86];
	_ =	swait.ge [sflag:s4], $0x0  }
0x19: {  	s7 =	sld [smem:$0x3F87]  }
0x1a: {  	s8 =	sadd.s32 $0xFFFFE003, lr  }
0x1b: {  	s9 =	sadd.s32 $0xFFFFFEF7, lr;
	s5 =	simm.s32 $0xFFFFFFFF;
	p2 =	slt.u32 s8, $0xFFFFF086  }
0x1c: {  	p1 =	slt.u32 s9, $0xF7A;
	s5 =	simm.s32 @!p2 $0x0  }
0x1d: {  	s5 =	simm.s32 @p1 $0x1;
	p0 =	seq.s32 s7, s2  }
0x1e: {  	s7 =	smul.u32 @!p0 $0xF7A, s2;
	p2 =	seq.s32 @!p0 s5, $0x0  }
0x1f: {  	s9 =	smul.u32 $0xF7A, s1;
	s8 =	simm.s32 @!p0 $0x1BF5;
	p2 =	por !p2, p0  }
0x20: {  	[sflag:s8] =	ssyncset.s32 @!p0 $0xFFFFF086;
	s6 =	sadd.s32 @!p0 s3, s7;
	s7 =	simm.s32 @!p0 $0x108  }
0x21: {  	s3 =	sadd.s32 s3, s9;
	s6 =	sadd.s32 @!p0 $0x88, s6;
	s7 =	simm.s32 @p2 $0x1082  }
0x22: {  	[simem:s7], [sflag:s8] =	dma.local @!p0 [hbm:s6], $0xF7A  }
0x23: {  	s9 =	sor.u32 $0xD0000000, s2;
	s6 =	simm.s32 $0x108;
	_ =	swait.ge @!p0 [sflag:s8], $0x0  }
0x24: {  	s3 =	sadd.s32 $0x88, s3;
	s6 =	simm.s32 @!p1 $0x1082;
	[sflag:s4] =	ssyncset.s32 $0xFFFFF086  }
0x25: {  	[simem:s6], [sflag:s4] =	dma.local [hbm:s3], $0xF7A  }
0x26: {  	[smem:$0x3F87] =	sst s1;
	(tag) =	ssettag s2;
	_ =	strace s9  }
0x27: {  	s1 =	sld [smem:$0x3F97]  }
0x28: {  	s2 =	sld [smem:$0x3F98]  }
0x29: {  	s4 =	sld [smem:$0x3F9A]  }
0x2a: {  	p0 =	seq.s32 s5, $0x0;
	s5 =	sld [smem:$0x3F9B]  }
0x2b: {  	s6 =	sld [smem:$0x3F9C]  }
0x2c: {  	s7 =	sld [smem:$0x3F9D]  }
0x2d: {  	s3 =	simm.s32 $0x108;
	s8 =	sld [smem:$0x3F9E]  }
0x2e: {  	s3 =	simm.s32 @!p0 $0x1082;
	s9 =	sld [smem:$0x3F9F]  }
0x2f: {  	lr =	sadd.s32 s0, s3;
	s0 =	sld [smem:$0x3F96]  }
0x30: {  	s3 =	sld [smem:$0x3F99]  }
0x31: {  	[smem:$0x3FA2] =	sst s10  }
0x32: {  	s10 =	sld [smem:$0x3FA0];
	_ =	sdelay $0x3  }
0x33: {  	p0 =	seq.s32 s10, $0x1;
	s10 =	sld [smem:$0x3FA2];
	_ =	sdelay $0x3  }
0x34: {  	[smem:$0x3FA2] =	sst s10  }
0x35: {  	s10 =	sld [smem:$0x3FA1];
	_ =	sdelay $0x3  }
0x36: {  	p1 =	seq.s32 s10, $0x1;
	s10 =	sld [smem:$0x3FA2];
	_ =	sdelay $0x3  }
0x37: {  	[smem:$0x3FA2] =	sst s10  }
0x38: {  	s10 =	sld [smem:$0x3FA3]  }
0x39: {  	_ = 	snop;
	(pc) =	sbr.ind lr, $3  }
0x3a: {  	_ = 	snop  }
0x3b: {  	_ = 	snop  }
0x3c: {  	p2 =	seq.s32 s10, $0x1;
	s10 =	sld [smem:$0x3FA2]  }
0x3d: {  	_ =	shalt  }
0x3e: {  	_ =	shalt  }
0x3f: {  	_ =	shalt  }
0x40: {  	_ =	shalt  }
0x41: {  	_ =	shalt  }
0x42: {  	_ =	shalt  }
0x43: {  	_ =	shalt  }
0x44: {  	_ =	shalt  }
0x45: {  	_ =	shalt  }
0x46: {  	_ =	shalt  }
0x47: {  	_ =	shalt  }
0x48: {  	_ =	shalt  }
0x49: {  	_ =	shalt  }
0x4a: {  	_ =	shalt  }
0x4b: {  	_ =	shalt  }
0x4c: {  	_ =	shalt  }
0x4d: {  	_ =	shalt  }
0x4e: {  	_ =	shalt  }
0x4f: {  	_ =	shalt  }
0x50: {  	_ =	shalt  }
0x51: {  	_ =	shalt  }
0x52: {  	_ =	shalt  }
0x53: {  	_ =	shalt  }
0x54: {  	_ =	shalt  }
0x55: {  	_ =	shalt  }
0x56: {  	_ =	shalt  }
0x57: {  	_ =	shalt  }
0x58: {  	_ =	shalt  }
0x59: {  	_ =	shalt  }
0x5a: {  	_ =	shalt  }
0x5b: {  	_ =	shalt  }
0x5c: {  	_ =	shalt  }
0x5d: {  	_ =	shalt  }
0x5e: {  	_ =	shalt  }
0x5f: {  	_ =	shalt  }
0x60: {  	_ =	shalt  }
0x61: {  	_ =	shalt  }
0x62: {  	_ =	shalt  }
0x63: {  	_ =	shalt  }
0x64: {  	_ =	shalt  }
0x65: {  	_ =	shalt  }
0x66: {  	_ =	shalt  }
0x67: {  	_ =	shalt  }
0x68: {  	_ =	shalt  }
0x69: {  	_ =	shalt  }
0x6a: {  	_ =	shalt  }
0x6b: {  	_ =	shalt  }
0x6c: {  	_ =	shalt  }
0x6d: {  	_ =	shalt  }
0x6e: {  	_ =	shalt  }
0x6f: {  	_ =	shalt  }
0x70: {  	_ =	shalt  }
0x71: {  	_ =	shalt  }
0x72: {  	_ =	shalt  }
0x73: {  	_ =	shalt  }
0x74: {  	_ =	shalt  }
0x75: {  	_ =	shalt  }
0x76: {  	_ =	shalt  }
0x77: {  	_ =	shalt  }
0x78: {  	_ =	shalt  }
0x79: {  	_ =	shalt  }
0x7a: {  	_ =	shalt  }
0x7b: {  	_ =	shalt  }
0x7c: {  	_ =	shalt  }
0x7d: {  	_ =	shalt  }
0x7e: {  	_ =	shalt  }
0x7f: {  	_ =	shalt  }
0x80: {  	_ =	shalt  }
0x81: {  	_ =	shalt  }
0x82: {  	_ =	shalt  }
0x83: {  	_ =	shalt  }
0x84: {  	_ =	shalt  }
0x85: {  	_ =	shalt  }
0x86: {  	_ =	shalt  }
0x87: {  	_ =	shalt  }
.Lfunc_end0:
.L_simem_size_0:
called_computation.2_lowered:
.L_overlay_start_0:
0x88: {  	s0 =	sld [smem:$0x3FD9]  }
0x89: {  	s1 =	sld [smem:$0x3FFE];
	_ =	sdelay $0x3  }
0x8a: {  	s0 =	sadd.s32 s1, s0  }
0x8b: {  	[smem:$0x3FAE] =	sst s0  }
0x8c: {  	_ = 	snop  }
0x8d: {  	s0 =	sld [smem:$0x3FD0];
	_ =	sdelay $0x2  }
0x8e: {  	s13 =	simm.s32 $0xB;
	s2 =	simm.s32 $0x10  }
0x8f: {  	[smem:s2], [sflag:s13] =	dma.local [hbm:s0], $0x1  }
0x90: {  	_ =	swait.eq [sflag:s13], $0x1  }
0x91: {  	[sflag:s13] =	ssyncset.done $0x0  }
0x92: {  	[sflag:s13] =	ssyncadd.s32 $0xFFFFFFFF  }
0x93: {  	s14 =	sld [smem:$0x10];
	(tm) =	ssettm $0x1  }
0x94: {  	s15 =	sld [smem:$0x3FFB];
	_ =	sdelay $0x3  }
0x95: {  	_ =	strace s15  }
0x96: {  	s1 =	sld [smem:$0x3FFC];
	_ =	sdelay $0x3  }
0x97: {  	_ =	strace s1  }
0x98: {  	s1 =	sld [smem:$0x3FFD];
	_ =	sdelay $0x3  }
0x99: {  	_ =	strace s1  }
0x9a: {  	_ =	strace $0x8FFFFFFF  }
0x9b: {  	s16 =	sld [smem:$0x3FDB];
	_ =	sdelay $0x1  }
0x9c: {  	s17 =	simm.s32 $_scs_section_size  }
0x9d: {  	s3 =	simm.s32 $_size__tile_overlayer_lowered;
	s4 =	simm.s32 $_tile_overlayer_lowered  }
0x9e: {  	s20 =	simm.s32 $0x1BFF;
	s19 =	sshll.u32 s4, $0x1;
	s1 =	sadd.s32 s17, s16  }
0x9f: {  	s5 =	simm.s32 $0x0;
	s18 =	sshll.u32 s3, $0x1;
	s3 =	sadd.s32 s19, s1  }
0xa0: {  	[timem:s5], [sflag:s20] =	dma.local [hbm:s3], s18  }
0xa1: {  	_ =	swait.ge [sflag:s20], s18  }
0xa2: {  	s2 =	ssub.s32 $0x0, s18;
	[sflag:s20] =	ssyncset.done $0x0  }
0xa3: {  	[sflag:s20] =	ssyncadd.s32 s2;
	_ =	sdelay $0x1  }
0xa4: {  	s21 =	simm.s32 $0x1B8B  }
0xa5: {  	_ =	swait.ge [sflag:s21], $0x1  }
0xa6: {  	[sflag:s21] =	ssyncset.done $0x0  }
0xa7: {  	s23 =	simm.s32 $0x1B8E;
	s22 =	sld [smem:$0x3FFE];
	[sflag:s21] =	ssyncadd.s32 $0xFFFFFFFF  }
0xa8: {  	s24 =	simm.s32 $execute0_lowered;
	[smem:$0x3FD2] =	sst s23  }
0xa9: {  	s3 =	sshll.u32 s24, $0x1;
	_ =	strace $0x8000004C;
	[dreg:$0x1] =	wrdreg $0xFFFFFFFF  }
0xaa: {  	s25 =	simm.s32 $_size_execute0_lowered;
	s1 =	sadd.s32 s1, s3;
	[dreg:$0x0] =	wrdreg $0x0  }
0xab: {  	s3 =	sshll.u32 s25, $0x1;
	[dreg:$0x2] =	wrdreg s1  }
0xac: {  	[dreg:$0x3] =	wrdreg s3  }
0xad: {  	[dreg:$0x4] =	wrdreg $0xC0  }
0xae: {  	_ =	task [dreg:s5], $0x5FFFF  }
0xaf: {  	[dreg:$0x1] =	wrdreg $0xFFFFFFFF  }
0xb0: {  	[dreg:$0x0] =	wrdreg $0x60  }
0xb1: {  	[dreg:$0x2] =	wrdreg s14  }
0xb2: {  	[dreg:$0x3] =	wrdreg s22  }
0xb3: {  	[dreg:$0x4] =	wrdreg $0xA  }
0xb4: {  	_ =	task.clear_ibuf [dreg:s5], $0x5FFFF;
	_ =	strace $0x9000004C  }
0xb5: {  	s26 =	simm.s32 $0xA;
	_ =	strace $0x8000004E  }
0xb6: {  	_ =	swait.ge [sflag:s26], $0x1  }
0xb7: {  	[sflag:s26] =	ssyncadd.s32 $0xFFFFFFFF  }
0xb8: {  	_ =	strace $0x9000004E  }
0xb9: {  	_ =	sfence  }
0xba: {  	s28 =	sld [smem:$0x0];
	_ =	sdelay $0x1  }
0xbb: {  	s29 =	srdreg.scid  }
0xbc: {  	s30 =	sshll.u32 s29, $0xD;
	s31 =	sshrl.u32 s29, $0x2  }
0xbd: {  	s2 =	sand.u32 $0x4000, s30;
	s1 =	sand.u32 $0x1, s29;
	s0 =	sadd.s32 s31, s28  }
0xbe: {  	s1 =	sor.u32 s2, s1;
	s0 =	sshll.u32 s0, $0x11  }
0xbf: {  	s0 =	sor.u32 s0, s1  }
0xc0: {  	s0 =	sadd.s32 $0x8F2B, s0  }
0xc1: {  	[sflag:s0] =	ssyncadd.remote.s32 $0x1  }
0xc2: {  	_ =	sfence.sel $0xFFFF  }
0xc3: {  	[dreg:$0x0] =	wrdreg $0xFFFFFFFF;
	(pc) =	sbr.abs _section_cstart, $3  }
0xc4: {  	[dreg:$0x1] =	wrdreg $0xFFFFFFFF  }
0xc5: {  	_ =	task.clear_ibuf [dreg:s5], $0x2FFFF;
	_ =	strace $0x9FFFFFFF  }
0xc6: {  	(tm) =	ssettm $0x7FFFFFFF  }
0xc7: {  	_ =	shalt  }
tec
execute0_lowered:
.L_overlay_start_1:
0x0: {  	(tag) =	ssettag $0x1  }
0x1: {  	s1 =	rddreg [dreg:$0x0]  }
0x2: {  	s7 =	rddreg [dreg:$0x1]  }
0x3: {  	s0 =	rddreg [dreg:$0x2]  }
0x4: {  	s3 =	stileid.u32;
	_ =	strace $0x8000004D;
	s4 =	simm.s32 $0x3E  }
0x5: {  	p0 =	sne.s32 s3, $0x0;
	[sflag:s4] =	ssyncpa.u1 $0x0  }
0x6: {  	s30 =	smin.u32 s3, $0x9;
	s2 =	simm.s32 @!p0 $0x1C3E;
	s5 =	simm.s32 @!p0 $0x0  }
0x7: {  	[spmem:s5], [sflag:s2] =	dma.local @!p0 [hbm:s1], $0x10  }
0x8: {  	s2 =	sadd.s32 s3, s30  }
0x9: {  	p1 =	slt.u32 s3, $0x9;
	s3 =	simm.s32 $0xFA0;
	s2 =	smul.u32 $0x7D0, s2  }
0xa: {  	s3 =	simm.s32 @!p1 $0x7D0  }
0xb: {  	s3 =	sadd.s32 s3, s2  }
0xc: {  	s3 =	smin.u32 s3, $0xC350  }
0xd: {  	s8 =	ssub.s32 s3, s2  }
0xe: {  	p1 =	sgt.s32 s8, $0x0  }
0xf: {  	s8 =	simm.s32 @!p1 $0x0  }
0x10: {  	s6 =	sand.u32 $0xFFF0, s8  }
0x11: {  	s5 =	simm.s32 @!p0 $0x3E;
	s6 =	sshrl.u32 s6, $0x4  }
0x12: {  	_ =	swait.ge @!p0 [sflag:s5], $0x10;
	s31 =	smul.u32 $0x1063, s6  }
0x13: {  	[sflag:s5] =	ssyncset.done @!p0 $0x0  }
0x14: {  	[sflag:s5] =	ssyncadd.s32 @!p0 $0xFFFFFFF0;
	s9 =	sshrl.u32 s31, $0x13  }
0x15: {  	s11 =	simm.s32 $0x0;
	[bflag:$0x0] =	sbarrier.arrive $0xFFFF;
	s10 =	smul.u32 $0x7D0, s9  }
.Ltmp0:
0x16: {  	[sflag:s4] =	ssyncpa.u1 $0x1;
	s4 =	simm.s32 $0x1;
	(pc) =	sbr.rel .LBB2_1-.Ltmp0, $4  }
0x17: {  	s5 =	sadd.s32 $0x32C00, s7;
	s7 =	sadd.s32 $0xC69600, s7;
	[sflag:s4] =	ssyncpa.u1 $0x0  }
0x18: {  	s6 =	simm.s32 $0x2;
	p1 =	sne.s32 s8, s10;
	s8 =	simm.s32 $0x1  }
0x19: {  	(ifvalue) =	ssetifvalue $0x80;
	[sflag:s6] =	ssyncpa.u1 $0x0;
	s8 =	simm.s32 @!p1 $0x0  }
0x1a: {  	vm0 =	vmmov $0xffff;
	s10 =	smov.u32 s2;
	s8 =	sadd.s32 s9, s8;
	s9 =	simm.s32 $0x0  }
.LBB2_5:
0x1b: {  	p2 =	sne.s32 s11, s8  }
.Ltmp1:
0x1c: {  	_ = 	snop;
	(pc) =	sbr.rel @!p2 .LBB2_6-.Ltmp1, $4  }
0x1d: {  	_ = 	snop  }
0x1e: {  	s12 =	sadd.s32 $0x7D0, s10  }
0x1f: {  	s10 =	smov.u32 s2;
	s13 =	sadd.s32 $0x1, s11;
	p1 =	slt.s32 s12, s3  }
0x20: {  	s11 =	smov.u32 s13;
	s10 =	smov.u32 @p1 s12  }
.LBB2_1:
0x21: {  	p1 =	sge.u32 s11, s8  }
0x22: {  	s12 =	sxor.u32 @!p1 $0xFFFFFFFF, s11  }
0x23: {  	s12 =	sand.u32 @!p1 $0x1, s12  }
0x24: {  	s12 =	smul.u32 @!p1 $0x7D0, s12  }
0x25: {  	s13 =	sshrl.u32 @!p1 s10, $0x3  }
0x26: {  	s16 =	sand.u32 @!p1 $0x7, s10;
	s14 =	sadd.s32 @!p1 s5, s13;
	s15 =	sor.u32 @!p1 $0x8, s12  }
0x27: {  	[tilespmem:s15], [sflag:$0x2] =	stream.linear.gather @!p1 [hbm4b:s14+s16], $0x7D0, $0x38;
	[tilespmem:$0x1F48] =	vst v63  }
0x28: {  	s13 =	sadd.s32 @!p1 s7, s13;
	s12 =	sadd.s32 @!p1 $0xFA8, s12  }
0x29: {  	[tilespmem:s12], [sflag:$0x2] =	stream.linear.gather @!p1 [hbm4b:s13+s16], $0x7D0, $0x38;
	[tilespmem:$0x1F48] =	vst v63  }
0x2a: {  	p1 =	seq.s32 s11, $0x0  }
.Ltmp2:
0x2b: {  	_ = 	snop;
	(pc) =	sbr.rel @p1 .LBB2_5-.Ltmp2, $1  }
0x2c: {  	_ =	sdelay $0x3  }
0x2d: {  	s12 =	sand.u32 $0x1, s11  }
0x2e: {  	_ =	swait.ge [sflag:s6], $0xFA0;
	p1 =	seq.s32 s12, $0x1;
	s12 =	simm.s32 $0x7D0  }
0x2f: {  	[sflag:s6] =	ssyncset.done $0x0;
	s12 =	simm.s32 @!p1 $0x0  }
0x30: {  	[sflag:s6] =	ssyncadd.s32 $0xFFFFF060;
	s14 =	sor.u32 $0x8, s12  }
0x31: {  	v0 =	vld.msk [tilespmem:s14+$0x0 ss:$0x1], $0xffff;
	_ =	sdelay $0x4  }
0x32: {  	v0 =	vmin.u32 v0, $0x80;
	_ =	sdelay $0x3  }
0x33: {  	s13 =	simm.s32 $0x0;
	s12 =	sadd.s32 $0xFA8, s12;
	s14 =	sadd.s32 $0x10, s14  }
0x34: {  	[spmem:s9] =	stream.indirect_vreg.scatter.add.s32 [tilespmem:s12], [sflag:$0x1], $0x1, v0, vm0, $0x4038;
	[tilespmem:$0x1F48] =	vst v63  }
.LBB2_3:
0x35: {  	v0 =	vld.msk [tilespmem:s14+$0x0 ss:$0x1], $0xffff;
	s13 =	sadd.s32 $0x10, s13  }
0x36: {  	p1 =	slt.u32 s13, $0x7C0;
	_ =	sdelay $0x4  }
0x37: {  	v0 =	vmin.u32 v0, $0x80  }
.Ltmp3:
0x38: {  	(pc) =	sbr.rel @p1 .LBB2_3-.Ltmp3, $3  }
0x39: {  	_ =	sdelay $0x1  }
0x3a: {  	s14 =	sadd.s32 $0x10, s14;
	s12 =	sadd.s32 $0x10, s12  }
0x3b: {  	[spmem:s9] =	stream.indirect_vreg.scatter.add.s32 [tilespmem:s12], [sflag:$0x1], $0x1, v0, vm0, $0x4038;
	[tilespmem:$0x1F48] =	vst v63  }
.Ltmp4:
0x3c: {  	(pc) =	sbr.rel .LBB2_5-.Ltmp4, $4  }
0x3d: {  	_ = 	snop  }
0x3e: {  	_ =	swait.ge [sflag:s4], $0x7D0  }
0x3f: {  	[sflag:s4] =	ssyncset.done $0x0  }
0x40: {  	[sflag:s4] =	ssyncadd.s32 $0xFFFFF830  }
.LBB2_6:
0x41: {  	_ =	sfence.sel $0x180000  }
0x42: {  	s2 =	simm.s32 $0x2;
	[bflag:$0x0] =	sbarrier.arrive $0xFFFF  }
0x43: {  	s30 =	simm.s32 $0x1;
	[sflag:s2] =	ssyncpa.u1 $0x1  }
0x44: {  	[sflag:s30] =	ssyncpa.u1 $0x1  }
0x45: {  	_ =	sfence.stream.spmem  }
0x46: {  	s31 =	simm.s32 $0x3D;
	[bflag:$0x0] =	sbarrier.arrive $0xFFFF  }
0x47: {  	s2 =	simm.s32 @p0 $0x3D;
	[sflag:s31] =	ssyncpa.u1 $0x0  }
0x48: {  	[sflag:s2] =	ssyncpa.u1 @p0 $0x1  }
0x49: {  	[bflag:$0x0] =	sbarrier.arrive @p0 $0xFFFF  }
0x4a: {  	_ =	strace @p0 $0x9000004D  }
0x4b: {  	s3 =	simm.s32 @!p0 $0x1C3D;
	s2 =	simm.s32 @!p0 $0x0;
	[bflag:$0x2] =	sbarrier.arrive @p0 $0xFFFF  }
0x4c: {  	[hbm:s1], [sflag:s3] =	dma.local @!p0 [spmem:s2], $0x10  }
0x4d: {  	s1 =	simm.s32 @!p0 $0x3D  }
0x4e: {  	_ =	swait.ge @!p0 [sflag:s1], $0x10  }
0x4f: {  	[sflag:s1] =	ssyncset.done @!p0 $0x0  }
0x50: {  	[sflag:s1] =	ssyncadd.s32 @!p0 $0xFFFFFFF0  }
0x51: {  	[sflag:s1] =	ssyncpa.u1 @!p0 $0x1  }
0x52: {  	[bflag:$0x0] =	sbarrier.arrive @!p0 $0xFFFF  }
0x53: {  	_ =	strace @!p0 $0x9000004D  }
0x54: {  	s0 =	sadd.s32 @!p0 $0x100000, s0;
	[bflag:$0x2] =	sbarrier.arrive @!p0 $0xFFFF  }
0x55: {  	[sflag:s0] =	ssyncadd.tile.s32 @!p0 $0x1;
	_ =	shalt  }
.Lfunc_end2:
_tile_overlayer_lowered:
.L_overlay_start_2:
0x56: {  	(tag) =	ssettag $0x2  }
0x57: {  	s0 =	rddreg [dreg:$0x0];
	s2 =	stileid.u32  }
0x58: {  	s1 =	rddreg [dreg:$0x1];
	p0 =	sne.s32 s2, $0x0  }
0x59: {  	s3 =	rddreg [dreg:$0x2];
	[bflag:$0x3] =	sbarrier.arrive $0xFFFF;
	s2 =	simm.s32 @!p0 $0x1C01  }
0x5a: {  	[timem:s3], [sflag:s2] =	dma.local @!p0 [hbm:s0], s1  }
0x5b: {  	s0 =	simm.s32 @!p0 $0x1  }
0x5c: {  	_ =	swait.ge @!p0 [sflag:s0], s1  }
0x5d: {  	s1 =	ssub.s32 @!p0 $0x0, s1;
	[sflag:s0] =	ssyncset.done @!p0 $0x0  }
0x5e: {  	[sflag:s0] =	ssyncadd.s32 @!p0 s1  }
0x5f: {  	[bflag:$0x3] =	sbarrier.arrive $0xFFFF  }
0x60: {  	_ =	shalt  }

// kernel: scatter_offload_async_start
scs
__scs_entry_jumppad:
0x0: {  	(pc) =	sbr.rel $0x88, $3  }
0x1: {  	(tag) =	ssettag $0x0;
	lr =	simm.s32 $0x1  }
0x2: {  	[smem:$0x3F87] =	sst lr;
	_ =	strace $0xD0000000  }
0x3: {  	_ = 	snop  }
0x4: {  	_ = 	snop  }
0x5: {  	_ = 	snop  }
0x6: {  	_ = 	snop  }
0x7: {  	_ = 	snop  }
__scs_overlays_trampoline_lowered:
0x8: {  	[smem:$0x3F96] =	sst s0  }
0x9: {  	[smem:$0x3F97] =	sst s1  }
0xa: {  	[smem:$0x3F98] =	sst s2  }
0xb: {  	[smem:$0x3F99] =	sst s3  }
0xc: {  	[smem:$0x3F9A] =	sst s4  }
0xd: {  	[smem:$0x3F9B] =	sst s5  }
0xe: {  	[smem:$0x3F9C] =	sst s6  }
0xf: {  	[smem:$0x3F9D] =	sst s7  }
0x10: {  	[smem:$0x3F9E] =	sst s8  }
0x11: {  	[smem:$0x3F9F] =	sst s9;
	s0 =	simm.s32 @!p0 $0x0  }
0x12: {  	s1 =	sld [smem:$0x3F85];
	s0 =	simm.s32 @p0 $0x1  }
0x13: {  	[smem:$0x3FA0] =	sst s0;
	s0 =	simm.s32 @!p1 $0x0  }
0x14: {  	s2 =	sld [smem:$0x3F84];
	s0 =	simm.s32 @p1 $0x1  }
0x15: {  	[smem:$0x3FA1] =	sst s0;
	s0 =	simm.s32 @!p2 $0x0  }
0x16: {  	s3 =	sld [smem:$0x3FDB];
	s0 =	simm.s32 @p2 $0x1  }
0x17: {  	s4 =	simm.s32 $0x1BF5;
	[smem:$0x3FA3] =	sst s0  }
0x18: {  	s0 =	sld [smem:$0x3F86];
	_ =	swait.ge [sflag:s4], $0x0  }
0x19: {  	s7 =	sld [smem:$0x3F87]  }
0x1a: {  	s8 =	sadd.s32 $0xFFFFE003, lr  }
0x1b: {  	s9 =	sadd.s32 $0xFFFFFEF7, lr;
	s5 =	simm.s32 $0xFFFFFFFF;
	p2 =	slt.u32 s8, $0xFFFFF086  }
0x1c: {  	p1 =	slt.u32 s9, $0xF7A;
	s5 =	simm.s32 @!p2 $0x0  }
0x1d: {  	s5 =	simm.s32 @p1 $0x1;
	p0 =	seq.s32 s7, s2  }
0x1e: {  	s7 =	smul.u32 @!p0 $0xF7A, s2;
	p2 =	seq.s32 @!p0 s5, $0x0  }
0x1f: {  	s9 =	smul.u32 $0xF7A, s1;
	s8 =	simm.s32 @!p0 $0x1BF5;
	p2 =	por !p2, p0  }
0x20: {  	[sflag:s8] =	ssyncset.s32 @!p0 $0xFFFFF086;
	s6 =	sadd.s32 @!p0 s3, s7;
	s7 =	simm.s32 @!p0 $0x108  }
0x21: {  	s3 =	sadd.s32 s3, s9;
	s6 =	sadd.s32 @!p0 $0x88, s6;
	s7 =	simm.s32 @p2 $0x1082  }
0x22: {  	[simem:s7], [sflag:s8] =	dma.local @!p0 [hbm:s6], $0xF7A  }
0x23: {  	s9 =	sor.u32 $0xD0000000, s2;
	s6 =	simm.s32 $0x108;
	_ =	swait.ge @!p0 [sflag:s8], $0x0  }
0x24: {  	s3 =	sadd.s32 $0x88, s3;
	s6 =	simm.s32 @!p1 $0x1082;
	[sflag:s4] =	ssyncset.s32 $0xFFFFF086  }
0x25: {  	[simem:s6], [sflag:s4] =	dma.local [hbm:s3], $0xF7A  }
0x26: {  	[smem:$0x3F87] =	sst s1;
	(tag) =	ssettag s2;
	_ =	strace s9  }
0x27: {  	s1 =	sld [smem:$0x3F97]  }
0x28: {  	s2 =	sld [smem:$0x3F98]  }
0x29: {  	s4 =	sld [smem:$0x3F9A]  }
0x2a: {  	p0 =	seq.s32 s5, $0x0;
	s5 =	sld [smem:$0x3F9B]  }
0x2b: {  	s6 =	sld [smem:$0x3F9C]  }
0x2c: {  	s7 =	sld [smem:$0x3F9D]  }
0x2d: {  	s3 =	simm.s32 $0x108;
	s8 =	sld [smem:$0x3F9E]  }
0x2e: {  	s3 =	simm.s32 @!p0 $0x1082;
	s9 =	sld [smem:$0x3F9F]  }
0x2f: {  	lr =	sadd.s32 s0, s3;
	s0 =	sld [smem:$0x3F96]  }
0x30: {  	s3 =	sld [smem:$0x3F99]  }
0x31: {  	[smem:$0x3FA2] =	sst s10  }
0x32: {  	s10 =	sld [smem:$0x3FA0];
	_ =	sdelay $0x3  }
0x33: {  	p0 =	seq.s32 s10, $0x1;
	s10 =	sld [smem:$0x3FA2];
	_ =	sdelay $0x3  }
0x34: {  	[smem:$0x3FA2] =	sst s10  }
0x35: {  	s10 =	sld [smem:$0x3FA1];
	_ =	sdelay $0x3  }
0x36: {  	p1 =	seq.s32 s10, $0x1;
	s10 =	sld [smem:$0x3FA2];
	_ =	sdelay $0x3  }
0x37: {  	[smem:$0x3FA2] =	sst s10  }
0x38: {  	s10 =	sld [smem:$0x3FA3]  }
0x39: {  	_ = 	snop;
	(pc) =	sbr.ind lr, $3  }
0x3a: {  	_ = 	snop  }
0x3b: {  	_ = 	snop  }
0x3c: {  	p2 =	seq.s32 s10, $0x1;
	s10 =	sld [smem:$0x3FA2]  }
0x3d: {  	_ =	shalt  }
0x3e: {  	_ =	shalt  }
0x3f: {  	_ =	shalt  }
0x40: {  	_ =	shalt  }
0x41: {  	_ =	shalt  }
0x42: {  	_ =	shalt  }
0x43: {  	_ =	shalt  }
0x44: {  	_ =	shalt  }
0x45: {  	_ =	shalt  }
0x46: {  	_ =	shalt  }
0x47: {  	_ =	shalt  }
0x48: {  	_ =	shalt  }
0x49: {  	_ =	shalt  }
0x4a: {  	_ =	shalt  }
0x4b: {  	_ =	shalt  }
0x4c: {  	_ =	shalt  }
0x4d: {  	_ =	shalt  }
0x4e: {  	_ =	shalt  }
0x4f: {  	_ =	shalt  }
0x50: {  	_ =	shalt  }
0x51: {  	_ =	shalt  }
0x52: {  	_ =	shalt  }
0x53: {  	_ =	shalt  }
0x54: {  	_ =	shalt  }
0x55: {  	_ =	shalt  }
0x56: {  	_ =	shalt  }
0x57: {  	_ =	shalt  }
0x58: {  	_ =	shalt  }
0x59: {  	_ =	shalt  }
0x5a: {  	_ =	shalt  }
0x5b: {  	_ =	shalt  }
0x5c: {  	_ =	shalt  }
0x5d: {  	_ =	shalt  }
0x5e: {  	_ =	shalt  }
0x5f: {  	_ =	shalt  }
0x60: {  	_ =	shalt  }
0x61: {  	_ =	shalt  }
0x62: {  	_ =	shalt  }
0x63: {  	_ =	shalt  }
0x64: {  	_ =	shalt  }
0x65: {  	_ =	shalt  }
0x66: {  	_ =	shalt  }
0x67: {  	_ =	shalt  }
0x68: {  	_ =	shalt  }
0x69: {  	_ =	shalt  }
0x6a: {  	_ =	shalt  }
0x6b: {  	_ =	shalt  }
0x6c: {  	_ =	shalt  }
0x6d: {  	_ =	shalt  }
0x6e: {  	_ =	shalt  }
0x6f: {  	_ =	shalt  }
0x70: {  	_ =	shalt  }
0x71: {  	_ =	shalt  }
0x72: {  	_ =	shalt  }
0x73: {  	_ =	shalt  }
0x74: {  	_ =	shalt  }
0x75: {  	_ =	shalt  }
0x76: {  	_ =	shalt  }
0x77: {  	_ =	shalt  }
0x78: {  	_ =	shalt  }
0x79: {  	_ =	shalt  }
0x7a: {  	_ =	shalt  }
0x7b: {  	_ =	shalt  }
0x7c: {  	_ =	shalt  }
0x7d: {  	_ =	shalt  }
0x7e: {  	_ =	shalt  }
0x7f: {  	_ =	shalt  }
0x80: {  	_ =	shalt  }
0x81: {  	_ =	shalt  }
0x82: {  	_ =	shalt  }
0x83: {  	_ =	shalt  }
0x84: {  	_ =	shalt  }
0x85: {  	_ =	shalt  }
0x86: {  	_ =	shalt  }
0x87: {  	_ =	shalt  }
.Lfunc_end0:
.L_simem_size_0:
called_computation_lowered:
.L_overlay_start_0:
0x88: {  	s2 =	sld [smem:$0x3FD9]  }
0x89: {  	s3 =	sld [smem:$0x3FFE];
	_ =	sdelay $0x1  }
0x8a: {  	s1 =	srdreg.scid  }
0x8b: {  	s0 =	sand.u32 $0x1, s1  }
0x8c: {  	s15 =	sshll.u32 s0, $0xA;
	s2 =	sadd.s32 s3, s2  }
0x8d: {  	s2 =	sadd.s32 s2, s15  }
0x8e: {  	[smem:$0x3FAE] =	sst s2  }
0x8f: {  	_ = 	snop  }
0x90: {  	(tm) =	ssettm $0x1  }
0x91: {  	s16 =	sld [smem:$0x3FFB];
	_ =	sdelay $0x3  }
0x92: {  	_ =	strace s16  }
0x93: {  	s2 =	sld [smem:$0x3FFC];
	_ =	sdelay $0x3  }
0x94: {  	_ =	strace s2  }
0x95: {  	s2 =	sld [smem:$0x3FFD];
	_ =	sdelay $0x3  }
0x96: {  	_ =	strace s2  }
0x97: {  	_ =	strace $0x8FFFFFFF  }
0x98: {  	s17 =	sld [smem:$0x3FDB];
	_ =	sdelay $0x1  }
0x99: {  	s18 =	simm.s32 $_scs_section_size  }
0x9a: {  	s4 =	simm.s32 $_size__tile_overlayer_lowered;
	s5 =	simm.s32 $_tile_overlayer_lowered  }
0x9b: {  	s6 =	simm.s32 $0x1BFF;
	s19 =	sshll.u32 s5, $0x1;
	s3 =	sadd.s32 s18, s17  }
0x9c: {  	s20 =	simm.s32 $0x0;
	s4 =	sshll.u32 s4, $0x1;
	s5 =	sadd.s32 s19, s3  }
0x9d: {  	[timem:s20], [sflag:s6] =	dma.local [hbm:s5], s4  }
0x9e: {  	_ =	swait.ge [sflag:s6], s4  }
0x9f: {  	s4 =	ssub.s32 $0x0, s4;
	[sflag:s6] =	ssyncset.done $0x0  }
0xa0: {  	[sflag:s6] =	ssyncadd.s32 s4;
	_ =	sdelay $0x1  }
0xa1: {  	s21 =	simm.s32 $0x1B8B  }
0xa2: {  	_ =	swait.ge [sflag:s21], $0x1  }
0xa3: {  	[sflag:s21] =	ssyncset.done $0x0  }
0xa4: {  	s22 =	sld [smem:$0x3FFE];
	[sflag:s21] =	ssyncadd.s32 $0xFFFFFFFF  }
0xa5: {  	s24 =	simm.s32 $0x1B8E;
	s23 =	sld [smem:$0x0]  }
0xa6: {  	s25 =	simm.s32 $execute0_lowered;
	[smem:$0x3FD2] =	sst s24  }
0xa7: {  	s6 =	sshll.u32 s25, $0x1;
	_ =	strace $0x80000046;
	[dreg:$0x1] =	wrdreg $0xFFFFFFFF  }
0xa8: {  	s7 =	simm.s32 $_size_execute0_lowered;
	s6 =	sadd.s32 s3, s6;
	[dreg:$0x0] =	wrdreg $0x0  }
0xa9: {  	s7 =	sshll.u32 s7, $0x1;
	[dreg:$0x2] =	wrdreg s6  }
0xaa: {  	[dreg:$0x3] =	wrdreg s7  }
0xab: {  	[dreg:$0x4] =	wrdreg $0xC0  }
0xac: {  	s26 =	simm.s32 $execute1_lowered;
	_ =	task [dreg:s20], $0x5FFFF  }
0xad: {  	s6 =	sshll.u32 s26, $0x1;
	[dreg:$0x1] =	wrdreg $0xFFFFFFFF  }
0xae: {  	s3 =	sadd.s32 s3, s6;
	[dreg:$0x0] =	wrdreg $0x60  }
0xaf: {  	[dreg:$0x2] =	wrdreg s3  }
0xb0: {  	[dreg:$0x3] =	wrdreg s22  }
0xb1: {  	[dreg:$0x4] =	wrdreg $0x9  }
0xb2: {  	_ =	task.clear_ibuf [dreg:s20], $0x5FFFF;
	_ =	strace $0x90000046  }
0xb3: {  	s28 =	simm.s32 $0x9;
	_ =	strace $0x80000048  }
0xb4: {  	_ =	swait.ge [sflag:s28], $0x1  }
0xb5: {  	[sflag:s28] =	ssyncadd.s32 $0xFFFFFFFF  }
0xb6: {  	_ =	strace $0x90000048  }
0xb7: {  	s3 =	sld [smem:$0x0]  }
0xb8: {  	s6 =	sand.u32 $0xFFFFFFFE, s1  }
0xb9: {  	p0 =	sne.s32 s1, s6  }
0xba: {  	s6 =	sshll.u32 @p0 s6, $0xE  }
0xbb: {  	s6 =	sadd.s32 @p0 $0x11BF3, s6;
	s7 =	sshll.u32 @p0 s3, $0x11  }
0xbc: {  	s6 =	sor.u32 @p0 s7, s6  }
0xbd: {  	[sflag:s6] =	ssyncadd.remote.s32 @p0 $0x1;
	_ =	sdelay $0x1  }
0xbe: {  	s6 =	simm.s32 @p0 $0x1BF3  }
0xbf: {  	_ =	swait.eq @p0 [sflag:s6], $0x1  }
0xc0: {  	[sflag:s6] =	ssyncadd.s32 @p0 $0xFFFFFFFF  }
0xc1: {  	s7 =	sshll.u32 @!p0 s1, $0xE  }
0xc2: {  	s7 =	sor.u32 @!p0 $0x4000, s7;
	s6 =	simm.s32 @!p0 $0x1BF3  }
0xc3: {  	s3 =	sshll.u32 @!p0 s3, $0x11;
	s7 =	sadd.s32 @!p0 $0x11BF3, s7;
	_ =	swait.eq @!p0 [sflag:s6], $0x1  }
0xc4: {  	s3 =	sor.u32 @!p0 s3, s7;
	[sflag:s6] =	ssyncadd.s32 @!p0 $0xFFFFFFFF  }
0xc5: {  	[sflag:s3] =	ssyncadd.remote.s32 @!p0 $0x1  }
0xc6: {  	_ =	strace $0x80000049;
	[dreg:$0x1] =	wrdreg $0xFFFFFFFF  }
0xc7: {  	[dreg:$0x0] =	wrdreg $0x2030  }
0xc8: {  	[dreg:$0x2] =	wrdreg s22  }
0xc9: {  	[dreg:$0x3] =	wrdreg s1  }
0xca: {  	[dreg:$0x4] =	wrdreg s23  }
0xcb: {  	[dreg:$0x5] =	wrdreg $0xA  }
0xcc: {  	_ =	task.clear_ibuf [dreg:s20], $0x6FFFF;
	_ =	strace $0x90000049  }
0xcd: {  	s29 =	simm.s32 $0xA;
	_ =	strace $0x8000004B  }
0xce: {  	_ =	swait.ge [sflag:s29], $0x1  }
0xcf: {  	[sflag:s29] =	ssyncadd.s32 $0xFFFFFFFF  }
0xd0: {  	_ =	strace $0x9000004B  }
0xd1: {  	_ =	sfence  }
0xd2: {  	s30 =	sld [smem:$0x0];
	_ =	sdelay $0x2  }
0xd3: {  	s31 =	sshll.u32 s1, $0xD;
	s1 =	sshrl.u32 s1, $0x2  }
0xd4: {  	s4 =	sand.u32 $0x4000, s31;
	s1 =	sadd.s32 s1, s30  }
0xd5: {  	s0 =	sor.u32 s4, s0;
	s1 =	sshll.u32 s1, $0x11  }
0xd6: {  	s0 =	sor.u32 s1, s0  }
0xd7: {  	s0 =	sadd.s32 $0x8F2B, s0  }
0xd8: {  	[sflag:s0] =	ssyncadd.remote.s32 $0x1  }
0xd9: {  	_ =	sfence.sel $0xFFFF  }
0xda: {  	[dreg:$0x0] =	wrdreg $0xFFFFFFFF;
	(pc) =	sbr.abs _section_cstart, $3  }
0xdb: {  	[dreg:$0x1] =	wrdreg $0xFFFFFFFF  }
0xdc: {  	_ =	task.clear_ibuf [dreg:s20], $0x2FFFF;
	_ =	strace $0x9FFFFFFF  }
0xdd: {  	(tm) =	ssettm $0x7FFFFFFF  }
tec
execute0_lowered:
.L_overlay_start_1:
0x0: {  	(tag) =	ssettag $0x1  }
0x1: {  	s2 =	rddreg [dreg:$0x0]  }
0x2: {  	s5 =	rddreg [dreg:$0x1]  }
0x3: {  	s0 =	rddreg [dreg:$0x2];
	s3 =	stileid.u32;
	[bflag:$0x3] =	sbarrier.arrive $0xFFFF  }
0x4: {  	s1 =	simm.s32 $_size_execute1_lowered;
	s29 =	srdreg.scid;
	s31 =	simm.s32 $0x2  }
0x5: {  	s13 =	simm.s32 $0x0;
	s8 =	simm.s32 $0x40;
	p0 =	sne.s32 s3, $0x0  }
0x6: {  	s1 =	sshll.u32 s1, $0x1;
	s4 =	simm.s32 @!p0 $0x1C3F;
	s6 =	simm.s32 @!p0 $0x4060  }
0x7: {  	[timem:s6], [sflag:s4] =	dma.local @!p0 [hbm:s2], s1  }
0x8: {  	s9 =	simm.s32 $0x80;
	s11 =	simm.s32 $0x0;
	s2 =	sshll.u32 s29, $0x8  }
.Ltmp0:
0x9: {  	s3 =	sshll.u32 s3, $0x9;
	s30 =	sand.u32 $0x100, s2;
	(pc) =	sbr.rel .LBB2_1-.Ltmp0, $4  }
0xa: {  	s12 =	simm.s32 $0x0;
	_ =	strace $0x80000047;
	s3 =	sor.u32 s3, s30  }
0xb: {  	s4 =	simm.s32 $0x1;
	s2 =	sadd.s32 $0xC99A00, s5;
	s7 =	ssub.s32 $0xC300, s3  }
0xc: {  	s5 =	sadd.s32 $0xD5D000, s5;
	[sflag:s4] =	ssyncpa.u1 $0x0;
	s6 =	sshrl.u32 s7, $0xD  }
0xd: {  	[sflag:s31] =	ssyncpa.u1 $0x0;
	s10 =	smov.u32 s3;
	s7 =	sadd.s32 $0x2, s6  }
.LBB2_5:
0xe: {  	_ =	sdelay $0x3  }
0xf: {  	[tilespmem:v3+s18+$0x0 ss:$0x1] =	vst.idx.msk $0xffff, v1  }
0x10: {  	[tilespmem:v3+s17+$0x0 ss:$0x1] =	vst.idx.msk $0xffff, v2  }
0x11: {  	[tilespmem:v3+s16+$0x0 ss:$0x1] =	vst.idx.msk $0xffff, v4  }
0x12: {  	[tilespmem:v3+s19+$0x0 ss:$0x1] =	vst.idx.msk $0xffff, v5  }
.LBB2_6:
0x13: {  	s16 =	sand.u32 $0x1FFFFFF, s11  }
0x14: {  	s17 =	smulhi.u32 $0x14F8B59, s16;
	_ =	sdelay $0x1  }
0x15: {  	s17 =	sshrl.u32 s17, $0x8  }
0x16: {  	s17 =	smul.u32 $0xC350, s17;
	_ =	sdelay $0x1  }
0x17: {  	s16 =	ssub.s32 s16, s17  }
0x18: {  	s16 =	sshll.u32 s16, $0x4  }
0x19: {  	s16 =	sadd.s32 s5, s16  }
0x1a: {  	[hbm4b:s16+s8] =	stream.strided.scatter [tilespmem:s15], [sflag:$0x2], s14, s9, s8, $0x38;
	[tilespmem:$0x10000] =	vst v63  }
.LBB2_7:
0x1b: {  	p1 =	slt.u32 s12, $0x2  }
0x1c: {  	p2 =	sgt.s32 @!p1 s13, $0xC250  }
0x1d: {  	s14 =	smov.u32 s13;
	s15 =	sshra.s32 @!p1 s13, $0x1F;
	p2 =	por !p2, p1  }
0x1e: {  	s13 =	sand.u32 @!p1 s15, s13;
	s14 =	simm.s32 @p2 $0xC250  }
0x1f: {  	s13 =	ssub.s32 @!p1 s14, s13  }
0x20: {  	s13 =	sadd.s32 @!p1 $0xFFFF3DB0, s13  }
0x21: {  	s14 =	sshll.u32 @!p1 s13, $0x8  }
0x22: {  	p2 =	sgt.s32 @!p1 s13, $0xFF;
	s13 =	ssub.s32 @!p1 $0x10000, s14  }
0x23: {  	s15 =	sadd.s32 $0x2000, s10;
	p2 =	por !p2, p1;
	s13 =	sshrl.u32 @!p1 s13, $0x2  }
0x24: {  	s13 =	simm.s32 @!p2 $0x0;
	p2 =	sgt.s32 s15, $0xC34F  }
0x25: {  	s15 =	smov.u32 @p2 s3;
	p2 =	sne.s32 s12, s7  }
.Ltmp1:
0x26: {  	_ = 	snop;
	(pc) =	sbr.rel @!p2 .LBB2_8-.Ltmp1, $4  }
0x27: {  	s14 =	simm.s32 @!p1 $0x2  }
0x28: {  	_ =	swait.ge @!p1 [sflag:s14], s13;
	s16 =	ssub.s32 @!p1 $0x0, s13  }
0x29: {  	s13 =	smov.u32 s11;
	s12 =	sadd.s32 $0x1, s12;
	[sflag:s14] =	ssyncset.done @!p1 $0x0  }
0x2a: {  	s11 =	smov.u32 s10;
	s10 =	smov.u32 s15;
	[sflag:s14] =	ssyncadd.s32 @!p1 s16  }
.LBB2_1:
0x2b: {  	p1 =	sgt.u32 s12, s6  }
0x2c: {  	s15 =	smov.u32 s10;
	p2 =	sgt.s32 @!p1 s10, $0xC250  }
0x2d: {  	s14 =	sand.u32 @!p1 $0x1FFFFFF, s10;
	s16 =	sshra.s32 @!p1 s10, $0x1F;
	p2 =	por !p2, p1  }
0x2e: {  	s17 =	smulhi.u32 @!p1 $0x14F8B59, s14;
	s16 =	sand.u32 @!p1 s16, s10;
	s15 =	simm.s32 @p2 $0xC250  }
0x2f: {  	s15 =	ssub.s32 @!p1 s15, s16  }
0x30: {  	s16 =	sshrl.u32 @!p1 s17, $0x8;
	s15 =	sadd.s32 @!p1 $0xFFFF3DB0, s15  }
0x31: {  	s17 =	sxor.u32 @!p1 $0xFFFFFFFF, s12;
	s16 =	smul.u32 @!p1 $0xC350, s16;
	s18 =	sshll.u32 @!p1 s15, $0x8  }
0x32: {  	s17 =	sshll.u32 @!p1 s17, $0xE;
	p2 =	sgt.s32 @!p1 s15, $0xFF;
	s15 =	ssub.s32 @!p1 $0x10000, s18  }
0x33: {  	s14 =	ssub.s32 @!p1 s14, s16;
	p2 =	por !p2, p1;
	s16 =	sand.u32 @!p1 $0x4000, s17  }
0x34: {  	s17 =	simm.s32 @!p1 $0x40;
	s15 =	sshrl.u32 @!p1 s15, $0x2;
	s14 =	sshll.u32 @!p1 s14, $0x4  }
0x35: {  	s18 =	simm.s32 @!p1 $0x80;
	s15 =	simm.s32 @!p2 $0x0;
	s14 =	sadd.s32 @!p1 s2, s14  }
0x36: {  	[tilespmem:s16], [sflag:$0x1] =	stream.strided.gather @!p1 [hbm4b:s14+s17], s15, s18, s17, $0x38;
	[tilespmem:$0x10000] =	vst v63  }
0x37: {  	p1 =	seq.s32 s12, $0x0  }
0x38: {  	p2 =	sge.u32 @!p1 s12, s7  }
0x39: {  	p1 =	por p1, p2  }
.Ltmp2:
0x3a: {  	_ = 	snop;
	(pc) =	sbr.rel @p1 .LBB2_7-.Ltmp2, $1  }
0x3b: {  	_ =	sdelay $0x3  }
0x3c: {  	p1 =	sgt.s32 s11, $0xC250;
	s14 =	smov.u32 s11;
	s15 =	sshra.s32 s11, $0x1F  }
0x3d: {  	s14 =	simm.s32 @!p1 $0xC250;
	s15 =	sand.u32 s15, s11  }
0x3e: {  	s14 =	ssub.s32 s14, s15  }
0x3f: {  	s14 =	sadd.s32 $0xFFFF3DB0, s14  }
0x40: {  	s31 =	sshll.u32 s14, $0x8  }
0x41: {  	s15 =	ssub.s32 $0x10000, s31  }
0x42: {  	p1 =	sgt.s32 s14, $0xFF;
	s14 =	sshrl.u32 s15, $0x2;
	s15 =	sadd.s32 $0x100, s11  }
0x43: {  	s14 =	simm.s32 @p1 $0x0;
	p1 =	slt.s32 s15, $0xC350  }
0x44: {  	s15 =	simm.s32 @!p1 $0xC350  }
0x45: {  	s20 =	ssub.s32 s15, s11  }
0x46: {  	p1 =	slt.s32 s20, $0x1  }
.Ltmp3:
0x47: {  	_ = 	snop;
	(pc) =	sbr.rel @p1 .LBB2_6-.Ltmp3, $4  }
0x48: {  	_ = 	snop  }
0x49: {  	s16 =	sshll.u32 s12, $0xE;
	_ =	swait.ge [sflag:s4], s14  }
0x4a: {  	s16 =	sand.u32 $0x4000, s16;
	s17 =	ssub.s32 $0x0, s14;
	[sflag:s4] =	ssyncset.done $0x0  }
0x4b: {  	s15 =	sor.u32 $0x8000, s16;
	[sflag:s4] =	ssyncadd.s32 s17  }
0x4c: {  	v0 =	vmov s16;
	_ =	sdelay $0x2  }
0x4d: {  	s31 =	simm.s32 $0x0;
	p1 =	sne.s32 s20, $0x1  }
.Ltmp4:
0x4e: {  	s18 =	sand.u32 $0x3FC0, s31;
	(pc) =	sbr.rel @!p1 .LBB2_5-.Ltmp4, $4  }
0x4f: {  	s17 =	sor.u32 $0x30, s18;
	v1 =	vld.idx.msk [tilespmem:v0+s18+$0x0 ss:$0x1], $0xffff  }
0x50: {  	v3 =	vmov s15;
	s16 =	sor.u32 $0x10, s18;
	v2 =	vld.idx.msk [tilespmem:v0+s17+$0x0 ss:$0x1], $0xffff  }
0x51: {  	s19 =	sor.u32 $0x20, s18;
	v4 =	vld.idx.msk [tilespmem:v0+s16+$0x0 ss:$0x1], $0xffff  }
0x52: {  	s20 =	sadd.s32 $0xFFFFFFFF, s20;
	s21 =	simm.s32 $0x40;
	v5 =	vld.idx.msk [tilespmem:v0+s19+$0x0 ss:$0x1], $0xffff  }
.LBB2_4:
0x53: {  	s22 =	sand.u32 $0x3FC0, s21  }
0x54: {  	p1 =	sne.s32 s20, $0x1;
	s20 =	sadd.s32 $0xFFFFFFFF, s20;
	s23 =	sor.u32 $0x10, s22  }
.Ltmp5:
0x55: {  	s24 =	sor.u32 $0x20, s22;
	s25 =	sor.u32 $0x30, s22;
	[tilespmem:v3+s18+$0x0 ss:$0x1] =	vst.idx.msk $0xffff, v1;
	v1 =	vld.idx.msk [tilespmem:v0+s22+$0x0 ss:$0x1], $0xffff;
	(pc) =	sbr.rel @p1 .LBB2_4-.Ltmp5, $4  }
0x56: {  	s18 =	smov.u32 s22;
	[tilespmem:v3+s17+$0x0 ss:$0x1] =	vst.idx.msk $0xffff, v2;
	v2 =	vld.idx.msk [tilespmem:v0+s25+$0x0 ss:$0x1], $0xffff;
	s17 =	smov.u32 s25  }
0x57: {  	[tilespmem:v3+s16+$0x0 ss:$0x1] =	vst.idx.msk $0xffff, v4;
	v4 =	vld.idx.msk [tilespmem:v0+s23+$0x0 ss:$0x1], $0xffff;
	s16 =	smov.u32 s23  }
0x58: {  	[tilespmem:v3+s19+$0x0 ss:$0x1] =	vst.idx.msk $0xffff, v5;
	v5 =	vld.idx.msk [tilespmem:v0+s24+$0x0 ss:$0x1], $0xffff;
	s19 =	smov.u32 s24  }
0x59: {  	s21 =	sadd.s32 $0x40, s21  }
.Ltmp6:
0x5a: {  	_ = 	snop;
	(pc) =	sbr.rel .LBB2_5-.Ltmp6, $1  }
0x5b: {  	_ =	sdelay $0x3  }
.LBB2_8:
0x5c: {  	_ =	sfence.sel $0x180000  }
0x5d: {  	s2 =	simm.s32 $0x1;
	[bflag:$0x0] =	sbarrier.arrive $0xFFFF  }
0x5e: {  	s31 =	simm.s32 $0x2;
	[sflag:s2] =	ssyncpa.u1 $0x1  }
0x5f: {  	[sflag:s31] =	ssyncpa.u1 $0x1  }
0x60: {  	_ =	strace $0x90000047  }
0x61: {  	s0 =	sadd.s32 @!p0 $0x100000, s0;
	[bflag:$0x2] =	sbarrier.arrive $0xFFFF  }
0x62: {  	[sflag:s0] =	ssyncadd.tile.s32 @!p0 $0x1;
	s0 =	simm.s32 @!p0 $0x3F  }
0x63: {  	_ =	swait.ge @!p0 [sflag:s0], s1  }
0x64: {  	s1 =	ssub.s32 @!p0 $0x0, s1;
	[sflag:s0] =	ssyncset.done @!p0 $0x0  }
0x65: {  	[sflag:s0] =	ssyncadd.s32 @!p0 s1  }
0x66: {  	[bflag:$0x3] =	sbarrier.arrive $0xFFFF  }
0x67: {  	_ =	shalt  }
.Lfunc_end2:
execute1_lowered:
.L_overlay_start_2:
0x68: {  	(tag) =	ssettag $0x2  }
0x69: {  	s2 =	rddreg [dreg:$0x0]  }
0x6a: {  	s4 =	rddreg [dreg:$0x1];
	_ =	strace $0x8000004A;
	s0 =	simm.s32 $0x1  }
0x6b: {  	s3 =	simm.s32 $0x88;
	v0 =	vimm.s32 $0x0;
	[sflag:s0] =	ssyncpa.u1 $0x0  }
0x6c: {  	[tilespmem:s3+$0x30] =	vst v0  }
0x6d: {  	s1 =	sadd.s32 $0xD5D000, s2;
	s0 =	sadd.s32 $0x1C00, s2;
	s6 =	sadd.s32 $0x4C200, s2;
	[tilespmem:s3+$0x20] =	vst v0  }
0x6e: {  	s2 =	sadd.s32 $0xC81200, s2;
	s7 =	sand.u32 $0x1, s4;
	s4 =	simm.s32 $0x40;
	[tilespmem:s3+$0x10] =	vst v0  }
.LBB3_1:
0x6f: {  	s4 =	sadd.s32 $0x40, s4  }
0x70: {  	[tilespmem:s3+$0x0] =	vst v0;
	s3 =	sadd.s32 $0x40, s3;
	p0 =	slt.u32 s4, $0x5040  }
.Ltmp7:
0x71: {  	(pc) =	sbr.rel @p0 .LBB3_1-.Ltmp7, $4  }
0x72: {  	_ = 	snop  }
0x73: {  	[tilespmem:s3+$0x30] =	vst v0  }
0x74: {  	[tilespmem:s3+$0x20] =	vst v0  }
0x75: {  	[tilespmem:s3+$0x10] =	vst v0  }
0x76: {  	s8 =	stileid.u32  }
0x77: {  	s4 =	smul.u32 $0x4E, s8  }
0x78: {  	s5 =	smin.u32 s8, $0x2  }
0x79: {  	s4 =	sadd.s32 s5, s4  }
0x7a: {  	p0 =	slt.u32 s8, $0x2;
	s12 =	smul.u32 $0x140, s4;
	s4 =	simm.s32 $0x62C0  }
0x7b: {  	s4 =	simm.s32 @!p0 $0x6180  }
0x7c: {  	s25 =	simm.s32 $0x2;
	s4 =	sadd.s32 s4, s12  }
0x7d: {  	s28 =	simm.s32 $0x9;
	s9 =	simm.s32 $0xA;
	s14 =	smin.u32 s4, $0x61A80  }
0x7e: {  	s30 =	simm.s32 $0xB;
	[dreg:$0x4] =	wrdreg s7;
	s4 =	ssub.s32 s14, s12  }
0x7f: {  	s31 =	smul.u32 $0xC350, s7;
	s13 =	simm.s32 $0x1;
	p0 =	sgt.s32 s4, $0x0  }
0x80: {  	s19 =	simm.s32 $0x0;
	s20 =	simm.s32 $0xA808;
	s4 =	simm.s32 @!p0 $0x0  }
0x81: {  	s21 =	simm.s32 $0xFFFFFFFF;
	p1 =	por $0x0, $0x0;
	s26 =	smulhi.u32 $0x66666667, s4  }
0x82: {  	[tilespmem:s3+$0x0] =	vst v0;
	s23 =	simm.s32 $0x0;
	[sflag:s25] =	ssyncpa.u1 $0x0;
	s18 =	sshll.u32 s8, $0x7  }
0x83: {  	s0 =	sadd.s32 s31, s0;
	[dreg:$0xa] =	wrdreg s18;
	s3 =	sshrl.u32 s26, $0x7  }
0x84: {  	v0 =	vimm.s32 $0xFFFFFFFF;
	s17 =	sadd.s32 s31, s2;
	[dreg:$0x9] =	wrdreg s0;
	s29 =	smul.u32 $0x140, s3  }
0x85: {  	s25 =	simm.s32 $0x0;
	[tilespmem:$0xA108] =	vst v0;
	[sflag:s28] =	ssyncpa.u1 $0x0;
	[dreg:$0x8] =	wrdreg s17  }
.Ltmp8:
0x86: {  	p0 =	sne.s32 s4, s29;
	s4 =	simm.s32 $0x1;
	(pc) =	sbr.rel .LBB3_3-.Ltmp8, $4  }
0x87: {  	[sflag:s9] =	ssyncpa.u1 $0x0;
	[dreg:$0x5] =	wrdreg s12;
	s4 =	simm.s32 @!p0 $0x0  }
0x88: {  	[sflag:s30] =	ssyncpa.u1 $0x0;
	[dreg:$0x6] =	wrdreg s14;
	s15 =	sadd.s32 s4, s3  }
0x89: {  	s24 =	smov.u32 s12;
	s22 =	sadd.s32 $0x1, s15;
	[dreg:$0x7] =	wrdreg s15  }
0x8a: {  	v0 =	vlaneseq.u32;
	s26 =	simm.s32 $0x0;
	p0 =	por $0x1, $0x1;
	[dreg:$0xb] =	wrdreg s22  }
.LBB3_22:
0x8b: {  	s0 =	sshrl.u32 s3, $0x2  }
.LBB3_24:
0x8c: {  	s3 =	simm.s32 $0xC  }
0x8d: {  	_ =	swait.ge [sflag:s3], s0  }
0x8e: {  	s31 =	ssub.s32 $0x0, s0;
	v1 =	vmov s4;
	vm0 =	veq.s32 v0, $0x0;
	[sflag:s3] =	ssyncset.done $0x0  }
0x8f: {  	vm15 =	veq.s32 v0, $0x2;
	v1 =	vsel vm0, s2, v1;
	[sflag:s3] =	ssyncadd.s32 s31  }
0x90: {  	v1 =	vsel vm15, s26, v1;
	[sflag:s3] =	ssyncpa.u1 $0x1  }
0x91: {  	[tilespmem:$0xA108] =	vst v1  }
.LBB3_25:
0x92: {  	s0 =	sadd.s32 $0x140, s24  }
0x93: {  	s2 =	smov.u32 s12;
	p2 =	slt.s32 s0, s14  }
0x94: {  	s2 =	smov.u32 @p2 s0;
	p2 =	sne.s32 s25, s22  }
.Ltmp9:
0x95: {  	_ = 	snop;
	(pc) =	sbr.rel @!p2 .LBB3_26-.Ltmp9, $4  }
0x96: {  	_ = 	snop  }
0x97: {  	s26 =	smov.u32 s23;
	s31 =	sadd.s32 $0x1, s25;
	p0 =	por !p0, !p0  }
0x98: {  	s23 =	smov.u32 s24;
	s20 =	sadd.s32 $0x140, s20;
	s21 =	sadd.s32 $0x1, s21  }
0x99: {  	p1 =	por !p1, !p1;
	s25 =	smov.u32 s31;
	s24 =	smov.u32 s2  }
.LBB3_3:
0x9a: {  	p2 =	sge.u32 s25, s15  }
0x9b: {  	s0 =	smulhi.u32 @!p2 $0xAAAAAAAB, s25  }
0x9c: {  	s2 =	smov.u32 s24;
	p3 =	sgt.s32 @!p2 s24, $0x61940  }
0x9d: {  	s3 =	sshra.s32 @!p2 s24, $0x1F;
	p3 =	por !p3, p2;
	s0 =	sshrl.u32 @!p2 s0, $0x1  }
0x9e: {  	s3 =	sand.u32 @!p2 s3, s24;
	s2 =	simm.s32 @p3 $0x61940;
	s0 =	smul.u32 @!p2 $0x3, s0  }
0x9f: {  	s2 =	ssub.s32 @!p2 s2, s3  }
0xa0: {  	s2 =	sadd.s32 @!p2 $0xFFF9E6C0, s2;
	s0 =	ssub.s32 @!p2 s25, s0  }
0xa1: {  	s3 =	sshll.u32 @!p2 s2, $0x2;
	p3 =	sgt.s32 @!p2 s2, $0x13F;
	s0 =	smul.u32 @!p2 $0x500, s0  }
0xa2: {  	s4 =	sand.u32 @!p2 $0x7, s24;
	s2 =	ssub.s32 @!p2 $0x500, s3;
	p3 =	por !p3, p2  }
0xa3: {  	s3 =	sshrl.u32 @!p2 s24, $0x3;
	s2 =	sshrl.u32 @!p2 s2, $0x2;
	s0 =	sshrl.u32 @!p2 s0, $0x2  }
0xa4: {  	s3 =	sadd.s32 @!p2 s3, s17;
	s2 =	simm.s32 @!p3 $0x0;
	s0 =	sadd.s32 @!p2 $0xA948, s0  }
0xa5: {  	[tilespmem:s0], [sflag:$0xA] =	stream.linear.gather @!p2 [hbm4b:s3+s4], s2, $0x38;
	[tilespmem:$0x1EF88] =	vst v63  }
0xa6: {  	s0 =	sadd.s32 $0xFFFFFFFF, s25  }
0xa7: {  	p2 =	sge.u32 s0, s15  }
.Ltmp10:
0xa8: {  	_ = 	snop;
	(pc) =	sbr.rel @p2 .LBB3_7-.Ltmp10, $1  }
0xa9: {  	_ =	sdelay $0x3  }
0xaa: {  	p2 =	sgt.s32 s23, $0x61940;
	s2 =	smov.u32 s23;
	s3 =	sshra.s32 s23, $0x1F  }
0xab: {  	s2 =	simm.s32 @!p2 $0x61940;
	s3 =	sand.u32 s3, s23  }
0xac: {  	s17 =	smulhi.u32 $0xAAAAAAAB, s21;
	s2 =	ssub.s32 s2, s3  }
0xad: {  	s0 =	sand.u32 $0x1, s0;
	s2 =	sadd.s32 $0xFFF9E6C0, s2  }
0xae: {  	s5 =	simm.s32 $0xA;
	s3 =	sshrl.u32 s17, $0x1;
	s4 =	sshll.u32 s2, $0x2  }
0xaf: {  	s7 =	sshrl.u32 s23, $0x3;
	s3 =	smul.u32 $0xFFFFF100, s3;
	s4 =	ssub.s32 $0x500, s4  }
0xb0: {  	s18 =	smul.u32 $0x500, s0;
	p2 =	sgt.s32 s2, $0x13F;
	s2 =	sshrl.u32 s4, $0x2  }
0xb1: {  	s9 =	sand.u32 $0x7, s23;
	s3 =	sshra.s32 s3, $0x2;
	s2 =	simm.s32 @p2 $0x0  }
0xb2: {  	s0 =	sadd.s32 s3, s20;
	s4 =	sshrl.u32 s18, $0x2;
	_ =	swait.ge [sflag:s5], s2  }
0xb3: {  	s22 =	ssub.s32 $0x0, s2;
	[sflag:s5] =	ssyncset.done $0x0;
	s8 =	rddreg [dreg:$0x9]  }
0xb4: {  	s4 =	sadd.s32 $0xAD08, s4;
	[sflag:s5] =	ssyncadd.s32 s22;
	s3 =	sadd.s32 s7, s8  }
0xb5: {  	[tilespmem:s4], [sflag:$0xB] =	stream.linear.gather [hbm4b:s3+s9], s2, $0x38;
	[tilespmem:$0x1EF88] =	vst v63  }
0xb6: {  	v1 =	vld.msk [tilespmem:s0+$0x0], $0xffff;
	_ =	sdelay $0x4  }
0xb7: {  	v1 =	vshll.u32 v1, $0x4  }
0xb8: {  	(v2sf) =	vpush v1, $0x0  }
0xb9: {  	(v2sf) =	vpush v1, $0x1  }
0xba: {  	(v2sf) =	vpush v1, $0x2;
	_ =	sdelay $0x3  }
0xbb: {  	(v2sf) =	vpush v1, $0x3;
	_ =	sdelay $0x1  }
0xbc: {  	(v2sf) =	vpush v1, $0x4  }
0xbd: {  	s2 =	simm.s32 $0x1;
	(v2sf) =	vpush v1, $0x5  }
0xbe: {  	s2 =	simm.s32 @!p0 $0x0  }
0xbf: {  	s2 =	smul.u32 $0x28000, s2;
	(v2sf) =	vpush v1, $0x6;
	_ =	sdelay $0x1  }
0xc0: {  	s2 =	sshrl.u32 s2, $0x2  }
0xc1: {  	s28 =	sadd.s32 $0xB708, s2  }
0xc2: {  	s12 =	sadd.s32 $0xFFFFF880, s28;
	s17 =	sadd.s32 $0xFFFFF900, s28;
	s10 =	spop (v2sf);
	(v2sf) =	vpush v1, $0x7  }
0xc3: {  	s18 =	sadd.s32 $0xFFFFF980, s28;
	s11 =	sand.u32 $0x1FFFFFF0, s10;
	s14 =	spop (v2sf)  }
0xc4: {  	(v2sf) =	vpush v1, $0x8;
	s2 =	sadd.s32 s6, s11;
	s15 =	sand.u32 $0x1FFFFFF0, s14;
	s16 =	spop (v2sf)  }
0xc5: {  	[tilespmem:s12], [sflag:$0x9] =	stream.linear.gather [hbm4b:s2+s19], $0x40, $0x38;
	[tilespmem:$0x1EF88] =	vst v63  }
0xc6: {  	s5 =	sadd.s32 $0xFFFFFA00, s28;
	s2 =	sadd.s32 s6, s15;
	s3 =	sand.u32 $0x1FFFFFF0, s16  }
0xc7: {  	(v2sf) =	vpush v1, $0x9;
	[tilespmem:s17], [sflag:$0x9] =	stream.linear.gather [hbm4b:s2+s19], $0x40, $0x38;
	[tilespmem:$0x1EF88] =	vst v63  }
0xc8: {  	s7 =	sadd.s32 $0xFFFFFA80, s28;
	s22 =	spop (v2sf);
	s3 =	sadd.s32 s6, s3  }
0xc9: {  	(v2sf) =	vpush v1, $0xA;
	[tilespmem:s18], [sflag:$0x9] =	stream.linear.gather [hbm4b:s3+s19], $0x40, $0x38;
	[tilespmem:$0x1EF88] =	vst v63  }
0xca: {  	s11 =	sadd.s32 $0xFFFFFB00, s28;
	s4 =	spop (v2sf);
	(v2sf) =	vpush v1, $0xB;
	s3 =	sand.u32 $0x1FFFFFF0, s22  }
0xcb: {  	s8 =	spop (v2sf);
	s2 =	sadd.s32 s6, s3;
	s3 =	sand.u32 $0x1FFFFFF0, s4  }
0xcc: {  	(v2sf) =	vpush v1, $0xC;
	[tilespmem:s5], [sflag:$0x9] =	stream.linear.gather [hbm4b:s2+s19], $0x40, $0x38;
	[tilespmem:$0x1EF88] =	vst v63  }
0xcd: {  	s9 =	sand.u32 $0x1FFFFFF0, s8;
	s10 =	spop (v2sf);
	s3 =	sadd.s32 s6, s3  }
0xce: {  	(v2sf) =	vpush v1, $0xD;
	[tilespmem:s7], [sflag:$0x9] =	stream.linear.gather [hbm4b:s3+s19], $0x40, $0x38;
	[tilespmem:$0x1EF88] =	vst v63  }
0xcf: {  	s12 =	sadd.s32 $0xFFFFFB80, s28;
	s2 =	sadd.s32 s6, s9;
	s3 =	sand.u32 $0x1FFFFFF0, s10  }
0xd0: {  	[tilespmem:s11], [sflag:$0x9] =	stream.linear.gather [hbm4b:s2+s19], $0x40, $0x38;
	[tilespmem:$0x1EF88] =	vst v63  }
0xd1: {  	s17 =	sadd.s32 $0xFFFFFC00, s28;
	s3 =	sadd.s32 s6, s3;
	s14 =	spop (v2sf)  }
0xd2: {  	[tilespmem:s12], [sflag:$0x9] =	stream.linear.gather [hbm4b:s3+s19], $0x40, $0x38;
	(v2sf) =	vpush v1, $0xE;
	[tilespmem:$0x1EF88] =	vst v63  }
0xd3: {  	s18 =	sadd.s32 $0xFFFFFC80, s28;
	s15 =	sand.u32 $0x1FFFFFF0, s14;
	s16 =	spop (v2sf)  }
0xd4: {  	s5 =	sadd.s32 $0xFFFFFD00, s28;
	(v2sf) =	vpush v1, $0xF;
	s2 =	sadd.s32 s6, s15;
	s3 =	sand.u32 $0x1FFFFFF0, s16  }
0xd5: {  	[tilespmem:s17], [sflag:$0x9] =	stream.linear.gather [hbm4b:s2+s19], $0x40, $0x38;
	[tilespmem:$0x1EF88] =	vst v63  }
0xd6: {  	s7 =	sadd.s32 $0xFFFFFD80, s28;
	s22 =	spop (v2sf);
	s3 =	sadd.s32 s6, s3  }
0xd7: {  	[tilespmem:s18], [sflag:$0x9] =	stream.linear.gather [hbm4b:s3+s19], $0x40, $0x38;
	[tilespmem:$0x1EF88] =	vst v63  }
0xd8: {  	s11 =	sadd.s32 $0xFFFFFE00, s28;
	s4 =	spop (v2sf);
	s3 =	sand.u32 $0x1FFFFFF0, s22  }
0xd9: {  	s8 =	spop (v2sf);
	s2 =	sadd.s32 s6, s3;
	s3 =	sand.u32 $0x1FFFFFF0, s4  }
0xda: {  	[tilespmem:s5], [sflag:$0x9] =	stream.linear.gather [hbm4b:s2+s19], $0x40, $0x38;
	[tilespmem:$0x1EF88] =	vst v63  }
0xdb: {  	s9 =	sand.u32 $0x1FFFFFF0, s8;
	s10 =	spop (v2sf);
	s3 =	sadd.s32 s6, s3  }
0xdc: {  	[tilespmem:s7], [sflag:$0x9] =	stream.linear.gather [hbm4b:s3+s19], $0x40, $0x38;
	[tilespmem:$0x1EF88] =	vst v63  }
0xdd: {  	s14 =	spop (v2sf);
	s2 =	sadd.s32 s6, s9;
	s3 =	sand.u32 $0x1FFFFFF0, s10  }
0xde: {  	[tilespmem:s11], [sflag:$0x9] =	stream.linear.gather [hbm4b:s2+s19], $0x40, $0x38;
	[tilespmem:$0x1EF88] =	vst v63  }
0xdf: {  	s12 =	sadd.s32 $0xFFFFFE80, s28;
	s15 =	sand.u32 $0x1FFFFFF0, s14;
	s3 =	sadd.s32 s6, s3  }
0xe0: {  	[tilespmem:s12], [sflag:$0x9] =	stream.linear.gather [hbm4b:s3+s19], $0x40, $0x38;
	[tilespmem:$0x1EF88] =	vst v63  }
0xe1: {  	s17 =	sadd.s32 $0xFFFFFF00, s28;
	s2 =	sadd.s32 s6, s15;
	s16 =	spop (v2sf)  }
0xe2: {  	[tilespmem:s17], [sflag:$0x9] =	stream.linear.gather [hbm4b:s2+s19], $0x40, $0x38;
	[tilespmem:$0x1EF88] =	vst v63  }
0xe3: {  	s29 =	simm.s32 $0x0;
	s3 =	sand.u32 $0x1FFFFFF0, s16;
	s18 =	spop (v2sf)  }
0xe4: {  	s22 =	sadd.s32 $0xFFFFFF80, s28;
	s3 =	sadd.s32 s6, s3;
	s2 =	sand.u32 $0x1FFFFFF0, s18  }
0xe5: {  	[tilespmem:s22], [sflag:$0x9] =	stream.linear.gather [hbm4b:s3+s19], $0x40, $0x38;
	[tilespmem:$0x1EF88] =	vst v63  }
0xe6: {  	s31 =	sadd.s32 $0x10, s0;
	s30 =	sadd.s32 $0x800, s28;
	s2 =	sadd.s32 s6, s2  }
.LBB3_5:
0xe7: {  	[tilespmem:s28], [sflag:$0x9] =	stream.linear.gather [hbm4b:s2+s19], $0x40, $0x38;
	[tilespmem:$0x1EF88] =	vst v63  }
0xe8: {  	s29 =	sadd.s32 $0x10, s29;
	s28 =	smov.u32 s30  }
0xe9: {  	p2 =	slt.u32 s29, $0x130;
	v1 =	vld.msk [tilespmem:s31+$0x0], $0xffff;
	_ =	sdelay $0x4  }
0xea: {  	v1 =	vshll.u32 v1, $0x4  }
0xeb: {  	(v2sf) =	vpush v1, $0x0  }
0xec: {  	(v2sf) =	vpush v1, $0x1  }
0xed: {  	(v2sf) =	vpush v1, $0x2;
	_ =	sdelay $0x1  }
0xee: {  	(v2sf) =	vpush v1, $0x3;
	_ =	sdelay $0x1  }
0xef: {  	(v2sf) =	vpush v1, $0x4;
	_ =	sdelay $0x1  }
0xf0: {  	(v2sf) =	vpush v1, $0x5;
	_ =	sdelay $0x1  }
0xf1: {  	(v2sf) =	vpush v1, $0x6  }
0xf2: {  	s4 =	sadd.s32 $0xFFFFFE80, s30;
	s0 =	sadd.s32 $0xFFFFFF00, s30  }
0xf3: {  	s3 =	sadd.s32 $0xFFFFFD00, s30;
	s2 =	sadd.s32 $0xFFFFFD80, s30;
	s5 =	sadd.s32 $0xFFFFFE00, s30;
	(v2sf) =	vpush v1, $0x7  }
0xf4: {  	s10 =	sadd.s32 $0xFFFFFB80, s30;
	s9 =	sadd.s32 $0xFFFFFC00, s30;
	s16 =	sadd.s32 $0xFFFFFC80, s30  }
0xf5: {  	s11 =	sadd.s32 $0xFFFFFA00, s30;
	s12 =	sadd.s32 $0xFFFFFA80, s30;
	s15 =	sadd.s32 $0xFFFFFB00, s30;
	(v2sf) =	vpush v1, $0x8  }
0xf6: {  	s18 =	sadd.s32 $0xFFFFF900, s30;
	s7 =	sadd.s32 $0xFFFFF980, s30;
	s22 =	spop (v2sf)  }
0xf7: {  	s8 =	sadd.s32 $0xFFFFF880, s30;
	s22 =	sand.u32 $0x1FFFFFF0, s22;
	s14 =	spop (v2sf);
	(v2sf) =	vpush v1, $0x9  }
0xf8: {  	s22 =	sadd.s32 s6, s22;
	s14 =	sand.u32 $0x1FFFFFF0, s14;
	s17 =	spop (v2sf)  }
0xf9: {  	[tilespmem:s8], [sflag:$0x9] =	stream.linear.gather [hbm4b:s22+s19], $0x40, $0x38;
	(v2sf) =	vpush v1, $0xA;
	[tilespmem:$0x1EF88] =	vst v63  }
0xfa: {  	s8 =	sadd.s32 s6, s14;
	s14 =	sand.u32 $0x1FFFFFF0, s17;
	s17 =	spop (v2sf)  }
0xfb: {  	[tilespmem:s18], [sflag:$0x9] =	stream.linear.gather [hbm4b:s8+s19], $0x40, $0x38;
	(v2sf) =	vpush v1, $0xB;
	[tilespmem:$0x1EF88] =	vst v63  }
0xfc: {  	s8 =	sadd.s32 s6, s14;
	s14 =	sand.u32 $0x1FFFFFF0, s17;
	s17 =	spop (v2sf)  }
0xfd: {  	[tilespmem:s7], [sflag:$0x9] =	stream.linear.gather [hbm4b:s8+s19], $0x40, $0x38;
	(v2sf) =	vpush v1, $0xC;
	[tilespmem:$0x1EF88] =	vst v63  }
0xfe: {  	s7 =	sadd.s32 s6, s14;
	s8 =	sand.u32 $0x1FFFFFF0, s17;
	s14 =	spop (v2sf)  }
0xff: {  	[tilespmem:s11], [sflag:$0x9] =	stream.linear.gather [hbm4b:s7+s19], $0x40, $0x38;
	(v2sf) =	vpush v1, $0xD;
	[tilespmem:$0x1EF88] =	vst v63  }
0x100: {  	s7 =	sadd.s32 s6, s8;
	s8 =	sand.u32 $0x1FFFFFF0, s14;
	s11 =	spop (v2sf)  }
0x101: {  	[tilespmem:s12], [sflag:$0x9] =	stream.linear.gather [hbm4b:s7+s19], $0x40, $0x38;
	(v2sf) =	vpush v1, $0xE;
	[tilespmem:$0x1EF88] =	vst v63  }
0x102: {  	s7 =	sadd.s32 s6, s8;
	s8 =	sand.u32 $0x1FFFFFF0, s11;
	s11 =	spop (v2sf)  }
0x103: {  	[tilespmem:s15], [sflag:$0x9] =	stream.linear.gather [hbm4b:s7+s19], $0x40, $0x38;
	(v2sf) =	vpush v1, $0xF;
	[tilespmem:$0x1EF88] =	vst v63  }
0x104: {  	s7 =	sadd.s32 s6, s8;
	s8 =	sand.u32 $0x1FFFFFF0, s11;
	s11 =	spop (v2sf)  }
0x105: {  	[tilespmem:s10], [sflag:$0x9] =	stream.linear.gather [hbm4b:s7+s19], $0x40, $0x38;
	[tilespmem:$0x1EF88] =	vst v63  }
0x106: {  	s7 =	sadd.s32 s6, s8;
	s8 =	sand.u32 $0x1FFFFFF0, s11;
	s10 =	spop (v2sf)  }
0x107: {  	[tilespmem:s9], [sflag:$0x9] =	stream.linear.gather [hbm4b:s7+s19], $0x40, $0x38;
	[tilespmem:$0x1EF88] =	vst v63  }
0x108: {  	s7 =	sadd.s32 s6, s8;
	s8 =	sand.u32 $0x1FFFFFF0, s10;
	s9 =	spop (v2sf)  }
0x109: {  	[tilespmem:s16], [sflag:$0x9] =	stream.linear.gather [hbm4b:s7+s19], $0x40, $0x38;
	[tilespmem:$0x1EF88] =	vst v63  }
0x10a: {  	s7 =	sadd.s32 s6, s8;
	s8 =	sand.u32 $0x1FFFFFF0, s9;
	s9 =	spop (v2sf)  }
0x10b: {  	[tilespmem:s3], [sflag:$0x9] =	stream.linear.gather [hbm4b:s7+s19], $0x40, $0x38;
	[tilespmem:$0x1EF88] =	vst v63  }
0x10c: {  	s3 =	sadd.s32 s6, s8;
	s7 =	sand.u32 $0x1FFFFFF0, s9;
	s8 =	spop (v2sf)  }
0x10d: {  	[tilespmem:s2], [sflag:$0x9] =	stream.linear.gather [hbm4b:s3+s19], $0x40, $0x38;
	[tilespmem:$0x1EF88] =	vst v63  }
0x10e: {  	s2 =	sadd.s32 s6, s7;
	s3 =	sand.u32 $0x1FFFFFF0, s8;
	s7 =	spop (v2sf)  }
0x10f: {  	[tilespmem:s5], [sflag:$0x9] =	stream.linear.gather [hbm4b:s2+s19], $0x40, $0x38;
	[tilespmem:$0x1EF88] =	vst v63  }
0x110: {  	s2 =	sadd.s32 s6, s3;
	s3 =	sand.u32 $0x1FFFFFF0, s7;
	s5 =	spop (v2sf)  }
0x111: {  	[tilespmem:s4], [sflag:$0x9] =	stream.linear.gather [hbm4b:s2+s19], $0x40, $0x38;
	[tilespmem:$0x1EF88] =	vst v63  }
0x112: {  	s2 =	sadd.s32 s6, s3  }
.Ltmp11:
0x113: {  	s3 =	sand.u32 $0x1FFFFFF0, s5;
	s4 =	spop (v2sf);
	(pc) =	sbr.rel @p2 .LBB3_5-.Ltmp11, $4  }
0x114: {  	[tilespmem:s0], [sflag:$0x9] =	stream.linear.gather [hbm4b:s2+s19], $0x40, $0x38;
	[tilespmem:$0x1EF88] =	vst v63  }
0x115: {  	s0 =	sadd.s32 s6, s3;
	s2 =	sadd.s32 $0xFFFFFF80, s30;
	s3 =	sand.u32 $0x1FFFFFF0, s4  }
0x116: {  	[tilespmem:s2], [sflag:$0x9] =	stream.linear.gather [hbm4b:s0+s19], $0x40, $0x38;
	[tilespmem:$0x1EF88] =	vst v63  }
0x117: {  	s31 =	sadd.s32 $0x10, s31;
	s30 =	sadd.s32 $0x800, s30;
	s2 =	sadd.s32 s6, s3  }
0x118: {  	[tilespmem:s28], [sflag:$0x9] =	stream.linear.gather [hbm4b:s2+s19], $0x40, $0x38;
	[tilespmem:$0x1EF88] =	vst v63  }
0x119: {  	s12 =	rddreg [dreg:$0x5]  }
0x11a: {  	s14 =	rddreg [dreg:$0x6]  }
0x11b: {  	s15 =	rddreg [dreg:$0x7]  }
0x11c: {  	s17 =	rddreg [dreg:$0x8]  }
0x11d: {  	s18 =	rddreg [dreg:$0xa]  }
0x11e: {  	s22 =	rddreg [dreg:$0xb]  }
.LBB3_7:
0x11f: {  	p2 =	slt.u32 s25, $0x2  }
.Ltmp12:
0x120: {  	_ = 	snop;
	(pc) =	sbr.rel @p2 .LBB3_25-.Ltmp12, $1  }
0x121: {  	_ =	sdelay $0x3  }
0x122: {  	p2 =	sgt.s32 s26, $0x61940;
	s0 =	smov.u32 s26;
	s2 =	sshra.s32 s26, $0x1F  }
0x123: {  	s0 =	simm.s32 @!p2 $0x61940;
	s2 =	sand.u32 s2, s26  }
0x124: {  	s0 =	ssub.s32 s0, s2  }
0x125: {  	s0 =	sadd.s32 $0xFFF9E6C0, s0  }
0x126: {  	s3 =	simm.s32 $0x9;
	s29 =	sshll.u32 s0, $0x2  }
0x127: {  	_ =	swait.ge [sflag:s3], $0x5000;
	s2 =	ssub.s32 $0x500, s29  }
0x128: {  	[sflag:s3] =	ssyncset.done $0x0;
	p2 =	sgt.s32 s0, $0x13F;
	s0 =	sshrl.u32 s2, $0x2  }
0x129: {  	s30 =	simm.s32 $0xB;
	[sflag:s3] =	ssyncadd.s32 $0xFFFFB000;
	s0 =	simm.s32 @p2 $0x0  }
0x12a: {  	_ =	swait.ge [sflag:s30], s0  }
0x12b: {  	s0 =	ssub.s32 $0x0, s0;
	[sflag:s30] =	ssyncset.done $0x0  }
0x12c: {  	[sflag:s30] =	ssyncadd.s32 s0  }
0x12d: {  	v1 =	vld [tilespmem:$0xA108];
	_ =	sdelay $0x4  }
0x12e: {  	(v2sf) =	vpush v1, $0x0  }
0x12f: {  	(v2sf) =	vpush v1, $0x1  }
0x130: {  	(v2sf) =	vpush v1, $0x2;
	_ =	sdelay $0x3  }
0x131: {  	s0 =	sadd.s32 $0x140, s26  }
0x132: {  	s4 =	ssub.s32 $0xC3500, s26;
	p2 =	slt.s32 s14, s0  }
0x133: {  	s0 =	smov.u32 @p2 s14;
	p2 =	sgt.s32 s4, $0x0  }
0x134: {  	s0 =	ssub.s32 s0, s26;
	s4 =	simm.s32 @!p2 $0x0  }
0x135: {  	p2 =	slt.s32 s4, s0  }
0x136: {  	s0 =	smov.u32 @p2 s4  }
0x137: {  	s2 =	simm.s32 $0x1;
	p2 =	slt.s32 s0, $0x1  }
.Ltmp13:
0x138: {  	s2 =	simm.s32 @!p1 $0x0;
	(pc) =	sbr.rel @p2 .LBB3_12-.Ltmp13, $4  }
0x139: {  	s7 =	smul.u32 $0x500, s2  }
0x13a: {  	s3 =	spop (v2sf)  }
0x13b: {  	s31 =	sshrl.u32 s7, $0x2;
	s5 =	spop (v2sf)  }
0x13c: {  	s28 =	sadd.s32 $0xAD08, s31;
	s26 =	spop (v2sf)  }
0x13d: {  	s4 =	smin.u32 s0, $0x10  }
0x13e: {  	v1 =	vmov s4  }
0x13f: {  	p3 =	sgt.s32 s0, $0x10;
	vm1 =	vgt.u32 v1, v0  }
.Ltmp14:
0x140: {  	_ = 	snop;
	(pc) =	sbr.rel @!p3 .LBB3_11-.Ltmp14, $2  }
0x141: {  	_ =	sdelay $0x2  }
0x142: {  	s9 =	simm.s32 $0x10;
	s10 =	sadd.s32 $0xFFFFFFF0, s0;
	s4 =	smov.u32 s28;
	vm0 =	vmmov vm1  }
.LBB3_10:
0x143: {  	s7 =	smin.u32 s10, $0x10;
	s9 =	sadd.s32 $0x10, s9;
	v1 =	vld.msk [tilespmem:s4+$0x0 ss:$0x1], vm1  }
0x144: {  	v2 =	vmov s7;
	p3 =	slt.s32 s9, s0  }
0x145: {  	vm1 =	vgt.u32 v2, v0  }
.Ltmp15:
0x146: {  	(pc) =	sbr.rel @p3 .LBB3_10-.Ltmp15, $3  }
0x147: {  	_ =	sdelay $0x1  }
0x148: {  	v1 =	vshll.u32 v1, $0x4  }
0x149: {  	s10 =	sadd.s32 $0xFFFFFFF0, s10;
	[tilespmem:s4+$0x0] =	vst.msk vm0, v1;
	s4 =	sadd.s32 $0x10, s4;
	vm0 =	vmmov vm1  }
.LBB3_11:
0x14a: {  	_ =	sdelay $0x4  }
0x14b: {  	v1 =	vld.msk [tilespmem:s4+$0x0 ss:$0x1], vm1;
	_ =	sdelay $0x4  }
0x14c: {  	v1 =	vshll.u32 v1, $0x4  }
0x14d: {  	[tilespmem:s4+$0x0] =	vst.msk vm0, v1  }
.LBB3_12:
0x14e: {  	s4 =	sand.u32 $0x1, s25  }
0x14f: {  	s4 =	smul.u32 $0x140, s4  }
0x150: {  	p3 =	sne.s32 s5, $0xFFFFFFFF  }
0x151: {  	v1 =	vld.msk @!p3 [tilespmem:s4+$0xAD08], $0x1;
	_ =	sdelay $0x4  }
0x152: {  	(v2sf) =	vpush @!p3 v1, $0x0;
	_ =	sdelay $0xc  }
.Ltmp16:
0x153: {  	_ = 	snop;
	(pc) =	sbr.rel @p2 .LBB3_23-.Ltmp16, $4  }
0x154: {  	_ = 	snop  }
0x155: {  	s29 =	spop @!p3 (v2sf)  }
0x156: {  	s31 =	simm.s32 $0xC;
	s26 =	simm.s32 @!p3 $0x0;
	s4 =	smov.u32 s29  }
0x157: {  	[sflag:s31] =	ssyncpa.u1 $0x0;
	s29 =	smov.u32 @p3 s3;
	s4 =	smov.u32 @p3 s5  }
0x158: {  	v1 =	vld.msk [tilespmem:s28+$0x0], $0x1;
	_ =	sdelay $0x4  }
0x159: {  	(v2sf) =	vpush v1, $0x0;
	_ =	sdelay $0xe  }
0x15a: {  	s2 =	smul.u32 $0x28000, s2;
	s5 =	spop (v2sf)  }
0x15b: {  	s31 =	ssub.s32 $0x0, s0;
	p2 =	seq.s32 s29, s5  }
0x15c: {  	s3 =	smov.u32 s29;
	s2 =	sshrl.u32 s2, $0x2;
	p3 =	sgt.s32 @!p2 s29, $0x0  }
0x15d: {  	s30 =	sadd.s32 $0xAFA8, s2;
	s2 =	sadd.s32 $0x1, s31;
	p3 =	por !p3, p2  }
0x15e: {  	s3 =	simm.s32 @p3 $0x0;
	p3 =	seq.s32 s2, $0x0  }
.Ltmp17:
0x15f: {  	_ = 	snop;
	(pc) =	sbr.rel @p3 .LBB3_15-.Ltmp17, $4  }
0x160: {  	_ = 	snop  }
0x161: {  	s0 =	simm.s32 $0x0;
	s9 =	simm.s32 @!p2 $0x1;
	s3 =	smin.u32 @!p2 s3, $0xC34F8  }
0x162: {  	s10 =	simm.s32 @!p2 $0x50C8;
	s9 =	smov.u32 @p2 s0;
	s7 =	sand.u32 @!p2 $0xFFFF8, s3  }
0x163: {  	s16 =	sand.u32 @!p2 $0x7, s3;
	s3 =	sadd.s32 $0x1, s28;
	s11 =	sadd.s32 @!p2 s1, s7  }
.LBB3_14:
0x164: {  	s7 =	smov.u32 s9  }
0x165: {  	[tilespmem:s10], [sflag:$0x2] =	stream.linear.gather @!p2 [hbm4b:s11+s16], $0x40, $0x38;
	[tilespmem:$0x1EF88] =	vst v63  }
0x166: {  	s2 =	sadd.s32 $0x1, s2;
	s8 =	smov.u32 s5;
	v1 =	vld.msk [tilespmem:s3+$0x0], $0x1  }
0x167: {  	p3 =	seq.s32 s2, $0x0;
	_ =	sdelay $0x3  }
0x168: {  	(v2sf) =	vpush v1, $0x0;
	_ =	sdelay $0xe  }
0x169: {  	s5 =	spop (v2sf)  }
0x16a: {  	p2 =	seq.s32 s8, s5  }
0x16b: {  	p4 =	sgt.s32 @!p2 s8, $0x0;
	s10 =	sshll.u32 @!p2 s9, $0x8;
	s9 =	sadd.s32 @!p2 $0x1, s9  }
.Ltmp18:
0x16c: {  	p4 =	por !p4, p2;
	s10 =	sshra.s32 @!p2 s10, $0x2;
	(pc) =	sbr.rel @!p3 .LBB3_14-.Ltmp18, $4  }
0x16d: {  	s9 =	smov.u32 @p2 s7;
	s8 =	simm.s32 @p4 $0x0;
	s10 =	sadd.s32 @!p2 $0x50C8, s10  }
0x16e: {  	s7 =	smin.u32 @!p2 s8, $0xC34F8  }
0x16f: {  	s8 =	sand.u32 @!p2 $0xFFFF8, s7;
	s16 =	sand.u32 @!p2 $0x7, s7  }
0x170: {  	s3 =	sadd.s32 $0x1, s3;
	s11 =	sadd.s32 @!p2 s1, s8  }
.LBB3_15:
0x171: {  	[tilespmem:s10], [sflag:$0x2] =	stream.linear.gather @!p2 [hbm4b:s11+s16], $0x40, $0x38;
	[tilespmem:$0x1EF88] =	vst v63  }
.Ltmp19:
0x172: {  	s2 =	sshll.u32 s9, $0x6;
	(pc) =	sbr.rel .LBB3_16-.Ltmp19, $4  }
0x173: {  	s3 =	simm.s32 $0x2;
	s2 =	sand.u32 $0x3FFFFFC0, s2  }
0x174: {  	_ =	swait.ge [sflag:s3], s2  }
0x175: {  	s2 =	ssub.s32 $0x0, s2;
	[sflag:s3] =	ssyncset.done $0x0  }
0x176: {  	[sflag:s3] =	ssyncadd.s32 s2;
	s3 =	simm.s32 $0x0  }
.LBB3_17:
0x177: {  	v1 =	vld [tilespmem:s30+$0xFFFFFFE0];
	_ =	sdelay $0x4  }
0x178: {  	[tilespmem:s5+$0x88] =	vst.add.f32.msk $0xffff, v1  }
0x179: {  	v1 =	vld [tilespmem:s30+$0xFFFFFFF0];
	_ =	sdelay $0x4  }
0x17a: {  	[tilespmem:s5+$0x98] =	vst.add.f32.msk $0xffff, v1  }
0x17b: {  	v1 =	vld [tilespmem:s30+$0x0];
	_ =	sdelay $0x4  }
0x17c: {  	[tilespmem:s5+$0xA8] =	vst.add.f32.msk $0xffff, v1  }
0x17d: {  	v1 =	vld [tilespmem:s30+$0x10];
	_ =	sdelay $0x4  }
0x17e: {  	[tilespmem:s5+$0xB8] =	vst.add.f32.msk $0xffff, v1  }
.LBB3_21:
0x17f: {  	s31 =	sadd.s32 $0x1, s31  }
0x180: {  	p2 =	seq.s32 s31, $0x0  }
.Ltmp20:
0x181: {  	_ = 	snop;
	(pc) =	sbr.rel @p2 .LBB3_22-.Ltmp20, $2  }
0x182: {  	_ =	sdelay $0x2  }
0x183: {  	s30 =	sadd.s32 $0x80, s30;
	s28 =	sadd.s32 $0x1, s28;
	s29 =	smov.u32 s2  }
.LBB3_16:
0x184: {  	v1 =	vld.msk [tilespmem:s28+$0x0], $0x1;
	_ =	sdelay $0x4  }
0x185: {  	(v2sf) =	vpush v1, $0x0;
	_ =	sdelay $0xe  }
0x186: {  	s2 =	spop (v2sf)  }
0x187: {  	p2 =	sne.s32 s29, s2  }
.Ltmp21:
0x188: {  	_ = 	snop;
	(pc) =	sbr.rel @!p2 .LBB3_17-.Ltmp21, $3  }
0x189: {  	_ =	sdelay $0x1  }
0x18a: {  	s5 =	sshll.u32 s26, $0x8  }
0x18b: {  	s5 =	sshra.s32 s5, $0x2  }
0x18c: {  	p2 =	seq.s32 s29, s4  }
.Ltmp22:
0x18d: {  	_ = 	snop;
	(pc) =	sbr.rel @!p2 .LBB3_19-.Ltmp22, $1  }
0x18e: {  	_ =	sdelay $0x3  }
.Ltmp23:
0x18f: {  	s5 =	sadd.s32 $0x88, s5;
	(pc) =	sbr.rel .LBB3_20-.Ltmp23, $4  }
0x190: {  	[spmem:s18] =	stream.linear.scatter [tilespmem:s5], [sflag:$0x1], $0x40, $0x38;
	[tilespmem:$0x1EF88] =	vst v63  }
0x191: {  	_ =	swait.ge [sflag:s13], $0x40  }
0x192: {  	[sflag:s13] =	ssyncset.done $0x0  }
0x193: {  	[sflag:s13] =	ssyncadd.s32 $0xFFFFFFC0  }
.LBB3_19:
0x194: {  	s7 =	sshll.u32 s0, $0x8  }
0x195: {  	s7 =	sshra.s32 s7, $0x2  }
0x196: {  	v1 =	vld [tilespmem:s7+$0x50C8];
	_ =	sdelay $0x4  }
0x197: {  	[tilespmem:s5+$0x88] =	vst.add.f32.msk $0xffff, v1  }
0x198: {  	v1 =	vld [tilespmem:s7+$0x50D8];
	_ =	sdelay $0x4  }
0x199: {  	[tilespmem:s5+$0x98] =	vst.add.f32.msk $0xffff, v1  }
0x19a: {  	v1 =	vld [tilespmem:s7+$0x50E8];
	_ =	sdelay $0x4  }
0x19b: {  	[tilespmem:s5+$0xA8] =	vst.add.f32.msk $0xffff, v1  }
0x19c: {  	v1 =	vld [tilespmem:s7+$0x50F8];
	_ =	sdelay $0x2  }
0x19d: {  	p2 =	sgt.u32 s29, $0xC34F8  }
0x19e: {  	s7 =	sand.u32 @!p2 $0xFFFF8, s29  }
0x19f: {  	s8 =	sadd.s32 $0x88, s5;
	[tilespmem:s5+$0xB8] =	vst.add.f32.msk $0xffff, v1;
	s5 =	sadd.s32 @!p2 s1, s7;
	s7 =	sand.u32 @!p2 $0x7, s29  }
0x1a0: {  	[hbm4b:s5+s7] =	stream.linear.scatter @!p2 [tilespmem:s8], [sflag:$0xC], $0x40, $0x38;
	[tilespmem:$0x1EF88] =	vst v63  }
0x1a1: {  	s5 =	simm.s32 $0x0  }
0x1a2: {  	s5 =	simm.s32 @!p2 $0x100  }
0x1a3: {  	s3 =	sadd.s32 s5, s3  }
.LBB3_20:
0x1a4: {  	s5 =	sadd.s32 $0x1, s26  }
0x1a5: {  	s7 =	smulhi.u32 $0xCCCCCCCD, s5;
	_ =	sdelay $0x1  }
0x1a6: {  	v1 =	vld [tilespmem:s30+$0xFFFFFFE0];
	s7 =	sshrl.u32 s7, $0x8  }
0x1a7: {  	s7 =	smul.u32 $0x140, s7;
	_ =	sdelay $0x1  }
0x1a8: {  	s26 =	ssub.s32 s5, s7  }
0x1a9: {  	s5 =	sshll.u32 s26, $0x6  }
0x1aa: {  	[tilespmem:s5+$0x88] =	vst v1  }
0x1ab: {  	v1 =	vld [tilespmem:s30+$0xFFFFFFF0];
	_ =	sdelay $0x4  }
0x1ac: {  	[tilespmem:s5+$0x98] =	vst v1  }
0x1ad: {  	v1 =	vld [tilespmem:s30+$0x0];
	_ =	sdelay $0x4  }
0x1ae: {  	[tilespmem:s5+$0xA8] =	vst v1  }
0x1af: {  	v1 =	vld [tilespmem:s30+$0x10]  }
.Ltmp24:
0x1b0: {  	_ = 	snop;
	(pc) =	sbr.rel .LBB3_21-.Ltmp24, $2  }
0x1b1: {  	_ =	sdelay $0x2  }
0x1b2: {  	s0 =	sadd.s32 $0x1, s0;
	[tilespmem:s5+$0xB8] =	vst v1  }
.LBB3_23:
.Ltmp25:
0x1b3: {  	(pc) =	sbr.rel .LBB3_24-.Ltmp25, $4  }
0x1b4: {  	_ = 	snop  }
0x1b5: {  	s0 =	simm.s32 $0x2  }
0x1b6: {  	_ =	swait.ge [sflag:s0], $0x0  }
0x1b7: {  	s2 =	smov.u32 s29;
	[sflag:s0] =	ssyncset.done $0x0;
	s0 =	simm.s32 $0x0  }
.LBB3_26:
0x1b8: {  	_ =	sfence.sel $0x180000  }
0x1b9: {  	s0 =	simm.s32 $0x9;
	[bflag:$0x0] =	sbarrier.arrive $0xFFFF  }
0x1ba: {  	s24 =	simm.s32 $0xA;
	[sflag:s0] =	ssyncpa.u1 $0x1  }
0x1bb: {  	s25 =	simm.s32 $0xB;
	[sflag:s24] =	ssyncpa.u1 $0x1  }
0x1bc: {  	s26 =	simm.s32 $0x2;
	[sflag:s25] =	ssyncpa.u1 $0x1  }
0x1bd: {  	[sflag:s26] =	ssyncpa.u1 $0x1  }
0x1be: {  	v0 =	vld [tilespmem:$0xA108];
	_ =	sdelay $0x4  }
0x1bf: {  	(v2sf) =	vpush v0, $0x0  }
0x1c0: {  	(v2sf) =	vpush v0, $0x1;
	_ =	sdelay $0x1  }
0x1c1: {  	(v2sf) =	vpush v0, $0x2;
	_ =	sdelay $0xb  }
0x1c2: {  	s0 =	spop (v2sf)  }
0x1c3: {  	s2 =	spop (v2sf)  }
0x1c4: {  	s3 =	smov.u32 s0;
	p0 =	sne.s32 s0, s2  }
0x1c5: {  	s4 =	spop (v2sf);
	s3 =	simm.s32 @!p0 $0xFFFFFFFF  }
0x1c6: {  	v2 =	vimm.s32 $0x1;
	v3 =	vlaneseq.u32;
	p0 =	seq.s32 s4, $0xFFFFFFFF;
	v1 =	vmov s3  }
0x1c7: {  	s14 =	stileid.u32;
	v0 =	vperm.xlane v0, v2;
	p1 =	sne.s32 @!p0 s0, s2;
	v1 =	vperm.xlane v1, v3  }
0x1c8: {  	vm0 =	vcmask $0x3F04;
	s6 =	simm.s32 $0xA108;
	s0 =	simm.s32 @!p0 $0x1;
	p1 =	por !p1, p0  }
0x1c9: {  	s3 =	sshll.u32 s14, $0x1;
	s2 =	sshll.u32 @!p0 s4, $0x8;
	s0 =	simm.s32 @p1 $0x0;
	v0 =	vsel vm0, v1, v0  }
0x1ca: {  	s5 =	sor.u32 $0x800, s3;
	s2 =	sshra.s32 @!p0 s2, $0x2;
	s0 =	sor.u32 @!p0 s0, s3;
	[tilespmem:$0xA108] =	vst v0  }
0x1cb: {  	[spmem:s5] =	stream.linear.scatter [tilespmem:s6], [sflag:$0x1], $0x2, $0x38;
	[tilespmem:$0x1EF88] =	vst v63  }
0x1cc: {  	s2 =	sadd.s32 @!p0 $0x88, s2;
	s0 =	sshll.u32 @!p0 s0, $0x6  }
0x1cd: {  	[spmem:s0] =	stream.linear.scatter @!p0 [tilespmem:s2], [sflag:$0x1], $0x40, $0x38;
	[tilespmem:$0x1EF88] =	vst v63  }
0x1ce: {  	s0 =	simm.s32 @!p0 $0x42  }
0x1cf: {  	s28 =	simm.s32 $0x1;
	s0 =	simm.s32 @p0 $0x2  }
0x1d0: {  	_ =	swait.ge [sflag:s28], s0  }
0x1d1: {  	s0 =	ssub.s32 $0x0, s0;
	[sflag:s28] =	ssyncset.done $0x0  }
0x1d2: {  	p0 =	sne.s32 s14, $0x0;
	[sflag:s28] =	ssyncadd.s32 s0  }
.Ltmp26:
0x1d3: {  	_ =	sfence.stream.spmem;
	(pc) =	sbr.rel @p0 .LBB3_43-.Ltmp26, $4  }
0x1d4: {  	s29 =	simm.s32 $0x3;
	[bflag:$0x0] =	sbarrier.arrive $0xFFFF  }
0x1d5: {  	s30 =	simm.s32 $0x4;
	[sflag:s29] =	ssyncpa.u1 $0x1  }
0x1d6: {  	s31 =	simm.s32 $0x3C;
	[sflag:s30] =	ssyncpa.u1 $0x1  }
0x1d7: {  	s13 =	rddreg [dreg:$0x4];
	[sflag:s31] =	ssyncpa.u1 $0x1  }
0x1d8: {  	_ =	sfence.stream.spmem;
	s0 =	simm.s32 $0x5  }
0x1d9: {  	s2 =	simm.s32 $0x800;
	s3 =	simm.s32 $0xA118;
	[sflag:s0] =	ssyncpa.u1 $0x0  }
0x1da: {  	[tilespmem:s3], [sflag:$0x5] =	stream.linear.gather [spmem:s2], $0x20, $0x38;
	[tilespmem:$0x1EF88] =	vst v63  }
0x1db: {  	s26 =	simm.s32 $0x0;
	s28 =	simm.s32 $0xA138  }
0x1dc: {  	[tilespmem:s28], [sflag:$0x5] =	stream.linear.gather [spmem:s26], $0x800, $0x38;
	[tilespmem:$0x1EF88] =	vst v63  }
0x1dd: {  	_ =	swait.ge [sflag:s0], $0x820  }
0x1de: {  	[sflag:s0] =	ssyncset.done $0x0  }
0x1df: {  	s29 =	simm.s32 $0x0;
	[sflag:s0] =	ssyncadd.s32 $0xFFFFF7E0  }
0x1e0: {  	v0 =	vld.msk [tilespmem:s29+$0xA118], $0x1;
	_ =	sdelay $0x1  }
0x1e1: {  	s30 =	simm.s32 $0x1  }
0x1e2: {  	v1 =	vld.msk [tilespmem:s30+$0xA118], $0x1;
	_ =	sdelay $0x1  }
0x1e3: {  	(v2sf) =	vpush v0, $0x0;
	_ =	sdelay $0x2  }
0x1e4: {  	(v2sf) =	vpush v1, $0x0;
	_ =	sdelay $0x2  }
0x1e5: {  	s31 =	simm.s32 $0x2  }
0x1e6: {  	v0 =	vld.msk [tilespmem:s31+$0xA118], $0x1;
	_ =	sdelay $0x2  }
0x1e7: {  	s2 =	simm.s32 $0xFFFFFFFF;
	s3 =	simm.s32 $0xFFFFFFFF;
	s0 =	simm.s32 $0xC  }
.LBB3_28:
0x1e8: {  	s4 =	smov.u32 s3;
	s5 =	smov.u32 s2  }
0x1e9: {  	s2 =	sshra.s32 s0, $0x2;
	p1 =	sne.s32 s0, $0x7C;
	s0 =	sadd.s32 $0x4, s0;
	(v2sf) =	vpush v0, $0x0  }
0x1ea: {  	v0 =	vld.msk [tilespmem:s2+$0xA118], $0x1  }
.Ltmp27:
0x1eb: {  	(pc) =	sbr.rel @p1 .LBB3_28-.Ltmp27, $4  }
0x1ec: {  	s3 =	spop (v2sf)  }
0x1ed: {  	p2 =	sne.s32 s5, $0xFFFFFFFF;
	s2 =	smov.u32 s3  }
0x1ee: {  	p3 =	seq.s32 s3, $0xFFFFFFFF;
	s2 =	smov.u32 @p2 s5  }
0x1ef: {  	s3 =	smov.u32 @p3 s4;
	s2 =	smov.u32 @p3 s5  }
0x1f0: {  	(v2sf) =	vpush v0, $0x0;
	_ =	sdelay $0x8  }
0x1f1: {  	s0 =	spop (v2sf)  }
0x1f2: {  	p1 =	sne.s32 s2, $0xFFFFFFFF;
	s4 =	smov.u32 s0  }
0x1f3: {  	s6 =	simm.s32 $0x0;
	p2 =	seq.s32 s0, $0xFFFFFFFF;
	s4 =	smov.u32 @p1 s2  }
0x1f4: {  	s9 =	simm.s32 $0xA0C8;
	s4 =	smov.u32 @p2 s2;
	s2 =	spop (v2sf)  }
0x1f5: {  	s0 =	smov.u32 @p2 s3;
	p1 =	sne.s32 s4, $0xFFFFFFFF;
	s5 =	smov.u32 s2  }
.Ltmp28:
0x1f6: {  	p2 =	seq.s32 s2, $0xFFFFFFFF;
	s5 =	smov.u32 @p1 s4;
	(pc) =	sbr.rel .LBB3_30-.Ltmp28, $4  }
0x1f7: {  	s10 =	simm.s32 $0x0;
	s5 =	smov.u32 @p2 s4;
	s7 =	spop (v2sf)  }
0x1f8: {  	s2 =	smov.u32 @p2 s0;
	p1 =	sne.s32 s5, $0xFFFFFFFF;
	s8 =	smov.u32 s7  }
0x1f9: {  	s0 =	simm.s32 $0x6;
	p2 =	seq.s32 s7, $0xFFFFFFFF;
	s8 =	smov.u32 @p1 s5  }
0x1fa: {  	[sflag:s0] =	ssyncpa.u1 $0x0;
	s7 =	smov.u32 @p2 s2;
	s8 =	smov.u32 @p2 s5  }
.LBB3_36:
0x1fb: {  	p1 =	sgt.u32 s2, $0xC34F8  }
0x1fc: {  	p2 =	seq.s32 @!p1 s2, s8  }
0x1fd: {  	p1 =	por p1, p2  }
0x1fe: {  	p2 =	sne.s32 @!p1 s2, s7  }
0x1ff: {  	p1 =	por p1, !p2  }
0x200: {  	s2 =	sshll.u32 @p1 s10, $0x8  }
0x201: {  	s3 =	sand.u32 @!p1 $0xFFFF8, s2  }
0x202: {  	s2 =	sand.u32 @!p1 $0x7, s2;
	s3 =	sadd.s32 @!p1 s1, s3  }
0x203: {  	[tilespmem:s9], [sflag:$0x6] =	stream.linear.gather @!p1 [hbm4b:s3+s2], $0x40, $0x38;
	[tilespmem:$0x1EF88] =	vst v63  }
0x204: {  	_ =	swait.ge @!p1 [sflag:s0], $0x40  }
0x205: {  	[sflag:s0] =	ssyncset.done @!p1 $0x0  }
0x206: {  	[sflag:s0] =	ssyncadd.s32 @!p1 $0xFFFFFFC0  }
0x207: {  	v1 =	vld @!p1 [tilespmem:$0xA0C8];
	_ =	sdelay $0x2  }
0x208: {  	s2 =	sshll.u32 @!p1 s10, $0x8  }
0x209: {  	s3 =	sshrl.u32 @!p1 s2, $0x2  }
0x20a: {  	[tilespmem:s3+$0xA138] =	vst.add.f32.msk @!p1 $0xffff, v1  }
0x20b: {  	v1 =	vld @!p1 [tilespmem:$0xA0D8];
	_ =	sdelay $0x4  }
0x20c: {  	[tilespmem:s3+$0xA148] =	vst.add.f32.msk @!p1 $0xffff, v1  }
0x20d: {  	v1 =	vld @!p1 [tilespmem:$0xA0E8];
	_ =	sdelay $0x4  }
0x20e: {  	[tilespmem:s3+$0xA158] =	vst.add.f32.msk @!p1 $0xffff, v1  }
0x20f: {  	v1 =	vld @!p1 [tilespmem:$0xA0F8];
	_ =	sdelay $0x4  }
0x210: {  	[tilespmem:s3+$0xA168] =	vst.add.f32.msk @!p1 $0xffff, v1  }
0x211: {  	s2 =	sshrl.u32 s2, $0x2;
	[tilespmem:s6+$0xA118] =	vst.msk $0x1, v0  }
0x212: {  	v0 =	vld [tilespmem:s2+$0xA138];
	_ =	sdelay $0x2  }
0x213: {  	s31 =	sshll.u32 s6, $0x8  }
0x214: {  	s3 =	sshra.s32 s31, $0x2  }
0x215: {  	[tilespmem:s3+$0xA138] =	vst v0  }
0x216: {  	v0 =	vld [tilespmem:s2+$0xA148];
	_ =	sdelay $0x4  }
0x217: {  	[tilespmem:s3+$0xA148] =	vst v0  }
0x218: {  	v0 =	vld [tilespmem:s2+$0xA158];
	_ =	sdelay $0x4  }
0x219: {  	[tilespmem:s3+$0xA158] =	vst v0  }
0x21a: {  	v0 =	vld [tilespmem:s2+$0xA168];
	_ =	sdelay $0x4  }
0x21b: {  	s6 =	sadd.s32 $0x1, s6;
	[tilespmem:s3+$0xA168] =	vst v0  }
.LBB3_37:
0x21c: {  	s10 =	sadd.s32 $0x1, s10  }
0x21d: {  	p1 =	sne.s32 s10, $0x20  }
.Ltmp29:
0x21e: {  	_ = 	snop;
	(pc) =	sbr.rel @!p1 .LBB3_38-.Ltmp29, $1  }
0x21f: {  	_ =	sdelay $0x3  }
.LBB3_30:
0x220: {  	v0 =	vld.msk [tilespmem:s10+$0xA118], $0x1;
	_ =	sdelay $0x4  }
0x221: {  	(v2sf) =	vpush v0, $0x0;
	_ =	sdelay $0xe  }
0x222: {  	s2 =	spop (v2sf)  }
0x223: {  	p1 =	seq.s32 s2, $0xFFFFFFFF  }
.Ltmp30:
0x224: {  	_ = 	snop;
	(pc) =	sbr.rel @p1 .LBB3_37-.Ltmp30, $1  }
0x225: {  	_ =	sdelay $0x3  }
0x226: {  	p1 =	slt.s32 s6, $0x1  }
.Ltmp31:
0x227: {  	_ = 	snop;
	(pc) =	sbr.rel @p1 .LBB3_36-.Ltmp31, $1  }
0x228: {  	_ =	sdelay $0x3  }
0x229: {  	s3 =	simm.s32 $0xA118;
	p1 =	por $0x0, $0x0  }
0x22a: {  	v1 =	vld.msk @!p1 [tilespmem:s3+$0x0], $0x1;
	_ =	sdelay $0x4  }
0x22b: {  	(v2sf) =	vpush @!p1 v1, $0x0;
	_ =	sdelay $0xd  }
0x22c: {  	p3 =	sne.s32 s6, $0x1  }
.Ltmp32:
0x22d: {  	s4 =	spop @!p1 (v2sf);
	(pc) =	sbr.rel @!p3 .LBB3_34-.Ltmp32, $4  }
0x22e: {  	p2 =	seq.s32 @!p1 s2, s4  }
0x22f: {  	s4 =	simm.s32 $0x0;
	p2 =	por !p2, p1  }
0x230: {  	s11 =	simm.s32 $0xFFFFFFFF;
	s4 =	simm.s32 @p2 $0xFFFFFFFF  }
0x231: {  	s5 =	simm.s32 $0x1;
	s4 =	smov.u32 @p1 s11  }
.LBB3_33:
0x232: {  	s11 =	smov.u32 s4;
	p1 =	sne.s32 s4, $0xFFFFFFFF  }
0x233: {  	s3 =	sadd.s32 $0x1, s3;
	s4 =	smov.u32 s5;
	s5 =	sadd.s32 $0x1, s5  }
0x234: {  	p2 =	sne.s32 s6, s5;
	v1 =	vld.msk @!p1 [tilespmem:s3+$0x0], $0x1;
	_ =	sdelay $0x4  }
0x235: {  	(v2sf) =	vpush @!p1 v1, $0x0;
	_ =	sdelay $0xe  }
.Ltmp33:
0x236: {  	s12 =	spop @!p1 (v2sf);
	(pc) =	sbr.rel @p2 .LBB3_33-.Ltmp33, $4  }
0x237: {  	p3 =	seq.s32 @!p1 s2, s12  }
0x238: {  	p3 =	por !p3, p1  }
0x239: {  	s4 =	simm.s32 @p3 $0xFFFFFFFF  }
0x23a: {  	s4 =	smov.u32 @p1 s11  }
.LBB3_34:
0x23b: {  	p1 =	seq.s32 s4, $0xFFFFFFFF  }
.Ltmp34:
0x23c: {  	_ = 	snop;
	(pc) =	sbr.rel @p1 .LBB3_36-.Ltmp34, $1  }
0x23d: {  	_ =	sdelay $0x3  }
0x23e: {  	s2 =	sshll.u32 s10, $0x6  }
0x23f: {  	s2 =	sand.u32 $0x3FFFFFC0, s2  }
0x240: {  	v0 =	vld [tilespmem:s2+$0xA138];
	_ =	sdelay $0x2  }
0x241: {  	s3 =	sshll.u32 s4, $0x8  }
0x242: {  	s3 =	sshra.s32 s3, $0x2  }
0x243: {  	[tilespmem:s3+$0xA138] =	vst.add.f32.msk $0xffff, v0  }
0x244: {  	v0 =	vld [tilespmem:s2+$0xA148];
	_ =	sdelay $0x4  }
0x245: {  	[tilespmem:s3+$0xA148] =	vst.add.f32.msk $0xffff, v0  }
0x246: {  	v0 =	vld [tilespmem:s2+$0xA158];
	_ =	sdelay $0x4  }
0x247: {  	[tilespmem:s3+$0xA158] =	vst.add.f32.msk $0xffff, v0  }
0x248: {  	v0 =	vld [tilespmem:s2+$0xA168]  }
.Ltmp35:
0x249: {  	_ = 	snop;
	(pc) =	sbr.rel .LBB3_37-.Ltmp35, $2  }
0x24a: {  	_ =	sdelay $0x2  }
0x24b: {  	[tilespmem:s3+$0xA168] =	vst.add.f32.msk $0xffff, v0  }
.LBB3_38:
0x24c: {  	s0 =	simm.s32 $0x6;
	p1 =	seq.s32 s6, $0x0  }
0x24d: {  	[sflag:s0] =	ssyncpa.u1 $0x1;
	v0 =	vimm.s32 @p1 $0xFFFFFFFF  }
0x24e: {  	s0 =	sadd.s32 $0xFFFFFFFF, s6;
	[tilespmem:$0xA938] =	vst @p1 v0  }
0x24f: {  	v0 =	vld.msk @!p1 [tilespmem:s0+$0xA118], $0x1;
	_ =	sdelay $0x1  }
0x250: {  	v1 =	vld.msk @!p1 [tilespmem:$0xA118], $0x1;
	_ =	sdelay $0x2  }
0x251: {  	p2 =	seq.s32 @!p1 s0, $0x0;
	v0 =	vbroadcast @!p1 v0, $0x0  }
0x252: {  	vm0 =	vmmov @!p1 $0x1;
	p2 =	por !p2, p1  }
0x253: {  	v1 =	vnsel @!p1 vm0, $0xFFFFFFFF, v1;
	vm0 =	vcmask @!p1 $0x308;
	v0 =	vpsel !p2, $0xFFFFFFFF, v0  }
0x254: {  	p2 =	sne.s32 @!p1 s8, s7;
	v0 =	vsel @!p1 vm0, v1, v0  }
0x255: {  	s2 =	simm.s32 @!p1 $0xA138;
	s3 =	simm.s32 @!p1 $0x0;
	p3 =	por !p2, p1;
	[tilespmem:$0xA938] =	vst @!p1 v0  }
0x256: {  	[spmem:s3] =	stream.linear.scatter @!p1 [tilespmem:s2], [sflag:$0x1], $0x40, $0x38;
	[tilespmem:$0x1EF88] =	vst v63  }
0x257: {  	s2 =	sshll.u32 @!p3 s0, $0x8  }
0x258: {  	s2 =	sshra.s32 @!p3 s2, $0x2  }
0x259: {  	s3 =	simm.s32 @!p3 $0x40;
	s2 =	sadd.s32 @!p3 $0xA138, s2  }
0x25a: {  	[spmem:s3] =	stream.linear.scatter @!p3 [tilespmem:s2], [sflag:$0x1], $0x40, $0x38;
	[tilespmem:$0x1EF88] =	vst v63  }
0x25b: {  	s2 =	simm.s32 @!p3 $0x1  }
0x25c: {  	_ =	swait.ge @!p3 [sflag:s2], $0x80  }
0x25d: {  	p1 =	por p2, p1;
	[sflag:s2] =	ssyncset.done @!p3 $0x0  }
0x25e: {  	[sflag:s2] =	ssyncadd.s32 @!p3 $0xFFFFFF80;
	s2 =	simm.s32 @!p1 $0x1  }
0x25f: {  	_ =	swait.ge @!p1 [sflag:s2], $0x40  }
0x260: {  	s29 =	simm.s32 $0xA938;
	[sflag:s2] =	ssyncset.done @!p1 $0x0  }
0x261: {  	s30 =	simm.s32 $0x800;
	s31 =	simm.s32 $0x1;
	[sflag:s2] =	ssyncadd.s32 @!p1 $0xFFFFFFC0  }
0x262: {  	[spmem:s30] =	stream.linear.scatter [tilespmem:s29], [sflag:$0x1], $0x10, $0x38;
	[tilespmem:$0x1EF88] =	vst v63  }
0x263: {  	_ =	swait.ge [sflag:s31], $0x10  }
0x264: {  	[sflag:s31] =	ssyncset.done $0x0  }
0x265: {  	p1 =	seq.s32 s13, $0x0;
	s9 =	rddreg [dreg:$0x1];
	[sflag:s31] =	ssyncadd.s32 $0xFFFFFFF0  }
0x266: {  	s3 =	sshll.u32 @p1 s9, $0xE;
	s8 =	rddreg [dreg:$0x2]  }
0x267: {  	s2 =	sadd.s32 @p1 $0x15C3C, s3;
	s3 =	sshll.u32 @p1 s8, $0x11  }
0x268: {  	_ =	sfence.stream.spmem;
	s2 =	sor.u32 @p1 s3, s2  }
0x269: {  	[sflag:s2] =	ssyncadd.remote.s32 @p1 $0x1;
	s2 =	simm.s32 @p1 $0x4  }
0x26a: {  	s4 =	simm.s32 @!p1 $0x3C;
	s3 =	sand.u32 $0xFFFFFFFE, s9;
	_ =	swait.ge @p1 [sflag:s2], $0x12  }
0x26b: {  	s5 =	simm.s32 @!p1 $0x0;
	s3 =	sadd.s32 @!p1 $0x4, s3;
	[sflag:s2] =	ssyncset.done @p1 $0x0  }
0x26c: {  	s7 =	simm.s32 @!p1 $0x80;
	[sflag:s2] =	ssyncadd.s32 @p1 $0xFFFFFFEE;
	s2 =	sshll.u32 @!p1 s3, $0x1A  }
0x26d: {  	s3 =	sshll.u32 @!p1 s3, $0xD;
	s2 =	sor.u32 @!p1 s2, s8;
	_ =	swait.eq @!p1 [sflag:s4], $0x1  }
0x26e: {  	s3 =	sor.u32 @!p1 $0x1C04, s3;
	s4 =	simm.s32 @!p1 $0x1C03;
	s2 =	sor.u32 @!p1 $0x80004000, s2  }
0x26f: {  	[spmem:s7], [sflag:s3] =	dma.general @!p1 [spmem:s5], [sflag:s4], length:$0x10, [dreg:$0x0], stride_count:$0x0, ici_dest:s2, dma_misc:DstOpCode:WRITE  }
0x270: {  	p2 =	slt.s32 s0, $0x2;
	s5 =	simm.s32 @!p1 $0x100;
	s7 =	simm.s32 @!p1 $0x102  }
0x271: {  	[spmem:s7], [sflag:s3] =	dma.general @!p1 [spmem:s5], [sflag:s4], length:$0x2, [dreg:$0x0], stride_count:$0x0, ici_dest:s2, dma_misc:DstOpCode:WRITE  }
.Ltmp36:
0x272: {  	s2 =	simm.s32 @!p1 $0x3;
	(pc) =	sbr.rel @p2 .LBB3_42-.Ltmp36, $4  }
0x273: {  	s3 =	sshll.u32 @!p1 s9, $0xE;
	_ =	swait.ge @!p1 [sflag:s2], $0x12  }
0x274: {  	s4 =	sshll.u32 @!p1 s8, $0x11;
	s3 =	sadd.s32 @!p1 $0x11C3C, s3;
	[sflag:s2] =	ssyncset.done @!p1 $0x0  }
0x275: {  	[sflag:s2] =	ssyncadd.s32 @!p1 $0xFFFFFFEE;
	s2 =	sor.u32 @!p1 s4, s3  }
0x276: {  	s0 =	simm.s32 $0x0;
	[sflag:s2] =	ssyncadd.remote.s32 @!p1 $0xFFFFFFFF  }
0x277: {  	s0 =	simm.s32 $0xA119  }
0x278: {  	v0 =	vld.msk [tilespmem:s0+$0x0], $0x1;
	_ =	sdelay $0x4  }
0x279: {  	(v2sf) =	vpush v0, $0x0;
	_ =	sdelay $0xc  }
0x27a: {  	s2 =	sadd.s32 $0xFFFFFFFE, s6  }
0x27b: {  	s2 =	sadd.s32 $0xFFFFFFFF, s2  }
0x27c: {  	p2 =	sne.s32 s2, $0x0;
	s3 =	spop (v2sf)  }
.Ltmp37:
0x27d: {  	p1 =	sgt.u32 s3, $0xC34F8;
	(pc) =	sbr.rel @!p2 .LBB3_41-.Ltmp37, $4  }
0x27e: {  	s5 =	simm.s32 $0x0;
	s4 =	sand.u32 @!p1 $0xFFFF8, s3  }
0x27f: {  	s0 =	simm.s32 $0xA178;
	s3 =	sand.u32 @!p1 $0x7, s3;
	s4 =	sadd.s32 @!p1 s1, s4  }
0x280: {  	[hbm4b:s4+s3] =	stream.linear.scatter @!p1 [tilespmem:s0], [sflag:$0x5], $0x40, $0x38;
	[tilespmem:$0x1EF88] =	vst v63  }
0x281: {  	s5 =	simm.s32 @!p1 $0x100;
	s3 =	simm.s32 $0x0;
	s4 =	simm.s32 $0xA11A  }
.LBB3_40:
0x282: {  	v0 =	vld.msk [tilespmem:s4+$0x0], $0x1;
	s2 =	sadd.s32 $0xFFFFFFFF, s2;
	s3 =	sadd.s32 s3, s5  }
0x283: {  	p1 =	sne.s32 s2, $0x0;
	_ =	sdelay $0x3  }
0x284: {  	(v2sf) =	vpush v0, $0x0;
	_ =	sdelay $0xe  }
.Ltmp38:
0x285: {  	s6 =	spop (v2sf);
	(pc) =	sbr.rel @p1 .LBB3_40-.Ltmp38, $4  }
0x286: {  	s5 =	simm.s32 $0x0;
	p2 =	sgt.u32 s6, $0xC34F8  }
0x287: {  	s0 =	sadd.s32 $0x40, s0;
	s5 =	simm.s32 @!p2 $0x100;
	s7 =	sand.u32 @!p2 $0xFFFF8, s6  }
0x288: {  	s4 =	sadd.s32 $0x1, s4;
	s6 =	sand.u32 @!p2 $0x7, s6;
	s7 =	sadd.s32 @!p2 s1, s7  }
0x289: {  	[hbm4b:s7+s6] =	stream.linear.scatter @!p2 [tilespmem:s0], [sflag:$0x5], $0x40, $0x38;
	[tilespmem:$0x1EF88] =	vst v63  }
.LBB3_41:
0x28a: {  	s0 =	sadd.s32 s3, s5  }
0x28b: {  	s0 =	sshrl.u32 s0, $0x2  }
.LBB3_42:
0x28c: {  	s2 =	simm.s32 $0x5  }
0x28d: {  	_ =	swait.ge [sflag:s2], s0  }
0x28e: {  	s31 =	ssub.s32 $0x0, s0;
	[sflag:s2] =	ssyncset.done $0x0  }
0x28f: {  	[sflag:s2] =	ssyncadd.s32 s31  }
0x290: {  	[sflag:s2] =	ssyncpa.u1 $0x1  }
.LBB3_43:
0x291: {  	s0 =	sor.u32 s13, s14  }
0x292: {  	p1 =	sne.s32 s0, $0x0  }
.Ltmp39:
0x293: {  	_ = 	snop;
	(pc) =	sbr.rel @p1 .LBB3_58-.Ltmp39, $3  }
0x294: {  	_ =	sdelay $0x1  }
0x295: {  	[bflag:$0x0] =	sbarrier.arrive $0xFFFF  }
0x296: {  	_ =	sfence  }
0x297: {  	s2 =	simm.s32 $0x7  }
0x298: {  	s0 =	simm.s32 $0x800;
	s3 =	simm.s32 $0xA118;
	[sflag:s2] =	ssyncpa.u1 $0x0  }
0x299: {  	[tilespmem:s3], [sflag:$0x7] =	stream.linear.gather [spmem:s0], $0x20, $0x38;
	[tilespmem:$0x1EF88] =	vst v63  }
0x29a: {  	s30 =	simm.s32 $0xA138;
	s0 =	simm.s32 $0x0  }
0x29b: {  	[tilespmem:s30], [sflag:$0x7] =	stream.linear.gather [spmem:s0], $0x800, $0x38;
	[tilespmem:$0x1EF88] =	vst v63  }
.Ltmp40:
0x29c: {  	_ = 	snop;
	(pc) =	sbr.rel .LBB3_45-.Ltmp40, $4  }
0x29d: {  	_ =	swait.ge [sflag:s2], $0x820  }
0x29e: {  	[sflag:s2] =	ssyncset.done $0x0  }
0x29f: {  	s31 =	simm.s32 $0x8;
	[sflag:s2] =	ssyncadd.s32 $0xFFFFF7E0  }
0x2a0: {  	s2 =	simm.s32 $0x0;
	[sflag:s31] =	ssyncpa.u1 $0x0  }
.LBB3_51:
0x2a1: {  	p1 =	slt.u32 s3, $0xC34F9  }
0x2a2: {  	s4 =	sand.u32 @p1 $0xFFFF8, s3  }
0x2a3: {  	s3 =	sand.u32 @p1 $0x7, s3;
	s5 =	simm.s32 @p1 $0xA0C8;
	s4 =	sadd.s32 @p1 s1, s4  }
0x2a4: {  	[tilespmem:s5], [sflag:$0x8] =	stream.linear.gather @p1 [hbm4b:s4+s3], $0x40, $0x38;
	[tilespmem:$0x1EF88] =	vst v63  }
0x2a5: {  	s3 =	simm.s32 @p1 $0x8  }
0x2a6: {  	_ =	swait.ge @p1 [sflag:s3], $0x40  }
0x2a7: {  	[sflag:s3] =	ssyncset.done @p1 $0x0  }
0x2a8: {  	[sflag:s3] =	ssyncadd.s32 @p1 $0xFFFFFFC0  }
0x2a9: {  	v1 =	vld @p1 [tilespmem:$0xA0C8];
	_ =	sdelay $0x2  }
0x2aa: {  	s3 =	sshll.u32 @p1 s2, $0x8  }
0x2ab: {  	s4 =	sshrl.u32 @p1 s3, $0x2  }
0x2ac: {  	[tilespmem:s4+$0xA138] =	vst.add.f32.msk @p1 $0xffff, v1  }
0x2ad: {  	v1 =	vld @p1 [tilespmem:$0xA0D8];
	_ =	sdelay $0x4  }
0x2ae: {  	[tilespmem:s4+$0xA148] =	vst.add.f32.msk @p1 $0xffff, v1  }
0x2af: {  	v1 =	vld @p1 [tilespmem:$0xA0E8];
	_ =	sdelay $0x4  }
0x2b0: {  	[tilespmem:s4+$0xA158] =	vst.add.f32.msk @p1 $0xffff, v1  }
0x2b1: {  	v1 =	vld @p1 [tilespmem:$0xA0F8];
	_ =	sdelay $0x3  }
0x2b2: {  	s5 =	sshll.u32 @!p1 s2, $0x8  }
0x2b3: {  	s5 =	smov.u32 @p1 s3;
	[tilespmem:s4+$0xA168] =	vst.add.f32.msk @p1 $0xffff, v1  }
0x2b4: {  	s3 =	sshrl.u32 s5, $0x2;
	[tilespmem:s0+$0xA118] =	vst.msk $0x1, v0  }
0x2b5: {  	v0 =	vld [tilespmem:s3+$0xA138];
	_ =	sdelay $0x2  }
0x2b6: {  	s31 =	sshll.u32 s0, $0x8  }
0x2b7: {  	s4 =	sshra.s32 s31, $0x2  }
0x2b8: {  	[tilespmem:s4+$0xA138] =	vst v0  }
0x2b9: {  	v0 =	vld [tilespmem:s3+$0xA148];
	_ =	sdelay $0x4  }
0x2ba: {  	[tilespmem:s4+$0xA148] =	vst v0  }
0x2bb: {  	v0 =	vld [tilespmem:s3+$0xA158];
	_ =	sdelay $0x4  }
0x2bc: {  	[tilespmem:s4+$0xA158] =	vst v0  }
0x2bd: {  	v0 =	vld [tilespmem:s3+$0xA168];
	_ =	sdelay $0x4  }
0x2be: {  	s0 =	sadd.s32 $0x1, s0;
	[tilespmem:s4+$0xA168] =	vst v0  }
.LBB3_52:
0x2bf: {  	s2 =	sadd.s32 $0x1, s2  }
0x2c0: {  	p1 =	sne.s32 s2, $0x20  }
.Ltmp41:
0x2c1: {  	_ = 	snop;
	(pc) =	sbr.rel @!p1 .LBB3_53-.Ltmp41, $1  }
0x2c2: {  	_ =	sdelay $0x3  }
.LBB3_45:
0x2c3: {  	v0 =	vld.msk [tilespmem:s2+$0xA118], $0x1;
	_ =	sdelay $0x4  }
0x2c4: {  	(v2sf) =	vpush v0, $0x0;
	_ =	sdelay $0xe  }
0x2c5: {  	s3 =	spop (v2sf)  }
0x2c6: {  	p1 =	seq.s32 s3, $0xFFFFFFFF  }
.Ltmp42:
0x2c7: {  	_ = 	snop;
	(pc) =	sbr.rel @p1 .LBB3_52-.Ltmp42, $1  }
0x2c8: {  	_ =	sdelay $0x3  }
0x2c9: {  	p1 =	slt.s32 s0, $0x1  }
.Ltmp43:
0x2ca: {  	_ = 	snop;
	(pc) =	sbr.rel @p1 .LBB3_51-.Ltmp43, $1  }
0x2cb: {  	_ =	sdelay $0x3  }
0x2cc: {  	s4 =	simm.s32 $0xA118;
	p1 =	por $0x0, $0x0  }
0x2cd: {  	v1 =	vld.msk @!p1 [tilespmem:s4+$0x0], $0x1;
	_ =	sdelay $0x4  }
0x2ce: {  	(v2sf) =	vpush @!p1 v1, $0x0;
	_ =	sdelay $0xd  }
0x2cf: {  	p3 =	sne.s32 s0, $0x1  }
.Ltmp44:
0x2d0: {  	s5 =	spop @!p1 (v2sf);
	(pc) =	sbr.rel @!p3 .LBB3_49-.Ltmp44, $4  }
0x2d1: {  	p2 =	seq.s32 @!p1 s3, s5  }
0x2d2: {  	s5 =	simm.s32 $0x0;
	p2 =	por !p2, p1  }
0x2d3: {  	s7 =	simm.s32 $0xFFFFFFFF;
	s5 =	simm.s32 @p2 $0xFFFFFFFF  }
0x2d4: {  	s6 =	simm.s32 $0x1;
	s5 =	smov.u32 @p1 s7  }
.LBB3_48:
0x2d5: {  	s7 =	smov.u32 s5;
	p1 =	sne.s32 s5, $0xFFFFFFFF  }
0x2d6: {  	s4 =	sadd.s32 $0x1, s4;
	s5 =	smov.u32 s6;
	s6 =	sadd.s32 $0x1, s6  }
0x2d7: {  	p2 =	sne.s32 s0, s6;
	v1 =	vld.msk @!p1 [tilespmem:s4+$0x0], $0x1;
	_ =	sdelay $0x4  }
0x2d8: {  	(v2sf) =	vpush @!p1 v1, $0x0;
	_ =	sdelay $0xe  }
.Ltmp45:
0x2d9: {  	s8 =	spop @!p1 (v2sf);
	(pc) =	sbr.rel @p2 .LBB3_48-.Ltmp45, $4  }
0x2da: {  	p3 =	seq.s32 @!p1 s3, s8  }
0x2db: {  	p3 =	por !p3, p1  }
0x2dc: {  	s5 =	simm.s32 @p3 $0xFFFFFFFF  }
0x2dd: {  	s5 =	smov.u32 @p1 s7  }
.LBB3_49:
0x2de: {  	p1 =	seq.s32 s5, $0xFFFFFFFF  }
.Ltmp46:
0x2df: {  	_ = 	snop;
	(pc) =	sbr.rel @p1 .LBB3_51-.Ltmp46, $1  }
0x2e0: {  	_ =	sdelay $0x3  }
0x2e1: {  	s3 =	sshll.u32 s2, $0x6  }
0x2e2: {  	s3 =	sand.u32 $0x3FFFFFC0, s3  }
0x2e3: {  	v0 =	vld [tilespmem:s3+$0xA138];
	_ =	sdelay $0x2  }
0x2e4: {  	s4 =	sshll.u32 s5, $0x8  }
0x2e5: {  	s4 =	sshra.s32 s4, $0x2  }
0x2e6: {  	[tilespmem:s4+$0xA138] =	vst.add.f32.msk $0xffff, v0  }
0x2e7: {  	v0 =	vld [tilespmem:s3+$0xA148];
	_ =	sdelay $0x4  }
0x2e8: {  	[tilespmem:s4+$0xA148] =	vst.add.f32.msk $0xffff, v0  }
0x2e9: {  	v0 =	vld [tilespmem:s3+$0xA158];
	_ =	sdelay $0x4  }
0x2ea: {  	[tilespmem:s4+$0xA158] =	vst.add.f32.msk $0xffff, v0  }
0x2eb: {  	v0 =	vld [tilespmem:s3+$0xA168]  }
.Ltmp47:
0x2ec: {  	_ = 	snop;
	(pc) =	sbr.rel .LBB3_52-.Ltmp47, $2  }
0x2ed: {  	_ =	sdelay $0x2  }
0x2ee: {  	[tilespmem:s4+$0xA168] =	vst.add.f32.msk $0xffff, v0  }
.LBB3_53:
0x2ef: {  	p1 =	slt.s32 s0, $0x1  }
.Ltmp48:
0x2f0: {  	_ = 	snop;
	(pc) =	sbr.rel @p1 .LBB3_57-.Ltmp48, $3  }
0x2f1: {  	_ =	sdelay $0x1  }
0x2f2: {  	s2 =	simm.s32 $0x8  }
0x2f3: {  	[sflag:s2] =	ssyncpa.u1 $0x1;
	s2 =	simm.s32 $0x0  }
0x2f4: {  	s3 =	simm.s32 $0xA118  }
0x2f5: {  	v0 =	vld.msk [tilespmem:s3+$0x0], $0x1;
	_ =	sdelay $0x4  }
0x2f6: {  	(v2sf) =	vpush v0, $0x0;
	_ =	sdelay $0xe  }
0x2f7: {  	s0 =	sadd.s32 $0xFFFFFFFF, s0;
	s4 =	spop (v2sf)  }
0x2f8: {  	p2 =	sne.s32 s0, $0x0;
	p1 =	sgt.u32 s4, $0xC34F8  }
.Ltmp49:
0x2f9: {  	s5 =	sand.u32 @!p1 $0xFFFF8, s4;
	(pc) =	sbr.rel @!p2 .LBB3_56-.Ltmp49, $4  }
0x2fa: {  	s3 =	simm.s32 $0xA138;
	s4 =	sand.u32 @!p1 $0x7, s4;
	s5 =	sadd.s32 @!p1 s1, s5  }
0x2fb: {  	[hbm4b:s5+s4] =	stream.linear.scatter @!p1 [tilespmem:s3], [sflag:$0x7], $0x40, $0x38;
	[tilespmem:$0x1EF88] =	vst v63  }
0x2fc: {  	s5 =	simm.s32 $0x0  }
0x2fd: {  	s4 =	simm.s32 $0xA119;
	s5 =	simm.s32 @!p1 $0x100  }
.LBB3_55:
0x2fe: {  	v0 =	vld.msk [tilespmem:s4+$0x0], $0x1;
	s0 =	sadd.s32 $0xFFFFFFFF, s0;
	s2 =	sadd.s32 s2, s5  }
0x2ff: {  	p1 =	sne.s32 s0, $0x0;
	_ =	sdelay $0x3  }
0x300: {  	(v2sf) =	vpush v0, $0x0;
	_ =	sdelay $0xe  }
.Ltmp50:
0x301: {  	s6 =	spop (v2sf);
	(pc) =	sbr.rel @p1 .LBB3_55-.Ltmp50, $4  }
0x302: {  	s5 =	simm.s32 $0x0;
	p2 =	sgt.u32 s6, $0xC34F8  }
0x303: {  	s3 =	sadd.s32 $0x40, s3;
	s5 =	simm.s32 @!p2 $0x100;
	s7 =	sand.u32 @!p2 $0xFFFF8, s6  }
0x304: {  	s4 =	sadd.s32 $0x1, s4;
	s6 =	sand.u32 @!p2 $0x7, s6;
	s7 =	sadd.s32 @!p2 s1, s7  }
0x305: {  	[hbm4b:s7+s6] =	stream.linear.scatter @!p2 [tilespmem:s3], [sflag:$0x7], $0x40, $0x38;
	[tilespmem:$0x1EF88] =	vst v63  }
.LBB3_56:
0x306: {  	s0 =	sadd.s32 s2, s5  }
0x307: {  	s2 =	sshrl.u32 s0, $0x2  }
.LBB3_57:
0x308: {  	s0 =	simm.s32 $0x7  }
0x309: {  	_ =	swait.ge [sflag:s0], s2  }
0x30a: {  	s1 =	ssub.s32 $0x0, s2;
	[sflag:s0] =	ssyncset.done $0x0  }
0x30b: {  	[sflag:s0] =	ssyncadd.s32 s1  }
0x30c: {  	[sflag:s0] =	ssyncpa.u1 $0x1  }
.LBB3_58:
0x30d: {  	_ =	sfence;
	s0 =	simm.s32 $0x1  }
0x30e: {  	[sflag:s0] =	ssyncpa.u1 $0x1  }
0x30f: {  	_ =	strace $0x9000004A  }
0x310: {  	[bflag:$0x2] =	sbarrier.arrive $0xFFFF  }
0x311: {  	s0 =	rddreg [dreg:$0x3]  }
0x312: {  	s0 =	sadd.s32 @!p0 $0x100000, s0  }
0x313: {  	[sflag:s0] =	ssyncadd.tile.s32 @!p0 $0x1;
	_ =	shalt  }
.Lfunc_end3:
_tile_overlayer_lowered:
.L_overlay_start_3:
0x314: {  	(tag) =	ssettag $0x3  }
0x315: {  	s0 =	rddreg [dreg:$0x0];
	s2 =	stileid.u32  }
0x316: {  	s1 =	rddreg [dreg:$0x1];
	p0 =	sne.s32 s2, $0x0  }
0x317: {  	s3 =	rddreg [dreg:$0x2];
	[bflag:$0x3] =	sbarrier.arrive $0xFFFF;
	s2 =	simm.s32 @!p0 $0x1C01  }
0x318: {  	[timem:s3], [sflag:s2] =	dma.local @!p0 [hbm:s0], s1  }
0x319: {  	s0 =	simm.s32 @!p0 $0x1  }
0x31a: {  	_ =	swait.ge @!p0 [sflag:s0], s1  }
0x31b: {  	s1 =	ssub.s32 @!p0 $0x0, s1;
	[sflag:s0] =	ssyncset.done @!p0 $0x0  }
0x31c: {  	[sflag:s0] =	ssyncadd.s32 @!p0 s1  }
0x31d: {  	[bflag:$0x3] =	sbarrier.arrive $0xFFFF  }
0x31e: {  	_ =	shalt  }

</sc_bundles>
